<compile_context>
chip_gen: v7x
topology: tpu7x:2x2x1
jax: 0.10.2.dev20260603
libtpu: 0.0.44.dev20260713+nightly
codegen_flags: <defaults>
</compile_context>

<pallas_src>
import jax
import jax.numpy as jnp
from jax import lax
from jax.experimental import pallas as pl
from jax.experimental.pallas import tpu as pltpu
from jax.experimental.pallas import tpu_sc as plsc

H = 512
N = H * H
NC, NS, L = 2, 16, 16
NW = NC * NS
CHUNK = N // NW
ROWS = H // NW
VECS = CHUNK // L
NHIST = 9
HB = 256
HALLOC = HB * L
OUTW = NHIST * HB
PX_UNROLL = 4


def _hist_body(inp_hbm, tar_hbm, ma_hbm, mb_hbm, out_hbm,
               inp_v, tar_v, ma_v, mb_v,
               h0, h1, h2, h3, h4, h5, h6, h7, h8, out_v, sem):
    hs = [h0, h1, h2, h3, h4, h5, h6, h7, h8]
    wid = lax.axis_index("s") * NC + lax.axis_index("c")
    r0 = wid * ROWS

    copies = []
    for c in range(3):
        copies.append(pltpu.async_copy(
            inp_hbm.at[0, c, pl.ds(r0, ROWS), :], inp_v.at[c], sem))
        copies.append(pltpu.async_copy(
            tar_hbm.at[0, c, pl.ds(r0, ROWS), :], tar_v.at[c], sem))
    copies.append(pltpu.async_copy(ma_hbm.at[0, 0, pl.ds(r0, ROWS), :],
                                   ma_v, sem))
    copies.append(pltpu.async_copy(mb_hbm.at[0, 0, pl.ds(r0, ROWS), :],
                                   mb_v, sem))

    zeros = jnp.zeros((L,), jnp.float32)

    def zero_body(j, carry):
        for h in hs:
            h[pl.ds(j * L, L)] = zeros
        return carry

    lax.fori_loop(0, HALLOC // L, zero_body, 0)

    for cp in copies:
        cp.wait()

    lane = lax.iota(jnp.int32, L)

    ones = jnp.ones((L,), jnp.float32)

    def px_body(i, carry):
        for u in range(PX_UNROLL):
            g = i * PX_UNROLL + u
            r = g >> 5
            col = (g & 31) * L
            m = ma_v[r, pl.ds(col, L)] > 0.0
            mb = mb_v[r, pl.ds(col, L)] > 0.0
            for c in range(3):
                x = inp_v[c, r, pl.ds(col, L)]
                v = jnp.minimum(jnp.maximum((x + 1.0) * 127.5, 0.0), 255.0)
                idx = v.astype(jnp.int32) * L + lane
                plsc.addupdate_scatter(hs[c], [idx], ones, mask=m)
                plsc.addupdate_scatter(hs[3 + c], [idx], v, mask=m)
                y = tar_v[c, r, pl.ds(col, L)]
                w = jnp.minimum(jnp.maximum((y + 1.0) * 127.5, 0.0), 255.0)
                idx2 = w.astype(jnp.int32) * L + lane
                plsc.addupdate_scatter(hs[6 + c], [idx2], ones, mask=mb)
        return carry

    lax.fori_loop(0, VECS // PX_UNROLL, px_body, 0)

    rotbases = [lane * L + ((lane + l) & (L - 1)) for l in range(L)]

    def red_body(j, carry):
        for k in range(NHIST):
            acc = plsc.load_gather(hs[k], [rotbases[0] + j * (L * L)])
            for l in range(1, L):
                acc = acc + plsc.load_gather(hs[k], [rotbases[l] + j * (L * L)])
            out_v[pl.ds(k * HB + j * L, L)] = acc
        return carry

    lax.fori_loop(0, HB // L, red_body, 0)

    pltpu.sync_copy(out_v, out_hbm.at[pl.ds(wid * OUTW, OUTW)])


def _make_hist_call(interpret=False):
    mesh = plsc.VectorSubcoreMesh(core_axis_name="c", subcore_axis_name="s",
                                  num_cores=NC, num_subcores=NS)
    return pl.kernel(
        _hist_body,
        out_type=jax.ShapeDtypeStruct((NW * OUTW,), jnp.float32),
        mesh=mesh,
        scratch_types=[
            pltpu.VMEM((3, ROWS, H), jnp.float32),
            pltpu.VMEM((3, ROWS, H), jnp.float32),
            pltpu.VMEM((ROWS, H), jnp.float32),
            pltpu.VMEM((ROWS, H), jnp.float32),
        ] + [pltpu.VMEM((HALLOC,), jnp.float32) for _ in range(NHIST)] + [
            pltpu.VMEM((OUTW,), jnp.float32),
            pltpu.SemaphoreType.DMA,
        ],
        compiler_params=pltpu.CompilerParams(needs_layout_passes=False),
        interpret=interpret,
    )


def kernel(input_data, target_data, mask_src, mask_tar):
    parts = _make_hist_call()(input_data, target_data, mask_src, mask_tar)
    hists = parts.reshape(NW, NHIST, HB).sum(axis=0)

    dst_cnt = hists[0:3]
    dst_sum = hists[3:6]
    ref_cnt = hists[6:9]

    cdf_d = jnp.stack([jnp.cumsum(dst_cnt[c] / jnp.sum(dst_cnt[c]))
                       for c in range(3)])
    cdf_r = jnp.stack([jnp.cumsum(ref_cnt[c] / jnp.sum(ref_cnt[c]))
                       for c in range(3)])

    cond = ((cdf_d[:, 1:, None] >= cdf_r[:, None, 0:255])
            & (cdf_d[:, 1:, None] <= cdf_r[:, None, 1:256]))
    any_c = jnp.any(cond, axis=2)
    first_j = jnp.argmax(cond, axis=2) + 1
    vals = jnp.where(any_c, first_j, jnp.arange(1, 256)[None, :])
    table = jnp.concatenate(
        [jnp.zeros((3, 1), vals.dtype), vals], axis=1).at[:, 255].set(255)
    t = table.astype(jnp.float32)

    return jnp.sum(jnp.abs(dst_sum - dst_cnt * t)) / jnp.float32(3 * N)

# --- scband reference (transcript-rebuilt; emitter-appended) ---
"""Pipeline reference for scband-histogram-loss-90958817395096 (READ-ONLY COPY).

The authoritative reference and input builder live on the scoring server;
editing this copy changes nothing except your own understanding.
"""

import jax, jax.numpy as jnp
import numpy as np


def de_norm(x):
    return jnp.clip((x + 1.0) / 2.0, 0.0, 1.0)


def cal_hist_cdf(vals, weights):
    # torch.histc(channel, bins=256, min=0, max=256) then cumulative pdf
    hist, _ = jnp.histogram(vals, bins=256, range=(0.0, 256.0), weights=weights)
    hist = hist.astype(jnp.float32)
    pdf = hist / jnp.sum(hist)
    return jnp.cumsum(pdf)


def cal_trans(ref, adj):
    # table[i] = first j in 1..255 with adj[j-1] <= ref[i] <= adj[j], else i; table[255]=255
    ref_i = ref[1:256][:, None]
    adj_lo = adj[0:255][None, :]
    adj_hi = adj[1:256][None, :]
    cond = (ref_i >= adj_lo) & (ref_i <= adj_hi)
    any_c = jnp.any(cond, axis=1)
    first_j = jnp.argmax(cond, axis=1) + 1
    vals = jnp.where(any_c, first_j, jnp.arange(1, 256))
    table = jnp.concatenate([jnp.array([0]), vals])
    table = table.at[255].set(255)
    return table


def histogram_matching(dstImg, refImg, mask_A, mask_B):
    out = dstImg
    w_A = mask_A.ravel()
    w_B = mask_B.ravel()
    for c in range(3):
        cdf_ref = cal_hist_cdf(refImg[c].ravel(), w_B)
        cdf_dst = cal_hist_cdf(dstImg[c].ravel(), w_A)
        table = cal_trans(cdf_dst, cdf_ref)
        mapped = table[jnp.clip(dstImg[c].astype(jnp.int32), 0, 255)].astype(jnp.float32)
        out = out.at[c].set(jnp.where(mask_A > 0, mapped, dstImg[c]))
    return out


def setup_inputs(seed: int = 0):
    key = jax.random.key(seed)
    k1, k2, k3, k4 = jax.random.split(key, 4)
    H = 512
    input_data = jax.random.normal(k1, (1, 3, H, H), dtype=jnp.float32)
    target_data = jax.random.normal(k2, (1, 3, H, H), dtype=jnp.float32)
    mask_src = jax.random.randint(k3, (1, 1, H, H), 0, 2).astype(jnp.float32)
    mask_tar = jax.random.randint(k4, (1, 1, H, H), 0, 2).astype(jnp.float32)
    return {"input_data": input_data, "target_data": target_data,
            "mask_src": mask_src, "mask_tar": mask_tar}


def reference(input_data, target_data, mask_src, mask_tar):
    H = mask_src.shape[2]
    mask_A = mask_src[0, 0]
    mask_B = mask_tar[0, 0]

    inp = de_norm(input_data)[0] * 255.0   # squeeze -> [3,H,W]
    tar = de_norm(target_data)[0] * 255.0

    m_src = jnp.broadcast_to(mask_A[None], (3, H, H))
    m_tar = jnp.broadcast_to(mask_B[None], (3, H, H))

    input_masked = inp * m_src
    target_masked = tar * m_tar

    input_match = histogram_matching(input_masked, target_masked, mask_A, mask_B)
    input_match = jax.lax.stop_gradient(input_match)

    loss = jnp.mean(jnp.abs(input_masked - input_match))
    return loss

if __name__ == "__main__":
    import jax
    _d = setup_inputs()
    print(jax.jit(kernel)(*tuple(_d.values())))

</pallas_src>

<mosaic_0001>
#map = affine_map<(d0, d1) -> (0, 0, 0, 0)>
#map1 = affine_map<(d0, d1) -> (0)>
module attributes {stable_mosaic.version = 14 : i64} {
  func.func @_hist_body(%arg0: i32, %arg1: i32, %arg2: memref<1x3x512x512xf32, #tpu.memory_space<hbm>>, %arg3: memref<1x3x512x512xf32, #tpu.memory_space<hbm>>, %arg4: memref<1x1x512x512xf32, #tpu.memory_space<hbm>>, %arg5: memref<1x1x512x512xf32, #tpu.memory_space<hbm>>, %arg6: memref<73728xf32, #tpu.memory_space<hbm>>, %arg7: memref<3x16x512xf32, #tpu.memory_space<vmem>>, %arg8: memref<3x16x512xf32, #tpu.memory_space<vmem>>, %arg9: memref<16x512xf32, #tpu.memory_space<vmem>>, %arg10: memref<16x512xf32, #tpu.memory_space<vmem>>, %arg11: memref<4096xf32, #tpu.memory_space<vmem>>, %arg12: memref<4096xf32, #tpu.memory_space<vmem>>, %arg13: memref<4096xf32, #tpu.memory_space<vmem>>, %arg14: memref<4096xf32, #tpu.memory_space<vmem>>, %arg15: memref<4096xf32, #tpu.memory_space<vmem>>, %arg16: memref<4096xf32, #tpu.memory_space<vmem>>, %arg17: memref<4096xf32, #tpu.memory_space<vmem>>, %arg18: memref<4096xf32, #tpu.memory_space<vmem>>, %arg19: memref<4096xf32, #tpu.memory_space<vmem>>, %arg20: memref<2304xf32, #tpu.memory_space<vmem>>, %arg21: memref<!tpu.dma_semaphore, #tpu.memory_space<semaphore_mem>>) attributes {dimension_semantics = [#tpu.dimension_semantics<core_parallel>, #tpu.dimension_semantics<subcore_parallel>], iteration_bounds = array<i64: 2, 16>, scalar_prefetch = 0 : i64, scratch_operands = 15 : i64, tpu.core_type = #tpu.core_type<sc_vector_subcore>, window_params = [{transform_indices = #map}, {transform_indices = #map}, {transform_indices = #map}, {transform_indices = #map}, {transform_indices = #map1}]} {
    %mul3A = arith.constant 2 : i32
    %mul3A_0 = arith.muli %arg1, %mul3A : i32
    %add3A = arith.addi %mul3A_0, %arg0 : i32
    %mul3A_1 = arith.constant 16 : i32
    %mul3A_2 = arith.muli %add3A, %mul3A_1 : i32
    %dma_start3A = arith.constant 0 : i32
    %dma_start3A_3 = arith.constant 0 : i32
    %dma_start3A_4 = arith.constant 0 : i32
    %dma_start3A_5 = arith.constant 0 : i32
    %dma_start3A_6 = arith.constant 0 : i32
    %dma_start3A_7 = tpu.memref_slice %arg7[%dma_start3A_4, %dma_start3A_5, %dma_start3A_6] : memref<3x16x512xf32, #tpu.memory_space<vmem>> -> memref<1x16x512xf32, #tpu.memory_space<vmem>>
    %dma_start3A_8 = tpu.memref_squeeze %dma_start3A_7 : memref<1x16x512xf32, #tpu.memory_space<vmem>> -> memref<16x512xf32, #tpu.memory_space<vmem>>
    %dma_start3A_9 = arith.constant 0 : i32
    %dma_start3A_10 = tpu.memref_slice %arg2[%dma_start3A, %dma_start3A_3, %mul3A_2, %dma_start3A_9] : memref<1x3x512x512xf32, #tpu.memory_space<hbm>> -> memref<1x1x16x512xf32, #tpu.memory_space<hbm>>
    %dma_start3A_11 = tpu.memref_squeeze %dma_start3A_10 : memref<1x1x16x512xf32, #tpu.memory_space<hbm>> -> memref<16x512xf32, #tpu.memory_space<hbm>>
    %dma_start3A_12 = arith.constant 0 : i32
    %dma_start3A_13 = arith.constant 0 : i32
    %dma_start3A_14 = tpu.memref_slice %arg7[%dma_start3A_4, %dma_start3A_12, %dma_start3A_13] : memref<3x16x512xf32, #tpu.memory_space<vmem>> -> memref<1x16x512xf32, #tpu.memory_space<vmem>>
    %dma_start3A_15 = tpu.memref_squeeze %dma_start3A_14 : memref<1x16x512xf32, #tpu.memory_space<vmem>> -> memref<16x512xf32, #tpu.memory_space<vmem>>
    %dma_start3A_16 = arith.constant 0 : i32
    %dma_start3A_17 = tpu.memref_slice %arg2[%dma_start3A, %dma_start3A_3, %mul3A_2, %dma_start3A_16] : memref<1x3x512x512xf32, #tpu.memory_space<hbm>> -> memref<1x1x16x512xf32, #tpu.memory_space<hbm>>
    %dma_start3A_18 = tpu.memref_squeeze %dma_start3A_17 : memref<1x1x16x512xf32, #tpu.memory_space<hbm>> -> memref<16x512xf32, #tpu.memory_space<hbm>>
    tpu.enqueue_dma source(%dma_start3A_18 : memref<16x512xf32, #tpu.memory_space<hbm>>) target(%dma_start3A_15 : memref<16x512xf32, #tpu.memory_space<vmem>>) target_semaphore(%arg21 : memref<!tpu.dma_semaphore, #tpu.memory_space<semaphore_mem>>)
    %dma_start3A_19 = arith.constant 0 : i32
    %dma_start3A_20 = arith.constant 0 : i32
    %dma_start3A_21 = arith.constant 0 : i32
    %dma_start3A_22 = arith.constant 0 : i32
    %dma_start3A_23 = arith.constant 0 : i32
    %dma_start3A_24 = tpu.memref_slice %arg8[%dma_start3A_21, %dma_start3A_22, %dma_start3A_23] : memref<3x16x512xf32, #tpu.memory_space<vmem>> -> memref<1x16x512xf32, #tpu.memory_space<vmem>>
    %dma_start3A_25 = tpu.memref_squeeze %dma_start3A_24 : memref<1x16x512xf32, #tpu.memory_space<vmem>> -> memref<16x512xf32, #tpu.memory_space<vmem>>
    %dma_start3A_26 = arith.constant 0 : i32
    %dma_start3A_27 = tpu.memref_slice %arg3[%dma_start3A_19, %dma_start3A_20, %mul3A_2, %dma_start3A_26] : memref<1x3x512x512xf32, #tpu.memory_space<hbm>> -> memref<1x1x16x512xf32, #tpu.memory_space<hbm>>
    %dma_start3A_28 = tpu.memref_squeeze %dma_start3A_27 : memref<1x1x16x512xf32, #tpu.memory_space<hbm>> -> memref<16x512xf32, #tpu.memory_space<hbm>>
    %dma_start3A_29 = arith.constant 0 : i32
    %dma_start3A_30 = arith.constant 0 : i32
    %dma_start3A_31 = tpu.memref_slice %arg8[%dma_start3A_21, %dma_start3A_29, %dma_start3A_30] : memref<3x16x512xf32, #tpu.memory_space<vmem>> -> memref<1x16x512xf32, #tpu.memory_space<vmem>>
    %dma_start3A_32 = tpu.memref_squeeze %dma_start3A_31 : memref<1x16x512xf32, #tpu.memory_space<vmem>> -> memref<16x512xf32, #tpu.memory_space<vmem>>
    %dma_start3A_33 = arith.constant 0 : i32
    %dma_start3A_34 = tpu.memref_slice %arg3[%dma_start3A_19, %dma_start3A_20, %mul3A_2, %dma_start3A_33] : memref<1x3x512x512xf32, #tpu.memory_space<hbm>> -> memref<1x1x16x512xf32, #tpu.memory_space<hbm>>
    %dma_start3A_35 = tpu.memref_squeeze %dma_start3A_34 : memref<1x1x16x512xf32, #tpu.memory_space<hbm>> -> memref<16x512xf32, #tpu.memory_space<hbm>>
    tpu.enqueue_dma source(%dma_start3A_35 : memref<16x512xf32, #tpu.memory_space<hbm>>) target(%dma_start3A_32 : memref<16x512xf32, #tpu.memory_space<vmem>>) target_semaphore(%arg21 : memref<!tpu.dma_semaphore, #tpu.memory_space<semaphore_mem>>)
    %dma_start3A_36 = arith.constant 0 : i32
    %dma_start3A_37 = arith.constant 1 : i32
    %dma_start3A_38 = arith.constant 1 : i32
    %dma_start3A_39 = arith.constant 0 : i32
    %dma_start3A_40 = arith.constant 0 : i32
    %dma_start3A_41 = tpu.memref_slice %arg7[%dma_start3A_38, %dma_start3A_39, %dma_start3A_40] : memref<3x16x512xf32, #tpu.memory_space<vmem>> -> memref<1x16x512xf32, #tpu.memory_space<vmem>>
    %dma_start3A_42 = tpu.memref_squeeze %dma_start3A_41 : memref<1x16x512xf32, #tpu.memory_space<vmem>> -> memref<16x512xf32, #tpu.memory_space<vmem>>
    %dma_start3A_43 = arith.constant 0 : i32
    %dma_start3A_44 = tpu.memref_slice %arg2[%dma_start3A_36, %dma_start3A_37, %mul3A_2, %dma_start3A_43] : memref<1x3x512x512xf32, #tpu.memory_space<hbm>> -> memref<1x1x16x512xf32, #tpu.memory_space<hbm>>
    %dma_start3A_45 = tpu.memref_squeeze %dma_start3A_44 : memref<1x1x16x512xf32, #tpu.memory_space<hbm>> -> memref<16x512xf32, #tpu.memory_space<hbm>>
    %dma_start3A_46 = arith.constant 0 : i32
    %dma_start3A_47 = arith.constant 0 : i32
    %dma_start3A_48 = tpu.memref_slice %arg7[%dma_start3A_38, %dma_start3A_46, %dma_start3A_47] : memref<3x16x512xf32, #tpu.memory_space<vmem>> -> memref<1x16x512xf32, #tpu.memory_space<vmem>>
    %dma_start3A_49 = tpu.memref_squeeze %dma_start3A_48 : memref<1x16x512xf32, #tpu.memory_space<vmem>> -> memref<16x512xf32, #tpu.memory_space<vmem>>
    %dma_start3A_50 = arith.constant 0 : i32
    %dma_start3A_51 = tpu.memref_slice %arg2[%dma_start3A_36, %dma_start3A_37, %mul3A_2, %dma_start3A_50] : memref<1x3x512x512xf32, #tpu.memory_space<hbm>> -> memref<1x1x16x512xf32, #tpu.memory_space<hbm>>
    %dma_start3A_52 = tpu.memref_squeeze %dma_start3A_51 : memref<1x1x16x512xf32, #tpu.memory_space<hbm>> -> memref<16x512xf32, #tpu.memory_space<hbm>>
    tpu.enqueue_dma source(%dma_start3A_52 : memref<16x512xf32, #tpu.memory_space<hbm>>) target(%dma_start3A_49 : memref<16x512xf32, #tpu.memory_space<vmem>>) target_semaphore(%arg21 : memref<!tpu.dma_semaphore, #tpu.memory_space<semaphore_mem>>)
    %dma_start3A_53 = arith.constant 0 : i32
    %dma_start3A_54 = arith.constant 1 : i32
    %dma_start3A_55 = arith.constant 1 : i32
    %dma_start3A_56 = arith.constant 0 : i32
    %dma_start3A_57 = arith.constant 0 : i32
    %dma_start3A_58 = tpu.memref_slice %arg8[%dma_start3A_55, %dma_start3A_56, %dma_start3A_57] : memref<3x16x512xf32, #tpu.memory_space<vmem>> -> memref<1x16x512xf32, #tpu.memory_space<vmem>>
    %dma_start3A_59 = tpu.memref_squeeze %dma_start3A_58 : memref<1x16x512xf32, #tpu.memory_space<vmem>> -> memref<16x512xf32, #tpu.memory_space<vmem>>
    %dma_start3A_60 = arith.constant 0 : i32
    %dma_start3A_61 = tpu.memref_slice %arg3[%dma_start3A_53, %dma_start3A_54, %mul3A_2, %dma_start3A_60] : memref<1x3x512x512xf32, #tpu.memory_space<hbm>> -> memref<1x1x16x512xf32, #tpu.memory_space<hbm>>
    %dma_start3A_62 = tpu.memref_squeeze %dma_start3A_61 : memref<1x1x16x512xf32, #tpu.memory_space<hbm>> -> memref<16x512xf32, #tpu.memory_space<hbm>>
    %dma_start3A_63 = arith.constant 0 : i32
    %dma_start3A_64 = arith.constant 0 : i32
    %dma_start3A_65 = tpu.memref_slice %arg8[%dma_start3A_55, %dma_start3A_63, %dma_start3A_64] : memref<3x16x512xf32, #tpu.memory_space<vmem>> -> memref<1x16x512xf32, #tpu.memory_space<vmem>>
    %dma_start3A_66 = tpu.memref_squeeze %dma_start3A_65 : memref<1x16x512xf32, #tpu.memory_space<vmem>> -> memref<16x512xf32, #tpu.memory_space<vmem>>
    %dma_start3A_67 = arith.constant 0 : i32
    %dma_start3A_68 = tpu.memref_slice %arg3[%dma_start3A_53, %dma_start3A_54, %mul3A_2, %dma_start3A_67] : memref<1x3x512x512xf32, #tpu.memory_space<hbm>> -> memref<1x1x16x512xf32, #tpu.memory_space<hbm>>
    %dma_start3A_69 = tpu.memref_squeeze %dma_start3A_68 : memref<1x1x16x512xf32, #tpu.memory_space<hbm>> -> memref<16x512xf32, #tpu.memory_space<hbm>>
    tpu.enqueue_dma source(%dma_start3A_69 : memref<16x512xf32, #tpu.memory_space<hbm>>) target(%dma_start3A_66 : memref<16x512xf32, #tpu.memory_space<vmem>>) target_semaphore(%arg21 : memref<!tpu.dma_semaphore, #tpu.memory_space<semaphore_mem>>)
    %dma_start3A_70 = arith.constant 0 : i32
    %dma_start3A_71 = arith.constant 2 : i32
    %dma_start3A_72 = arith.constant 2 : i32
    %dma_start3A_73 = arith.constant 0 : i32
    %dma_start3A_74 = arith.constant 0 : i32
    %dma_start3A_75 = tpu.memref_slice %arg7[%dma_start3A_72, %dma_start3A_73, %dma_start3A_74] : memref<3x16x512xf32, #tpu.memory_space<vmem>> -> memref<1x16x512xf32, #tpu.memory_space<vmem>>
    %dma_start3A_76 = tpu.memref_squeeze %dma_start3A_75 : memref<1x16x512xf32, #tpu.memory_space<vmem>> -> memref<16x512xf32, #tpu.memory_space<vmem>>
    %dma_start3A_77 = arith.constant 0 : i32
    %dma_start3A_78 = tpu.memref_slice %arg2[%dma_start3A_70, %dma_start3A_71, %mul3A_2, %dma_start3A_77] : memref<1x3x512x512xf32, #tpu.memory_space<hbm>> -> memref<1x1x16x512xf32, #tpu.memory_space<hbm>>
    %dma_start3A_79 = tpu.memref_squeeze %dma_start3A_78 : memref<1x1x16x512xf32, #tpu.memory_space<hbm>> -> memref<16x512xf32, #tpu.memory_space<hbm>>
    %dma_start3A_80 = arith.constant 0 : i32
    %dma_start3A_81 = arith.constant 0 : i32
    %dma_start3A_82 = tpu.memref_slice %arg7[%dma_start3A_72, %dma_start3A_80, %dma_start3A_81] : memref<3x16x512xf32, #tpu.memory_space<vmem>> -> memref<1x16x512xf32, #tpu.memory_space<vmem>>
    %dma_start3A_83 = tpu.memref_squeeze %dma_start3A_82 : memref<1x16x512xf32, #tpu.memory_space<vmem>> -> memref<16x512xf32, #tpu.memory_space<vmem>>
    %dma_start3A_84 = arith.constant 0 : i32
    %dma_start3A_85 = tpu.memref_slice %arg2[%dma_start3A_70, %dma_start3A_71, %mul3A_2, %dma_start3A_84] : memref<1x3x512x512xf32, #tpu.memory_space<hbm>> -> memref<1x1x16x512xf32, #tpu.memory_space<hbm>>
    %dma_start3A_86 = tpu.memref_squeeze %dma_start3A_85 : memref<1x1x16x512xf32, #tpu.memory_space<hbm>> -> memref<16x512xf32, #tpu.memory_space<hbm>>
    tpu.enqueue_dma source(%dma_start3A_86 : memref<16x512xf32, #tpu.memory_space<hbm>>) target(%dma_start3A_83 : memref<16x512xf32, #tpu.memory_space<vmem>>) target_semaphore(%arg21 : memref<!tpu.dma_semaphore, #tpu.memory_space<semaphore_mem>>)
    %dma_start3A_87 = arith.constant 0 : i32
    %dma_start3A_88 = arith.constant 2 : i32
    %dma_start3A_89 = arith.constant 2 : i32
    %dma_start3A_90 = arith.constant 0 : i32
    %dma_start3A_91 = arith.constant 0 : i32
    %dma_start3A_92 = tpu.memref_slice %arg8[%dma_start3A_89, %dma_start3A_90, %dma_start3A_91] : memref<3x16x512xf32, #tpu.memory_space<vmem>> -> memref<1x16x512xf32, #tpu.memory_space<vmem>>
    %dma_start3A_93 = tpu.memref_squeeze %dma_start3A_92 : memref<1x16x512xf32, #tpu.memory_space<vmem>> -> memref<16x512xf32, #tpu.memory_space<vmem>>
    %dma_start3A_94 = arith.constant 0 : i32
    %dma_start3A_95 = tpu.memref_slice %arg3[%dma_start3A_87, %dma_start3A_88, %mul3A_2, %dma_start3A_94] : memref<1x3x512x512xf32, #tpu.memory_space<hbm>> -> memref<1x1x16x512xf32, #tpu.memory_space<hbm>>
    %dma_start3A_96 = tpu.memref_squeeze %dma_start3A_95 : memref<1x1x16x512xf32, #tpu.memory_space<hbm>> -> memref<16x512xf32, #tpu.memory_space<hbm>>
    %dma_start3A_97 = arith.constant 0 : i32
    %dma_start3A_98 = arith.constant 0 : i32
    %dma_start3A_99 = tpu.memref_slice %arg8[%dma_start3A_89, %dma_start3A_97, %dma_start3A_98] : memref<3x16x512xf32, #tpu.memory_space<vmem>> -> memref<1x16x512xf32, #tpu.memory_space<vmem>>
    %dma_start3A_100 = tpu.memref_squeeze %dma_start3A_99 : memref<1x16x512xf32, #tpu.memory_space<vmem>> -> memref<16x512xf32, #tpu.memory_space<vmem>>
    %dma_start3A_101 = arith.constant 0 : i32
    %dma_start3A_102 = tpu.memref_slice %arg3[%dma_start3A_87, %dma_start3A_88, %mul3A_2, %dma_start3A_101] : memref<1x3x512x512xf32, #tpu.memory_space<hbm>> -> memref<1x1x16x512xf32, #tpu.memory_space<hbm>>
    %dma_start3A_103 = tpu.memref_squeeze %dma_start3A_102 : memref<1x1x16x512xf32, #tpu.memory_space<hbm>> -> memref<16x512xf32, #tpu.memory_space<hbm>>
    tpu.enqueue_dma source(%dma_start3A_103 : memref<16x512xf32, #tpu.memory_space<hbm>>) target(%dma_start3A_100 : memref<16x512xf32, #tpu.memory_space<vmem>>) target_semaphore(%arg21 : memref<!tpu.dma_semaphore, #tpu.memory_space<semaphore_mem>>)
    %dma_start3A_104 = arith.constant 0 : i32
    %dma_start3A_105 = arith.constant 0 : i32
    %dma_start3A_106 = arith.constant 0 : i32
    %dma_start3A_107 = tpu.memref_slice %arg4[%dma_start3A_104, %dma_start3A_105, %mul3A_2, %dma_start3A_106] : memref<1x1x512x512xf32, #tpu.memory_space<hbm>> -> memref<1x1x16x512xf32, #tpu.memory_space<hbm>>
    %dma_start3A_108 = tpu.memref_squeeze %dma_start3A_107 : memref<1x1x16x512xf32, #tpu.memory_space<hbm>> -> memref<16x512xf32, #tpu.memory_space<hbm>>
    %dma_start3A_109 = arith.constant 0 : i32
    %dma_start3A_110 = tpu.memref_slice %arg4[%dma_start3A_104, %dma_start3A_105, %mul3A_2, %dma_start3A_109] : memref<1x1x512x512xf32, #tpu.memory_space<hbm>> -> memref<1x1x16x512xf32, #tpu.memory_space<hbm>>
    %dma_start3A_111 = tpu.memref_squeeze %dma_start3A_110 : memref<1x1x16x512xf32, #tpu.memory_space<hbm>> -> memref<16x512xf32, #tpu.memory_space<hbm>>
    tpu.enqueue_dma source(%dma_start3A_111 : memref<16x512xf32, #tpu.memory_space<hbm>>) target(%arg9 : memref<16x512xf32, #tpu.memory_space<vmem>>) target_semaphore(%arg21 : memref<!tpu.dma_semaphore, #tpu.memory_space<semaphore_mem>>)
    %dma_start3A_112 = arith.constant 0 : i32
    %dma_start3A_113 = arith.constant 0 : i32
    %dma_start3A_114 = arith.constant 0 : i32
    %dma_start3A_115 = tpu.memref_slice %arg5[%dma_start3A_112, %dma_start3A_113, %mul3A_2, %dma_start3A_114] : memref<1x1x512x512xf32, #tpu.memory_space<hbm>> -> memref<1x1x16x512xf32, #tpu.memory_space<hbm>>
    %dma_start3A_116 = tpu.memref_squeeze %dma_start3A_115 : memref<1x1x16x512xf32, #tpu.memory_space<hbm>> -> memref<16x512xf32, #tpu.memory_space<hbm>>
    %dma_start3A_117 = arith.constant 0 : i32
    %dma_start3A_118 = tpu.memref_slice %arg5[%dma_start3A_112, %dma_start3A_113, %mul3A_2, %dma_start3A_117] : memref<1x1x512x512xf32, #tpu.memory_space<hbm>> -> memref<1x1x16x512xf32, #tpu.memory_space<hbm>>
    %dma_start3A_119 = tpu.memref_squeeze %dma_start3A_118 : memref<1x1x16x512xf32, #tpu.memory_space<hbm>> -> memref<16x512xf32, #tpu.memory_space<hbm>>
    tpu.enqueue_dma source(%dma_start3A_119 : memref<16x512xf32, #tpu.memory_space<hbm>>) target(%arg10 : memref<16x512xf32, #tpu.memory_space<vmem>>) target_semaphore(%arg21 : memref<!tpu.dma_semaphore, #tpu.memory_space<semaphore_mem>>)
    %broadcast_in_dim3A = arith.constant 0.000000e+00 : f32
    %broadcast_in_dim3A_120 = vector.broadcast %broadcast_in_dim3A : f32 to vector<16xf32>
    %scan3A = arith.constant 0 : i32
    %scan3A_121 = arith.constant 0 : i32
    %scan3A_122 = arith.constant 256 : i32
    %scan3A_123 = arith.addi %scan3A_121, %scan3A_122 : i32
    %scan3A_124 = arith.constant 1 : i32
    scf.for %scan3A_418 = %scan3A_121 to %scan3A_123 step %scan3A_124  : i32 {
      %mul3A_419 = arith.constant 16 : i32
      %mul3A_420 = arith.muli %scan3A_418, %mul3A_419 : i32
      %swap3A = arith.index_cast %mul3A_420 : i32 to index
      %swap3A_421 = tpu.vector_load %arg11[%swap3A] {strides = array<i32>} : memref<4096xf32, #tpu.memory_space<vmem>>, vector<16xf32>,
      tpu.vector_store %arg11[%swap3A], %broadcast_in_dim3A_120 {strides = array<i32>} : memref<4096xf32, #tpu.memory_space<vmem>>, vector<16xf32>,
      %mul3A_422 = arith.constant 16 : i32
      %mul3A_423 = arith.muli %scan3A_418, %mul3A_422 : i32
      %swap3A_424 = arith.index_cast %mul3A_423 : i32 to index
      %swap3A_425 = tpu.vector_load %arg12[%swap3A_424] {strides = array<i32>} : memref<4096xf32, #tpu.memory_space<vmem>>, vector<16xf32>,
      tpu.vector_store %arg12[%swap3A_424], %broadcast_in_dim3A_120 {strides = array<i32>} : memref<4096xf32, #tpu.memory_space<vmem>>, vector<16xf32>,
      %mul3A_426 = arith.constant 16 : i32
      %mul3A_427 = arith.muli %scan3A_418, %mul3A_426 : i32
      %swap3A_428 = arith.index_cast %mul3A_427 : i32 to index
      %swap3A_429 = tpu.vector_load %arg13[%swap3A_428] {strides = array<i32>} : memref<4096xf32, #tpu.memory_space<vmem>>, vector<16xf32>,
      tpu.vector_store %arg13[%swap3A_428], %broadcast_in_dim3A_120 {strides = array<i32>} : memref<4096xf32, #tpu.memory_space<vmem>>, vector<16xf32>,
      %mul3A_430 = arith.constant 16 : i32
      %mul3A_431 = arith.muli %scan3A_418, %mul3A_430 : i32
      %swap3A_432 = arith.index_cast %mul3A_431 : i32 to index
      %swap3A_433 = tpu.vector_load %arg14[%swap3A_432] {strides = array<i32>} : memref<4096xf32, #tpu.memory_space<vmem>>, vector<16xf32>,
      tpu.vector_store %arg14[%swap3A_432], %broadcast_in_dim3A_120 {strides = array<i32>} : memref<4096xf32, #tpu.memory_space<vmem>>, vector<16xf32>,
      %mul3A_434 = arith.constant 16 : i32
      %mul3A_435 = arith.muli %scan3A_418, %mul3A_434 : i32
      %swap3A_436 = arith.index_cast %mul3A_435 : i32 to index
      %swap3A_437 = tpu.vector_load %arg15[%swap3A_436] {strides = array<i32>} : memref<4096xf32, #tpu.memory_space<vmem>>, vector<16xf32>,
      tpu.vector_store %arg15[%swap3A_436], %broadcast_in_dim3A_120 {strides = array<i32>} : memref<4096xf32, #tpu.memory_space<vmem>>, vector<16xf32>,
      %mul3A_438 = arith.constant 16 : i32
      %mul3A_439 = arith.muli %scan3A_418, %mul3A_438 : i32
      %swap3A_440 = arith.index_cast %mul3A_439 : i32 to index
      %swap3A_441 = tpu.vector_load %arg16[%swap3A_440] {strides = array<i32>} : memref<4096xf32, #tpu.memory_space<vmem>>, vector<16xf32>,
      tpu.vector_store %arg16[%swap3A_440], %broadcast_in_dim3A_120 {strides = array<i32>} : memref<4096xf32, #tpu.memory_space<vmem>>, vector<16xf32>,
      %mul3A_442 = arith.constant 16 : i32
      %mul3A_443 = arith.muli %scan3A_418, %mul3A_442 : i32
      %swap3A_444 = arith.index_cast %mul3A_443 : i32 to index
      %swap3A_445 = tpu.vector_load %arg17[%swap3A_444] {strides = array<i32>} : memref<4096xf32, #tpu.memory_space<vmem>>, vector<16xf32>,
      tpu.vector_store %arg17[%swap3A_444], %broadcast_in_dim3A_120 {strides = array<i32>} : memref<4096xf32, #tpu.memory_space<vmem>>, vector<16xf32>,
      %mul3A_446 = arith.constant 16 : i32
      %mul3A_447 = arith.muli %scan3A_418, %mul3A_446 : i32
      %swap3A_448 = arith.index_cast %mul3A_447 : i32 to index
      %swap3A_449 = tpu.vector_load %arg18[%swap3A_448] {strides = array<i32>} : memref<4096xf32, #tpu.memory_space<vmem>>, vector<16xf32>,
      tpu.vector_store %arg18[%swap3A_448], %broadcast_in_dim3A_120 {strides = array<i32>} : memref<4096xf32, #tpu.memory_space<vmem>>, vector<16xf32>,
      %mul3A_450 = arith.constant 16 : i32
      %mul3A_451 = arith.muli %scan3A_418, %mul3A_450 : i32
      %swap3A_452 = arith.index_cast %mul3A_451 : i32 to index
      %swap3A_453 = tpu.vector_load %arg19[%swap3A_452] {strides = array<i32>} : memref<4096xf32, #tpu.memory_space<vmem>>, vector<16xf32>,
      tpu.vector_store %arg19[%swap3A_452], %broadcast_in_dim3A_120 {strides = array<i32>} : memref<4096xf32, #tpu.memory_space<vmem>>, vector<16xf32>,
    }
    %scan3A_125 = arith.constant 256 : i32
    %dma_wait3A = arith.constant 0 : i32
    %dma_wait3A_126 = arith.constant 0 : i32
    %dma_wait3A_127 = arith.constant 0 : i32
    %dma_wait3A_128 = arith.constant 0 : i32
    %dma_wait3A_129 = arith.constant 0 : i32
    %dma_wait3A_130 = tpu.memref_slice %arg7[%dma_wait3A_127, %dma_wait3A_128, %dma_wait3A_129] : memref<3x16x512xf32, #tpu.memory_space<vmem>> -> memref<1x16x512xf32, #tpu.memory_space<vmem>>
    %dma_wait3A_131 = tpu.memref_squeeze %dma_wait3A_130 : memref<1x16x512xf32, #tpu.memory_space<vmem>> -> memref<16x512xf32, #tpu.memory_space<vmem>>
    %dma_wait3A_132 = arith.constant 0 : i32
    %dma_wait3A_133 = tpu.memref_slice %arg2[%dma_wait3A, %dma_wait3A_126, %mul3A_2, %dma_wait3A_132] : memref<1x3x512x512xf32, #tpu.memory_space<hbm>> -> memref<1x1x16x512xf32, #tpu.memory_space<hbm>>
    %dma_wait3A_134 = tpu.memref_squeeze %dma_wait3A_133 : memref<1x1x16x512xf32, #tpu.memory_space<hbm>> -> memref<16x512xf32, #tpu.memory_space<hbm>>
    %dma_wait3A_135 = arith.constant 0 : i32
    %dma_wait3A_136 = arith.constant 0 : i32
    %dma_wait3A_137 = tpu.memref_slice %arg7[%dma_wait3A_127, %dma_wait3A_135, %dma_wait3A_136] : memref<3x16x512xf32, #tpu.memory_space<vmem>> -> memref<1x16x512xf32, #tpu.memory_space<vmem>>
    %dma_wait3A_138 = tpu.memref_squeeze %dma_wait3A_137 : memref<1x16x512xf32, #tpu.memory_space<vmem>> -> memref<16x512xf32, #tpu.memory_space<vmem>>
    %dma_wait3A_139 = arith.constant 0 : i32
    %dma_wait3A_140 = tpu.memref_slice %arg2[%dma_wait3A, %dma_wait3A_126, %mul3A_2, %dma_wait3A_139] : memref<1x3x512x512xf32, #tpu.memory_space<hbm>> -> memref<1x1x16x512xf32, #tpu.memory_space<hbm>>
    %dma_wait3A_141 = tpu.memref_squeeze %dma_wait3A_140 : memref<1x1x16x512xf32, #tpu.memory_space<hbm>> -> memref<16x512xf32, #tpu.memory_space<hbm>>
    tpu.wait_dma2 semaphore(%arg21 : memref<!tpu.dma_semaphore, #tpu.memory_space<semaphore_mem>>) src(%dma_wait3A_141 : memref<16x512xf32, #tpu.memory_space<hbm>>) dst(%dma_wait3A_138 : memref<16x512xf32, #tpu.memory_space<vmem>>)
    %dma_wait3A_142 = arith.constant 0 : i32
    %dma_wait3A_143 = arith.constant 0 : i32
    %dma_wait3A_144 = arith.constant 0 : i32
    %dma_wait3A_145 = arith.constant 0 : i32
    %dma_wait3A_146 = arith.constant 0 : i32
    %dma_wait3A_147 = tpu.memref_slice %arg8[%dma_wait3A_144, %dma_wait3A_145, %dma_wait3A_146] : memref<3x16x512xf32, #tpu.memory_space<vmem>> -> memref<1x16x512xf32, #tpu.memory_space<vmem>>
    %dma_wait3A_148 = tpu.memref_squeeze %dma_wait3A_147 : memref<1x16x512xf32, #tpu.memory_space<vmem>> -> memref<16x512xf32, #tpu.memory_space<vmem>>
    %dma_wait3A_149 = arith.constant 0 : i32
    %dma_wait3A_150 = tpu.memref_slice %arg3[%dma_wait3A_142, %dma_wait3A_143, %mul3A_2, %dma_wait3A_149] : memref<1x3x512x512xf32, #tpu.memory_space<hbm>> -> memref<1x1x16x512xf32, #tpu.memory_space<hbm>>
    %dma_wait3A_151 = tpu.memref_squeeze %dma_wait3A_150 : memref<1x1x16x512xf32, #tpu.memory_space<hbm>> -> memref<16x512xf32, #tpu.memory_space<hbm>>
    %dma_wait3A_152 = arith.constant 0 : i32
    %dma_wait3A_153 = arith.constant 0 : i32
    %dma_wait3A_154 = tpu.memref_slice %arg8[%dma_wait3A_144, %dma_wait3A_152, %dma_wait3A_153] : memref<3x16x512xf32, #tpu.memory_space<vmem>> -> memref<1x16x512xf32, #tpu.memory_space<vmem>>
    %dma_wait3A_155 = tpu.memref_squeeze %dma_wait3A_154 : memref<1x16x512xf32, #tpu.memory_space<vmem>> -> memref<16x512xf32, #tpu.memory_space<vmem>>
    %dma_wait3A_156 = arith.constant 0 : i32
    %dma_wait3A_157 = tpu.memref_slice %arg3[%dma_wait3A_142, %dma_wait3A_143, %mul3A_2, %dma_wait3A_156] : memref<1x3x512x512xf32, #tpu.memory_space<hbm>> -> memref<1x1x16x512xf32, #tpu.memory_space<hbm>>
    %dma_wait3A_158 = tpu.memref_squeeze %dma_wait3A_157 : memref<1x1x16x512xf32, #tpu.memory_space<hbm>> -> memref<16x512xf32, #tpu.memory_space<hbm>>
    tpu.wait_dma2 semaphore(%arg21 : memref<!tpu.dma_semaphore, #tpu.memory_space<semaphore_mem>>) src(%dma_wait3A_158 : memref<16x512xf32, #tpu.memory_space<hbm>>) dst(%dma_wait3A_155 : memref<16x512xf32, #tpu.memory_space<vmem>>)
    %dma_wait3A_159 = arith.constant 0 : i32
    %dma_wait3A_160 = arith.constant 1 : i32
    %dma_wait3A_161 = arith.constant 1 : i32
    %dma_wait3A_162 = arith.constant 0 : i32
    %dma_wait3A_163 = arith.constant 0 : i32
    %dma_wait3A_164 = tpu.memref_slice %arg7[%dma_wait3A_161, %dma_wait3A_162, %dma_wait3A_163] : memref<3x16x512xf32, #tpu.memory_space<vmem>> -> memref<1x16x512xf32, #tpu.memory_space<vmem>>
    %dma_wait3A_165 = tpu.memref_squeeze %dma_wait3A_164 : memref<1x16x512xf32, #tpu.memory_space<vmem>> -> memref<16x512xf32, #tpu.memory_space<vmem>>
    %dma_wait3A_166 = arith.constant 0 : i32
    %dma_wait3A_167 = tpu.memref_slice %arg2[%dma_wait3A_159, %dma_wait3A_160, %mul3A_2, %dma_wait3A_166] : memref<1x3x512x512xf32, #tpu.memory_space<hbm>> -> memref<1x1x16x512xf32, #tpu.memory_space<hbm>>
    %dma_wait3A_168 = tpu.memref_squeeze %dma_wait3A_167 : memref<1x1x16x512xf32, #tpu.memory_space<hbm>> -> memref<16x512xf32, #tpu.memory_space<hbm>>
    %dma_wait3A_169 = arith.constant 0 : i32
    %dma_wait3A_170 = arith.constant 0 : i32
    %dma_wait3A_171 = tpu.memref_slice %arg7[%dma_wait3A_161, %dma_wait3A_169, %dma_wait3A_170] : memref<3x16x512xf32, #tpu.memory_space<vmem>> -> memref<1x16x512xf32, #tpu.memory_space<vmem>>
    %dma_wait3A_172 = tpu.memref_squeeze %dma_wait3A_171 : memref<1x16x512xf32, #tpu.memory_space<vmem>> -> memref<16x512xf32, #tpu.memory_space<vmem>>
    %dma_wait3A_173 = arith.constant 0 : i32
    %dma_wait3A_174 = tpu.memref_slice %arg2[%dma_wait3A_159, %dma_wait3A_160, %mul3A_2, %dma_wait3A_173] : memref<1x3x512x512xf32, #tpu.memory_space<hbm>> -> memref<1x1x16x512xf32, #tpu.memory_space<hbm>>
    %dma_wait3A_175 = tpu.memref_squeeze %dma_wait3A_174 : memref<1x1x16x512xf32, #tpu.memory_space<hbm>> -> memref<16x512xf32, #tpu.memory_space<hbm>>
    tpu.wait_dma2 semaphore(%arg21 : memref<!tpu.dma_semaphore, #tpu.memory_space<semaphore_mem>>) src(%dma_wait3A_175 : memref<16x512xf32, #tpu.memory_space<hbm>>) dst(%dma_wait3A_172 : memref<16x512xf32, #tpu.memory_space<vmem>>)
    %dma_wait3A_176 = arith.constant 0 : i32
    %dma_wait3A_177 = arith.constant 1 : i32
    %dma_wait3A_178 = arith.constant 1 : i32
    %dma_wait3A_179 = arith.constant 0 : i32
    %dma_wait3A_180 = arith.constant 0 : i32
    %dma_wait3A_181 = tpu.memref_slice %arg8[%dma_wait3A_178, %dma_wait3A_179, %dma_wait3A_180] : memref<3x16x512xf32, #tpu.memory_space<vmem>> -> memref<1x16x512xf32, #tpu.memory_space<vmem>>
    %dma_wait3A_182 = tpu.memref_squeeze %dma_wait3A_181 : memref<1x16x512xf32, #tpu.memory_space<vmem>> -> memref<16x512xf32, #tpu.memory_space<vmem>>
    %dma_wait3A_183 = arith.constant 0 : i32
    %dma_wait3A_184 = tpu.memref_slice %arg3[%dma_wait3A_176, %dma_wait3A_177, %mul3A_2, %dma_wait3A_183] : memref<1x3x512x512xf32, #tpu.memory_space<hbm>> -> memref<1x1x16x512xf32, #tpu.memory_space<hbm>>
    %dma_wait3A_185 = tpu.memref_squeeze %dma_wait3A_184 : memref<1x1x16x512xf32, #tpu.memory_space<hbm>> -> memref<16x512xf32, #tpu.memory_space<hbm>>
    %dma_wait3A_186 = arith.constant 0 : i32
    %dma_wait3A_187 = arith.constant 0 : i32
    %dma_wait3A_188 = tpu.memref_slice %arg8[%dma_wait3A_178, %dma_wait3A_186, %dma_wait3A_187] : memref<3x16x512xf32, #tpu.memory_space<vmem>> -> memref<1x16x512xf32, #tpu.memory_space<vmem>>
    %dma_wait3A_189 = tpu.memref_squeeze %dma_wait3A_188 : memref<1x16x512xf32, #tpu.memory_space<vmem>> -> memref<16x512xf32, #tpu.memory_space<vmem>>
    %dma_wait3A_190 = arith.constant 0 : i32
    %dma_wait3A_191 = tpu.memref_slice %arg3[%dma_wait3A_176, %dma_wait3A_177, %mul3A_2, %dma_wait3A_190] : memref<1x3x512x512xf32, #tpu.memory_space<hbm>> -> memref<1x1x16x512xf32, #tpu.memory_space<hbm>>
    %dma_wait3A_192 = tpu.memref_squeeze %dma_wait3A_191 : memref<1x1x16x512xf32, #tpu.memory_space<hbm>> -> memref<16x512xf32, #tpu.memory_space<hbm>>
    tpu.wait_dma2 semaphore(%arg21 : memref<!tpu.dma_semaphore, #tpu.memory_space<semaphore_mem>>) src(%dma_wait3A_192 : memref<16x512xf32, #tpu.memory_space<hbm>>) dst(%dma_wait3A_189 : memref<16x512xf32, #tpu.memory_space<vmem>>)
    %dma_wait3A_193 = arith.constant 0 : i32
    %dma_wait3A_194 = arith.constant 2 : i32
    %dma_wait3A_195 = arith.constant 2 : i32
    %dma_wait3A_196 = arith.constant 0 : i32
    %dma_wait3A_197 = arith.constant 0 : i32
    %dma_wait3A_198 = tpu.memref_slice %arg7[%dma_wait3A_195, %dma_wait3A_196, %dma_wait3A_197] : memref<3x16x512xf32, #tpu.memory_space<vmem>> -> memref<1x16x512xf32, #tpu.memory_space<vmem>>
    %dma_wait3A_199 = tpu.memref_squeeze %dma_wait3A_198 : memref<1x16x512xf32, #tpu.memory_space<vmem>> -> memref<16x512xf32, #tpu.memory_space<vmem>>
    %dma_wait3A_200 = arith.constant 0 : i32
    %dma_wait3A_201 = tpu.memref_slice %arg2[%dma_wait3A_193, %dma_wait3A_194, %mul3A_2, %dma_wait3A_200] : memref<1x3x512x512xf32, #tpu.memory_space<hbm>> -> memref<1x1x16x512xf32, #tpu.memory_space<hbm>>
    %dma_wait3A_202 = tpu.memref_squeeze %dma_wait3A_201 : memref<1x1x16x512xf32, #tpu.memory_space<hbm>> -> memref<16x512xf32, #tpu.memory_space<hbm>>
    %dma_wait3A_203 = arith.constant 0 : i32
    %dma_wait3A_204 = arith.constant 0 : i32
    %dma_wait3A_205 = tpu.memref_slice %arg7[%dma_wait3A_195, %dma_wait3A_203, %dma_wait3A_204] : memref<3x16x512xf32, #tpu.memory_space<vmem>> -> memref<1x16x512xf32, #tpu.memory_space<vmem>>
    %dma_wait3A_206 = tpu.memref_squeeze %dma_wait3A_205 : memref<1x16x512xf32, #tpu.memory_space<vmem>> -> memref<16x512xf32, #tpu.memory_space<vmem>>
    %dma_wait3A_207 = arith.constant 0 : i32
    %dma_wait3A_208 = tpu.memref_slice %arg2[%dma_wait3A_193, %dma_wait3A_194, %mul3A_2, %dma_wait3A_207] : memref<1x3x512x512xf32, #tpu.memory_space<hbm>> -> memref<1x1x16x512xf32, #tpu.memory_space<hbm>>
    %dma_wait3A_209 = tpu.memref_squeeze %dma_wait3A_208 : memref<1x1x16x512xf32, #tpu.memory_space<hbm>> -> memref<16x512xf32, #tpu.memory_space<hbm>>
    tpu.wait_dma2 semaphore(%arg21 : memref<!tpu.dma_semaphore, #tpu.memory_space<semaphore_mem>>) src(%dma_wait3A_209 : memref<16x512xf32, #tpu.memory_space<hbm>>) dst(%dma_wait3A_206 : memref<16x512xf32, #tpu.memory_space<vmem>>)
    %dma_wait3A_210 = arith.constant 0 : i32
    %dma_wait3A_211 = arith.constant 2 : i32
    %dma_wait3A_212 = arith.constant 2 : i32
    %dma_wait3A_213 = arith.constant 0 : i32
    %dma_wait3A_214 = arith.constant 0 : i32
    %dma_wait3A_215 = tpu.memref_slice %arg8[%dma_wait3A_212, %dma_wait3A_213, %dma_wait3A_214] : memref<3x16x512xf32, #tpu.memory_space<vmem>> -> memref<1x16x512xf32, #tpu.memory_space<vmem>>
    %dma_wait3A_216 = tpu.memref_squeeze %dma_wait3A_215 : memref<1x16x512xf32, #tpu.memory_space<vmem>> -> memref<16x512xf32, #tpu.memory_space<vmem>>
    %dma_wait3A_217 = arith.constant 0 : i32
    %dma_wait3A_218 = tpu.memref_slice %arg3[%dma_wait3A_210, %dma_wait3A_211, %mul3A_2, %dma_wait3A_217] : memref<1x3x512x512xf32, #tpu.memory_space<hbm>> -> memref<1x1x16x512xf32, #tpu.memory_space<hbm>>
    %dma_wait3A_219 = tpu.memref_squeeze %dma_wait3A_218 : memref<1x1x16x512xf32, #tpu.memory_space<hbm>> -> memref<16x512xf32, #tpu.memory_space<hbm>>
    %dma_wait3A_220 = arith.constant 0 : i32
    %dma_wait3A_221 = arith.constant 0 : i32
    %dma_wait3A_222 = tpu.memref_slice %arg8[%dma_wait3A_212, %dma_wait3A_220, %dma_wait3A_221] : memref<3x16x512xf32, #tpu.memory_space<vmem>> -> memref<1x16x512xf32, #tpu.memory_space<vmem>>
    %dma_wait3A_223 = tpu.memref_squeeze %dma_wait3A_222 : memref<1x16x512xf32, #tpu.memory_space<vmem>> -> memref<16x512xf32, #tpu.memory_space<vmem>>
    %dma_wait3A_224 = arith.constant 0 : i32
    %dma_wait3A_225 = tpu.memref_slice %arg3[%dma_wait3A_210, %dma_wait3A_211, %mul3A_2, %dma_wait3A_224] : memref<1x3x512x512xf32, #tpu.memory_space<hbm>> -> memref<1x1x16x512xf32, #tpu.memory_space<hbm>>
    %dma_wait3A_226 = tpu.memref_squeeze %dma_wait3A_225 : memref<1x1x16x512xf32, #tpu.memory_space<hbm>> -> memref<16x512xf32, #tpu.memory_space<hbm>>
    tpu.wait_dma2 semaphore(%arg21 : memref<!tpu.dma_semaphore, #tpu.memory_space<semaphore_mem>>) src(%dma_wait3A_226 : memref<16x512xf32, #tpu.memory_space<hbm>>) dst(%dma_wait3A_223 : memref<16x512xf32, #tpu.memory_space<vmem>>)
    %dma_wait3A_227 = arith.constant 0 : i32
    %dma_wait3A_228 = arith.constant 0 : i32
    %dma_wait3A_229 = arith.constant 0 : i32
    %dma_wait3A_230 = tpu.memref_slice %arg4[%dma_wait3A_227, %dma_wait3A_228, %mul3A_2, %dma_wait3A_229] : memref<1x1x512x512xf32, #tpu.memory_space<hbm>> -> memref<1x1x16x512xf32, #tpu.memory_space<hbm>>
    %dma_wait3A_231 = tpu.memref_squeeze %dma_wait3A_230 : memref<1x1x16x512xf32, #tpu.memory_space<hbm>> -> memref<16x512xf32, #tpu.memory_space<hbm>>
    %dma_wait3A_232 = arith.constant 0 : i32
    %dma_wait3A_233 = tpu.memref_slice %arg4[%dma_wait3A_227, %dma_wait3A_228, %mul3A_2, %dma_wait3A_232] : memref<1x1x512x512xf32, #tpu.memory_space<hbm>> -> memref<1x1x16x512xf32, #tpu.memory_space<hbm>>
    %dma_wait3A_234 = tpu.memref_squeeze %dma_wait3A_233 : memref<1x1x16x512xf32, #tpu.memory_space<hbm>> -> memref<16x512xf32, #tpu.memory_space<hbm>>
    tpu.wait_dma2 semaphore(%arg21 : memref<!tpu.dma_semaphore, #tpu.memory_space<semaphore_mem>>) src(%dma_wait3A_234 : memref<16x512xf32, #tpu.memory_space<hbm>>) dst(%arg9 : memref<16x512xf32, #tpu.memory_space<vmem>>)
    %dma_wait3A_235 = arith.constant 0 : i32
    %dma_wait3A_236 = arith.constant 0 : i32
    %dma_wait3A_237 = arith.constant 0 : i32
    %dma_wait3A_238 = tpu.memref_slice %arg5[%dma_wait3A_235, %dma_wait3A_236, %mul3A_2, %dma_wait3A_237] : memref<1x1x512x512xf32, #tpu.memory_space<hbm>> -> memref<1x1x16x512xf32, #tpu.memory_space<hbm>>
    %dma_wait3A_239 = tpu.memref_squeeze %dma_wait3A_238 : memref<1x1x16x512xf32, #tpu.memory_space<hbm>> -> memref<16x512xf32, #tpu.memory_space<hbm>>
    %dma_wait3A_240 = arith.constant 0 : i32
    %dma_wait3A_241 = tpu.memref_slice %arg5[%dma_wait3A_235, %dma_wait3A_236, %mul3A_2, %dma_wait3A_240] : memref<1x1x512x512xf32, #tpu.memory_space<hbm>> -> memref<1x1x16x512xf32, #tpu.memory_space<hbm>>
    %dma_wait3A_242 = tpu.memref_squeeze %dma_wait3A_241 : memref<1x1x16x512xf32, #tpu.memory_space<hbm>> -> memref<16x512xf32, #tpu.memory_space<hbm>>
    tpu.wait_dma2 semaphore(%arg21 : memref<!tpu.dma_semaphore, #tpu.memory_space<semaphore_mem>>) src(%dma_wait3A_242 : memref<16x512xf32, #tpu.memory_space<hbm>>) dst(%arg10 : memref<16x512xf32, #tpu.memory_space<vmem>>)
    %iota3A = tpu.iota {dimensions = array<i32: 0>} : vector<16xi32>
    %broadcast_in_dim3A_243 = arith.constant 1.000000e+00 : f32
    %broadcast_in_dim3A_244 = vector.broadcast %broadcast_in_dim3A_243 : f32 to vector<16xf32>
    %scan3A_245 = arith.constant 0 : i32
    %scan3A_246 = arith.constant 0 : i32
    %scan3A_247 = arith.constant 128 : i32
    %scan3A_248 = arith.addi %scan3A_246, %scan3A_247 : i32
    %scan3A_249 = arith.constant 1 : i32
    scf.for %scan3A_418 = %scan3A_246 to %scan3A_248 step %scan3A_249  : i32 {
      %mul3A_419 = arith.constant 4 : i32
      %mul3A_420 = arith.muli %scan3A_418, %mul3A_419 : i32
      %add3A_421 = arith.constant 0 : i32
      %add3A_422 = arith.addi %mul3A_420, %add3A_421 : i32
      %shift_right_arithmetic3A = arith.constant 5 : i32
      %shift_right_arithmetic3A_423 = arith.shrsi %add3A_422, %shift_right_arithmetic3A : i32
      %and3A_424 = arith.constant 31 : i32
      %and3A_425 = arith.andi %add3A_422, %and3A_424 : i32
      %mul3A_426 = arith.constant 16 : i32
      %mul3A_427 = arith.muli %and3A_425, %mul3A_426 : i32
      %get3A = arith.index_cast %shift_right_arithmetic3A_423 : i32 to index
      %get3A_428 = arith.index_cast %mul3A_427 : i32 to index
      %get3A_429 = tpu.vector_load %arg9[%get3A, %get3A_428] {strides = array<i32>} : memref<16x512xf32, #tpu.memory_space<vmem>>, vector<16xf32>,
      %gt3A = arith.constant 0.000000e+00 : f32
      %gt3A_430 = vector.broadcast %gt3A : f32 to vector<16xf32>
      %gt3A_431 = arith.cmpf ogt, %get3A_429, %gt3A_430 : vector<16xf32>
      %get3A_432 = arith.index_cast %shift_right_arithmetic3A_423 : i32 to index
      %get3A_433 = arith.index_cast %mul3A_427 : i32 to index
      %get3A_434 = tpu.vector_load %arg10[%get3A_432, %get3A_433] {strides = array<i32>} : memref<16x512xf32, #tpu.memory_space<vmem>>, vector<16xf32>,
      %gt3A_435 = arith.constant 0.000000e+00 : f32
      %gt3A_436 = vector.broadcast %gt3A_435 : f32 to vector<16xf32>
      %gt3A_437 = arith.cmpf ogt, %get3A_434, %gt3A_436 : vector<16xf32>
      %get3A_438 = arith.constant 0 : i32
      %get3A_439 = arith.index_cast %get3A_438 : i32 to index
      %get3A_440 = arith.index_cast %shift_right_arithmetic3A_423 : i32 to index
      %get3A_441 = arith.index_cast %mul3A_427 : i32 to index
      %get3A_442 = tpu.vector_load %arg7[%get3A_439, %get3A_440, %get3A_441] {strides = array<i32>} : memref<3x16x512xf32, #tpu.memory_space<vmem>>, vector<16xf32>,
      %add3A_443 = arith.constant 1.000000e+00 : f32
      %add3A_444 = vector.broadcast %add3A_443 : f32 to vector<16xf32>
      %add3A_445 = arith.addf %get3A_442, %add3A_444 : vector<16xf32>
      %mul3A_446 = arith.constant 1.275000e+02 : f32
      %mul3A_447 = vector.broadcast %mul3A_446 : f32 to vector<16xf32>
      %mul3A_448 = arith.mulf %add3A_445, %mul3A_447 : vector<16xf32>
      %max3A = arith.constant 0.000000e+00 : f32
      %max3A_449 = vector.broadcast %max3A : f32 to vector<16xf32>
      %max3A_450 = arith.maximumf %mul3A_448, %max3A_449 : vector<16xf32>
      %min3A = arith.constant 2.550000e+02 : f32
      %min3A_451 = vector.broadcast %min3A : f32 to vector<16xf32>
      %min3A_452 = arith.minimumf %max3A_450, %min3A_451 : vector<16xf32>
      %convert_element_type3A = arith.fptosi %min3A_452 : vector<16xf32> to vector<16xi32>
      %mul3A_453 = arith.constant 16 : i32
      %mul3A_454 = vector.broadcast %mul3A_453 : i32 to vector<16xi32>
      %mul3A_455 = arith.muli %convert_element_type3A, %mul3A_454 : vector<16xi32>
      %add3A_456 = arith.addi %mul3A_455, %iota3A : vector<16xi32>
      tpu.vector_store_idx %arg11[%add3A_456], %broadcast_in_dim3A_244 masked %gt3A_431 {add = true} : memref<4096xf32, #tpu.memory_space<vmem>>[vector<16xi32>], vector<16xf32>, vector<16xi1>
      tpu.vector_store_idx %arg14[%add3A_456], %min3A_452 masked %gt3A_431 {add = true} : memref<4096xf32, #tpu.memory_space<vmem>>[vector<16xi32>], vector<16xf32>, vector<16xi1>
      %get3A_457 = arith.constant 0 : i32
      %get3A_458 = arith.index_cast %get3A_457 : i32 to index
      %get3A_459 = arith.index_cast %shift_right_arithmetic3A_423 : i32 to index
      %get3A_460 = arith.index_cast %mul3A_427 : i32 to index
      %get3A_461 = tpu.vector_load %arg8[%get3A_458, %get3A_459, %get3A_460] {strides = array<i32>} : memref<3x16x512xf32, #tpu.memory_space<vmem>>, vector<16xf32>,
      %add3A_462 = arith.constant 1.000000e+00 : f32
      %add3A_463 = vector.broadcast %add3A_462 : f32 to vector<16xf32>
      %add3A_464 = arith.addf %get3A_461, %add3A_463 : vector<16xf32>
      %mul3A_465 = arith.constant 1.275000e+02 : f32
      %mul3A_466 = vector.broadcast %mul3A_465 : f32 to vector<16xf32>
      %mul3A_467 = arith.mulf %add3A_464, %mul3A_466 : vector<16xf32>
      %max3A_468 = arith.constant 0.000000e+00 : f32
      %max3A_469 = vector.broadcast %max3A_468 : f32 to vector<16xf32>
      %max3A_470 = arith.maximumf %mul3A_467, %max3A_469 : vector<16xf32>
      %min3A_471 = arith.constant 2.550000e+02 : f32
      %min3A_472 = vector.broadcast %min3A_471 : f32 to vector<16xf32>
      %min3A_473 = arith.minimumf %max3A_470, %min3A_472 : vector<16xf32>
      %convert_element_type3A_474 = arith.fptosi %min3A_473 : vector<16xf32> to vector<16xi32>
      %mul3A_475 = arith.constant 16 : i32
      %mul3A_476 = vector.broadcast %mul3A_475 : i32 to vector<16xi32>
      %mul3A_477 = arith.muli %convert_element_type3A_474, %mul3A_476 : vector<16xi32>
      %add3A_478 = arith.addi %mul3A_477, %iota3A : vector<16xi32>
      tpu.vector_store_idx %arg17[%add3A_478], %broadcast_in_dim3A_244 masked %gt3A_437 {add = true} : memref<4096xf32, #tpu.memory_space<vmem>>[vector<16xi32>], vector<16xf32>, vector<16xi1>
      %get3A_479 = arith.constant 1 : i32
      %get3A_480 = arith.index_cast %get3A_479 : i32 to index
      %get3A_481 = arith.index_cast %shift_right_arithmetic3A_423 : i32 to index
      %get3A_482 = arith.index_cast %mul3A_427 : i32 to index
      %get3A_483 = tpu.vector_load %arg7[%get3A_480, %get3A_481, %get3A_482] {strides = array<i32>} : memref<3x16x512xf32, #tpu.memory_space<vmem>>, vector<16xf32>,
      %add3A_484 = arith.constant 1.000000e+00 : f32
      %add3A_485 = vector.broadcast %add3A_484 : f32 to vector<16xf32>
      %add3A_486 = arith.addf %get3A_483, %add3A_485 : vector<16xf32>
      %mul3A_487 = arith.constant 1.275000e+02 : f32
      %mul3A_488 = vector.broadcast %mul3A_487 : f32 to vector<16xf32>
      %mul3A_489 = arith.mulf %add3A_486, %mul3A_488 : vector<16xf32>
      %max3A_490 = arith.constant 0.000000e+00 : f32
      %max3A_491 = vector.broadcast %max3A_490 : f32 to vector<16xf32>
      %max3A_492 = arith.maximumf %mul3A_489, %max3A_491 : vector<16xf32>
      %min3A_493 = arith.constant 2.550000e+02 : f32
      %min3A_494 = vector.broadcast %min3A_493 : f32 to vector<16xf32>
      %min3A_495 = arith.minimumf %max3A_492, %min3A_494 : vector<16xf32>
      %convert_element_type3A_496 = arith.fptosi %min3A_495 : vector<16xf32> to vector<16xi32>
      %mul3A_497 = arith.constant 16 : i32
      %mul3A_498 = vector.broadcast %mul3A_497 : i32 to vector<16xi32>
      %mul3A_499 = arith.muli %convert_element_type3A_496, %mul3A_498 : vector<16xi32>
      %add3A_500 = arith.addi %mul3A_499, %iota3A : vector<16xi32>
      tpu.vector_store_idx %arg12[%add3A_500], %broadcast_in_dim3A_244 masked %gt3A_431 {add = true} : memref<4096xf32, #tpu.memory_space<vmem>>[vector<16xi32>], vector<16xf32>, vector<16xi1>
      tpu.vector_store_idx %arg15[%add3A_500], %min3A_495 masked %gt3A_431 {add = true} : memref<4096xf32, #tpu.memory_space<vmem>>[vector<16xi32>], vector<16xf32>, vector<16xi1>
      %get3A_501 = arith.constant 1 : i32
      %get3A_502 = arith.index_cast %get3A_501 : i32 to index
      %get3A_503 = arith.index_cast %shift_right_arithmetic3A_423 : i32 to index
      %get3A_504 = arith.index_cast %mul3A_427 : i32 to index
      %get3A_505 = tpu.vector_load %arg8[%get3A_502, %get3A_503, %get3A_504] {strides = array<i32>} : memref<3x16x512xf32, #tpu.memory_space<vmem>>, vector<16xf32>,
      %add3A_506 = arith.constant 1.000000e+00 : f32
      %add3A_507 = vector.broadcast %add3A_506 : f32 to vector<16xf32>
      %add3A_508 = arith.addf %get3A_505, %add3A_507 : vector<16xf32>
      %mul3A_509 = arith.constant 1.275000e+02 : f32
      %mul3A_510 = vector.broadcast %mul3A_509 : f32 to vector<16xf32>
      %mul3A_511 = arith.mulf %add3A_508, %mul3A_510 : vector<16xf32>
      %max3A_512 = arith.constant 0.000000e+00 : f32
      %max3A_513 = vector.broadcast %max3A_512 : f32 to vector<16xf32>
      %max3A_514 = arith.maximumf %mul3A_511, %max3A_513 : vector<16xf32>
      %min3A_515 = arith.constant 2.550000e+02 : f32
      %min3A_516 = vector.broadcast %min3A_515 : f32 to vector<16xf32>
      %min3A_517 = arith.minimumf %max3A_514, %min3A_516 : vector<16xf32>
      %convert_element_type3A_518 = arith.fptosi %min3A_517 : vector<16xf32> to vector<16xi32>
      %mul3A_519 = arith.constant 16 : i32
      %mul3A_520 = vector.broadcast %mul3A_519 : i32 to vector<16xi32>
      %mul3A_521 = arith.muli %convert_element_type3A_518, %mul3A_520 : vector<16xi32>
      %add3A_522 = arith.addi %mul3A_521, %iota3A : vector<16xi32>
      tpu.vector_store_idx %arg18[%add3A_522], %broadcast_in_dim3A_244 masked %gt3A_437 {add = true} : memref<4096xf32, #tpu.memory_space<vmem>>[vector<16xi32>], vector<16xf32>, vector<16xi1>
      %get3A_523 = arith.constant 2 : i32
      %get3A_524 = arith.index_cast %get3A_523 : i32 to index
      %get3A_525 = arith.index_cast %shift_right_arithmetic3A_423 : i32 to index
      %get3A_526 = arith.index_cast %mul3A_427 : i32 to index
      %get3A_527 = tpu.vector_load %arg7[%get3A_524, %get3A_525, %get3A_526] {strides = array<i32>} : memref<3x16x512xf32, #tpu.memory_space<vmem>>, vector<16xf32>,
      %add3A_528 = arith.constant 1.000000e+00 : f32
      %add3A_529 = vector.broadcast %add3A_528 : f32 to vector<16xf32>
      %add3A_530 = arith.addf %get3A_527, %add3A_529 : vector<16xf32>
      %mul3A_531 = arith.constant 1.275000e+02 : f32
      %mul3A_532 = vector.broadcast %mul3A_531 : f32 to vector<16xf32>
      %mul3A_533 = arith.mulf %add3A_530, %mul3A_532 : vector<16xf32>
      %max3A_534 = arith.constant 0.000000e+00 : f32
      %max3A_535 = vector.broadcast %max3A_534 : f32 to vector<16xf32>
      %max3A_536 = arith.maximumf %mul3A_533, %max3A_535 : vector<16xf32>
      %min3A_537 = arith.constant 2.550000e+02 : f32
      %min3A_538 = vector.broadcast %min3A_537 : f32 to vector<16xf32>
      %min3A_539 = arith.minimumf %max3A_536, %min3A_538 : vector<16xf32>
      %convert_element_type3A_540 = arith.fptosi %min3A_539 : vector<16xf32> to vector<16xi32>
      %mul3A_541 = arith.constant 16 : i32
      %mul3A_542 = vector.broadcast %mul3A_541 : i32 to vector<16xi32>
      %mul3A_543 = arith.muli %convert_element_type3A_540, %mul3A_542 : vector<16xi32>
      %add3A_544 = arith.addi %mul3A_543, %iota3A : vector<16xi32>
      tpu.vector_store_idx %arg13[%add3A_544], %broadcast_in_dim3A_244 masked %gt3A_431 {add = true} : memref<4096xf32, #tpu.memory_space<vmem>>[vector<16xi32>], vector<16xf32>, vector<16xi1>
      tpu.vector_store_idx %arg16[%add3A_544], %min3A_539 masked %gt3A_431 {add = true} : memref<4096xf32, #tpu.memory_space<vmem>>[vector<16xi32>], vector<16xf32>, vector<16xi1>
      %get3A_545 = arith.constant 2 : i32
      %get3A_546 = arith.index_cast %get3A_545 : i32 to index
      %get3A_547 = arith.index_cast %shift_right_arithmetic3A_423 : i32 to index
      %get3A_548 = arith.index_cast %mul3A_427 : i32 to index
      %get3A_549 = tpu.vector_load %arg8[%get3A_546, %get3A_547, %get3A_548] {strides = array<i32>} : memref<3x16x512xf32, #tpu.memory_space<vmem>>, vector<16xf32>,
      %add3A_550 = arith.constant 1.000000e+00 : f32
      %add3A_551 = vector.broadcast %add3A_550 : f32 to vector<16xf32>
      %add3A_552 = arith.addf %get3A_549, %add3A_551 : vector<16xf32>
      %mul3A_553 = arith.constant 1.275000e+02 : f32
      %mul3A_554 = vector.broadcast %mul3A_553 : f32 to vector<16xf32>
      %mul3A_555 = arith.mulf %add3A_552, %mul3A_554 : vector<16xf32>
      %max3A_556 = arith.constant 0.000000e+00 : f32
      %max3A_557 = vector.broadcast %max3A_556 : f32 to vector<16xf32>
      %max3A_558 = arith.maximumf %mul3A_555, %max3A_557 : vector<16xf32>
      %min3A_559 = arith.constant 2.550000e+02 : f32
      %min3A_560 = vector.broadcast %min3A_559 : f32 to vector<16xf32>
      %min3A_561 = arith.minimumf %max3A_558, %min3A_560 : vector<16xf32>
      %convert_element_type3A_562 = arith.fptosi %min3A_561 : vector<16xf32> to vector<16xi32>
      %mul3A_563 = arith.constant 16 : i32
      %mul3A_564 = vector.broadcast %mul3A_563 : i32 to vector<16xi32>
      %mul3A_565 = arith.muli %convert_element_type3A_562, %mul3A_564 : vector<16xi32>
      %add3A_566 = arith.addi %mul3A_565, %iota3A : vector<16xi32>
      tpu.vector_store_idx %arg19[%add3A_566], %broadcast_in_dim3A_244 masked %gt3A_437 {add = true} : memref<4096xf32, #tpu.memory_space<vmem>>[vector<16xi32>], vector<16xf32>, vector<16xi1>
      %mul3A_567 = arith.constant 4 : i32
      %mul3A_568 = arith.muli %scan3A_418, %mul3A_567 : i32
      %add3A_569 = arith.constant 1 : i32
      %add3A_570 = arith.addi %mul3A_568, %add3A_569 : i32
      %shift_right_arithmetic3A_571 = arith.constant 5 : i32
      %shift_right_arithmetic3A_572 = arith.shrsi %add3A_570, %shift_right_arithmetic3A_571 : i32
      %and3A_573 = arith.constant 31 : i32
      %and3A_574 = arith.andi %add3A_570, %and3A_573 : i32
      %mul3A_575 = arith.constant 16 : i32
      %mul3A_576 = arith.muli %and3A_574, %mul3A_575 : i32
      %get3A_577 = arith.index_cast %shift_right_arithmetic3A_572 : i32 to index
      %get3A_578 = arith.index_cast %mul3A_576 : i32 to index
      %get3A_579 = tpu.vector_load %arg9[%get3A_577, %get3A_578] {strides = array<i32>} : memref<16x512xf32, #tpu.memory_space<vmem>>, vector<16xf32>,
      %gt3A_580 = arith.constant 0.000000e+00 : f32
      %gt3A_581 = vector.broadcast %gt3A_580 : f32 to vector<16xf32>
      %gt3A_582 = arith.cmpf ogt, %get3A_579, %gt3A_581 : vector<16xf32>
      %get3A_583 = arith.index_cast %shift_right_arithmetic3A_572 : i32 to index
      %get3A_584 = arith.index_cast %mul3A_576 : i32 to index
      %get3A_585 = tpu.vector_load %arg10[%get3A_583, %get3A_584] {strides = array<i32>} : memref<16x512xf32, #tpu.memory_space<vmem>>, vector<16xf32>,
      %gt3A_586 = arith.constant 0.000000e+00 : f32
      %gt3A_587 = vector.broadcast %gt3A_586 : f32 to vector<16xf32>
      %gt3A_588 = arith.cmpf ogt, %get3A_585, %gt3A_587 : vector<16xf32>
      %get3A_589 = arith.constant 0 : i32
      %get3A_590 = arith.index_cast %get3A_589 : i32 to index
      %get3A_591 = arith.index_cast %shift_right_arithmetic3A_572 : i32 to index
      %get3A_592 = arith.index_cast %mul3A_576 : i32 to index
      %get3A_593 = tpu.vector_load %arg7[%get3A_590, %get3A_591, %get3A_592] {strides = array<i32>} : memref<3x16x512xf32, #tpu.memory_space<vmem>>, vector<16xf32>,
      %add3A_594 = arith.constant 1.000000e+00 : f32
      %add3A_595 = vector.broadcast %add3A_594 : f32 to vector<16xf32>
      %add3A_596 = arith.addf %get3A_593, %add3A_595 : vector<16xf32>
      %mul3A_597 = arith.constant 1.275000e+02 : f32
      %mul3A_598 = vector.broadcast %mul3A_597 : f32 to vector<16xf32>
      %mul3A_599 = arith.mulf %add3A_596, %mul3A_598 : vector<16xf32>
      %max3A_600 = arith.constant 0.000000e+00 : f32
      %max3A_601 = vector.broadcast %max3A_600 : f32 to vector<16xf32>
      %max3A_602 = arith.maximumf %mul3A_599, %max3A_601 : vector<16xf32>
      %min3A_603 = arith.constant 2.550000e+02 : f32
      %min3A_604 = vector.broadcast %min3A_603 : f32 to vector<16xf32>
      %min3A_605 = arith.minimumf %max3A_602, %min3A_604 : vector<16xf32>
      %convert_element_type3A_606 = arith.fptosi %min3A_605 : vector<16xf32> to vector<16xi32>
      %mul3A_607 = arith.constant 16 : i32
      %mul3A_608 = vector.broadcast %mul3A_607 : i32 to vector<16xi32>
      %mul3A_609 = arith.muli %convert_element_type3A_606, %mul3A_608 : vector<16xi32>
      %add3A_610 = arith.addi %mul3A_609, %iota3A : vector<16xi32>
      tpu.vector_store_idx %arg11[%add3A_610], %broadcast_in_dim3A_244 masked %gt3A_582 {add = true} : memref<4096xf32, #tpu.memory_space<vmem>>[vector<16xi32>], vector<16xf32>, vector<16xi1>
      tpu.vector_store_idx %arg14[%add3A_610], %min3A_605 masked %gt3A_582 {add = true} : memref<4096xf32, #tpu.memory_space<vmem>>[vector<16xi32>], vector<16xf32>, vector<16xi1>
      %get3A_611 = arith.constant 0 : i32
      %get3A_612 = arith.index_cast %get3A_611 : i32 to index
      %get3A_613 = arith.index_cast %shift_right_arithmetic3A_572 : i32 to index
      %get3A_614 = arith.index_cast %mul3A_576 : i32 to index
      %get3A_615 = tpu.vector_load %arg8[%get3A_612, %get3A_613, %get3A_614] {strides = array<i32>} : memref<3x16x512xf32, #tpu.memory_space<vmem>>, vector<16xf32>,
      %add3A_616 = arith.constant 1.000000e+00 : f32
      %add3A_617 = vector.broadcast %add3A_616 : f32 to vector<16xf32>
      %add3A_618 = arith.addf %get3A_615, %add3A_617 : vector<16xf32>
      %mul3A_619 = arith.constant 1.275000e+02 : f32
      %mul3A_620 = vector.broadcast %mul3A_619 : f32 to vector<16xf32>
      %mul3A_621 = arith.mulf %add3A_618, %mul3A_620 : vector<16xf32>
      %max3A_622 = arith.constant 0.000000e+00 : f32
      %max3A_623 = vector.broadcast %max3A_622 : f32 to vector<16xf32>
      %max3A_624 = arith.maximumf %mul3A_621, %max3A_623 : vector<16xf32>
      %min3A_625 = arith.constant 2.550000e+02 : f32
      %min3A_626 = vector.broadcast %min3A_625 : f32 to vector<16xf32>
      %min3A_627 = arith.minimumf %max3A_624, %min3A_626 : vector<16xf32>
      %convert_element_type3A_628 = arith.fptosi %min3A_627 : vector<16xf32> to vector<16xi32>
      %mul3A_629 = arith.constant 16 : i32
      %mul3A_630 = vector.broadcast %mul3A_629 : i32 to vector<16xi32>
      %mul3A_631 = arith.muli %convert_element_type3A_628, %mul3A_630 : vector<16xi32>
      %add3A_632 = arith.addi %mul3A_631, %iota3A : vector<16xi32>
      tpu.vector_store_idx %arg17[%add3A_632], %broadcast_in_dim3A_244 masked %gt3A_588 {add = true} : memref<4096xf32, #tpu.memory_space<vmem>>[vector<16xi32>], vector<16xf32>, vector<16xi1>
      %get3A_633 = arith.constant 1 : i32
      %get3A_634 = arith.index_cast %get3A_633 : i32 to index
      %get3A_635 = arith.index_cast %shift_right_arithmetic3A_572 : i32 to index
      %get3A_636 = arith.index_cast %mul3A_576 : i32 to index
      %get3A_637 = tpu.vector_load %arg7[%get3A_634, %get3A_635, %get3A_636] {strides = array<i32>} : memref<3x16x512xf32, #tpu.memory_space<vmem>>, vector<16xf32>,
      %add3A_638 = arith.constant 1.000000e+00 : f32
      %add3A_639 = vector.broadcast %add3A_638 : f32 to vector<16xf32>
      %add3A_640 = arith.addf %get3A_637, %add3A_639 : vector<16xf32>
      %mul3A_641 = arith.constant 1.275000e+02 : f32
      %mul3A_642 = vector.broadcast %mul3A_641 : f32 to vector<16xf32>
      %mul3A_643 = arith.mulf %add3A_640, %mul3A_642 : vector<16xf32>
      %max3A_644 = arith.constant 0.000000e+00 : f32
      %max3A_645 = vector.broadcast %max3A_644 : f32 to vector<16xf32>
      %max3A_646 = arith.maximumf %mul3A_643, %max3A_645 : vector<16xf32>
      %min3A_647 = arith.constant 2.550000e+02 : f32
      %min3A_648 = vector.broadcast %min3A_647 : f32 to vector<16xf32>
      %min3A_649 = arith.minimumf %max3A_646, %min3A_648 : vector<16xf32>
      %convert_element_type3A_650 = arith.fptosi %min3A_649 : vector<16xf32> to vector<16xi32>
      %mul3A_651 = arith.constant 16 : i32
      %mul3A_652 = vector.broadcast %mul3A_651 : i32 to vector<16xi32>
      %mul3A_653 = arith.muli %convert_element_type3A_650, %mul3A_652 : vector<16xi32>
      %add3A_654 = arith.addi %mul3A_653, %iota3A : vector<16xi32>
      tpu.vector_store_idx %arg12[%add3A_654], %broadcast_in_dim3A_244 masked %gt3A_582 {add = true} : memref<4096xf32, #tpu.memory_space<vmem>>[vector<16xi32>], vector<16xf32>, vector<16xi1>
      tpu.vector_store_idx %arg15[%add3A_654], %min3A_649 masked %gt3A_582 {add = true} : memref<4096xf32, #tpu.memory_space<vmem>>[vector<16xi32>], vector<16xf32>, vector<16xi1>
      %get3A_655 = arith.constant 1 : i32
      %get3A_656 = arith.index_cast %get3A_655 : i32 to index
      %get3A_657 = arith.index_cast %shift_right_arithmetic3A_572 : i32 to index
      %get3A_658 = arith.index_cast %mul3A_576 : i32 to index
      %get3A_659 = tpu.vector_load %arg8[%get3A_656, %get3A_657, %get3A_658] {strides = array<i32>} : memref<3x16x512xf32, #tpu.memory_space<vmem>>, vector<16xf32>,
      %add3A_660 = arith.constant 1.000000e+00 : f32
      %add3A_661 = vector.broadcast %add3A_660 : f32 to vector<16xf32>
      %add3A_662 = arith.addf %get3A_659, %add3A_661 : vector<16xf32>
      %mul3A_663 = arith.constant 1.275000e+02 : f32
      %mul3A_664 = vector.broadcast %mul3A_663 : f32 to vector<16xf32>
      %mul3A_665 = arith.mulf %add3A_662, %mul3A_664 : vector<16xf32>
      %max3A_666 = arith.constant 0.000000e+00 : f32
      %max3A_667 = vector.broadcast %max3A_666 : f32 to vector<16xf32>
      %max3A_668 = arith.maximumf %mul3A_665, %max3A_667 : vector<16xf32>
      %min3A_669 = arith.constant 2.550000e+02 : f32
      %min3A_670 = vector.broadcast %min3A_669 : f32 to vector<16xf32>
      %min3A_671 = arith.minimumf %max3A_668, %min3A_670 : vector<16xf32>
      %convert_element_type3A_672 = arith.fptosi %min3A_671 : vector<16xf32> to vector<16xi32>
      %mul3A_673 = arith.constant 16 : i32
      %mul3A_674 = vector.broadcast %mul3A_673 : i32 to vector<16xi32>
      %mul3A_675 = arith.muli %convert_element_type3A_672, %mul3A_674 : vector<16xi32>
      %add3A_676 = arith.addi %mul3A_675, %iota3A : vector<16xi32>
      tpu.vector_store_idx %arg18[%add3A_676], %broadcast_in_dim3A_244 masked %gt3A_588 {add = true} : memref<4096xf32, #tpu.memory_space<vmem>>[vector<16xi32>], vector<16xf32>, vector<16xi1>
      %get3A_677 = arith.constant 2 : i32
      %get3A_678 = arith.index_cast %get3A_677 : i32 to index
      %get3A_679 = arith.index_cast %shift_right_arithmetic3A_572 : i32 to index
      %get3A_680 = arith.index_cast %mul3A_576 : i32 to index
      %get3A_681 = tpu.vector_load %arg7[%get3A_678, %get3A_679, %get3A_680] {strides = array<i32>} : memref<3x16x512xf32, #tpu.memory_space<vmem>>, vector<16xf32>,
      %add3A_682 = arith.constant 1.000000e+00 : f32
      %add3A_683 = vector.broadcast %add3A_682 : f32 to vector<16xf32>
      %add3A_684 = arith.addf %get3A_681, %add3A_683 : vector<16xf32>
      %mul3A_685 = arith.constant 1.275000e+02 : f32
      %mul3A_686 = vector.broadcast %mul3A_685 : f32 to vector<16xf32>
      %mul3A_687 = arith.mulf %add3A_684, %mul3A_686 : vector<16xf32>
      %max3A_688 = arith.constant 0.000000e+00 : f32
      %max3A_689 = vector.broadcast %max3A_688 : f32 to vector<16xf32>
      %max3A_690 = arith.maximumf %mul3A_687, %max3A_689 : vector<16xf32>
      %min3A_691 = arith.constant 2.550000e+02 : f32
      %min3A_692 = vector.broadcast %min3A_691 : f32 to vector<16xf32>
      %min3A_693 = arith.minimumf %max3A_690, %min3A_692 : vector<16xf32>
      %convert_element_type3A_694 = arith.fptosi %min3A_693 : vector<16xf32> to vector<16xi32>
      %mul3A_695 = arith.constant 16 : i32
      %mul3A_696 = vector.broadcast %mul3A_695 : i32 to vector<16xi32>
      %mul3A_697 = arith.muli %convert_element_type3A_694, %mul3A_696 : vector<16xi32>
      %add3A_698 = arith.addi %mul3A_697, %iota3A : vector<16xi32>
      tpu.vector_store_idx %arg13[%add3A_698], %broadcast_in_dim3A_244 masked %gt3A_582 {add = true} : memref<4096xf32, #tpu.memory_space<vmem>>[vector<16xi32>], vector<16xf32>, vector<16xi1>
      tpu.vector_store_idx %arg16[%add3A_698], %min3A_693 masked %gt3A_582 {add = true} : memref<4096xf32, #tpu.memory_space<vmem>>[vector<16xi32>], vector<16xf32>, vector<16xi1>
      %get3A_699 = arith.constant 2 : i32
      %get3A_700 = arith.index_cast %get3A_699 : i32 to index
      %get3A_701 = arith.index_cast %shift_right_arithmetic3A_572 : i32 to index
      %get3A_702 = arith.index_cast %mul3A_576 : i32 to index
      %get3A_703 = tpu.vector_load %arg8[%get3A_700, %get3A_701, %get3A_702] {strides = array<i32>} : memref<3x16x512xf32, #tpu.memory_space<vmem>>, vector<16xf32>,
      %add3A_704 = arith.constant 1.000000e+00 : f32
      %add3A_705 = vector.broadcast %add3A_704 : f32 to vector<16xf32>
      %add3A_706 = arith.addf %get3A_703, %add3A_705 : vector<16xf32>
      %mul3A_707 = arith.constant 1.275000e+02 : f32
      %mul3A_708 = vector.broadcast %mul3A_707 : f32 to vector<16xf32>
      %mul3A_709 = arith.mulf %add3A_706, %mul3A_708 : vector<16xf32>
      %max3A_710 = arith.constant 0.000000e+00 : f32
      %max3A_711 = vector.broadcast %max3A_710 : f32 to vector<16xf32>
      %max3A_712 = arith.maximumf %mul3A_709, %max3A_711 : vector<16xf32>
      %min3A_713 = arith.constant 2.550000e+02 : f32
      %min3A_714 = vector.broadcast %min3A_713 : f32 to vector<16xf32>
      %min3A_715 = arith.minimumf %max3A_712, %min3A_714 : vector<16xf32>
      %convert_element_type3A_716 = arith.fptosi %min3A_715 : vector<16xf32> to vector<16xi32>
      %mul3A_717 = arith.constant 16 : i32
      %mul3A_718 = vector.broadcast %mul3A_717 : i32 to vector<16xi32>
      %mul3A_719 = arith.muli %convert_element_type3A_716, %mul3A_718 : vector<16xi32>
      %add3A_720 = arith.addi %mul3A_719, %iota3A : vector<16xi32>
      tpu.vector_store_idx %arg19[%add3A_720], %broadcast_in_dim3A_244 masked %gt3A_588 {add = true} : memref<4096xf32, #tpu.memory_space<vmem>>[vector<16xi32>], vector<16xf32>, vector<16xi1>
      %mul3A_721 = arith.constant 4 : i32
      %mul3A_722 = arith.muli %scan3A_418, %mul3A_721 : i32
      %add3A_723 = arith.constant 2 : i32
      %add3A_724 = arith.addi %mul3A_722, %add3A_723 : i32
      %shift_right_arithmetic3A_725 = arith.constant 5 : i32
      %shift_right_arithmetic3A_726 = arith.shrsi %add3A_724, %shift_right_arithmetic3A_725 : i32
      %and3A_727 = arith.constant 31 : i32
      %and3A_728 = arith.andi %add3A_724, %and3A_727 : i32
      %mul3A_729 = arith.constant 16 : i32
      %mul3A_730 = arith.muli %and3A_728, %mul3A_729 : i32
      %get3A_731 = arith.index_cast %shift_right_arithmetic3A_726 : i32 to index
      %get3A_732 = arith.index_cast %mul3A_730 : i32 to index
      %get3A_733 = tpu.vector_load %arg9[%get3A_731, %get3A_732] {strides = array<i32>} : memref<16x512xf32, #tpu.memory_space<vmem>>, vector<16xf32>,
      %gt3A_734 = arith.constant 0.000000e+00 : f32
      %gt3A_735 = vector.broadcast %gt3A_734 : f32 to vector<16xf32>
      %gt3A_736 = arith.cmpf ogt, %get3A_733, %gt3A_735 : vector<16xf32>
      %get3A_737 = arith.index_cast %shift_right_arithmetic3A_726 : i32 to index
      %get3A_738 = arith.index_cast %mul3A_730 : i32 to index
      %get3A_739 = tpu.vector_load %arg10[%get3A_737, %get3A_738] {strides = array<i32>} : memref<16x512xf32, #tpu.memory_space<vmem>>, vector<16xf32>,
      %gt3A_740 = arith.constant 0.000000e+00 : f32
      %gt3A_741 = vector.broadcast %gt3A_740 : f32 to vector<16xf32>
      %gt3A_742 = arith.cmpf ogt, %get3A_739, %gt3A_741 : vector<16xf32>
      %get3A_743 = arith.constant 0 : i32
      %get3A_744 = arith.index_cast %get3A_743 : i32 to index
      %get3A_745 = arith.index_cast %shift_right_arithmetic3A_726 : i32 to index
      %get3A_746 = arith.index_cast %mul3A_730 : i32 to index
      %get3A_747 = tpu.vector_load %arg7[%get3A_744, %get3A_745, %get3A_746] {strides = array<i32>} : memref<3x16x512xf32, #tpu.memory_space<vmem>>, vector<16xf32>,
      %add3A_748 = arith.constant 1.000000e+00 : f32
      %add3A_749 = vector.broadcast %add3A_748 : f32 to vector<16xf32>
      %add3A_750 = arith.addf %get3A_747, %add3A_749 : vector<16xf32>
      %mul3A_751 = arith.constant 1.275000e+02 : f32
      %mul3A_752 = vector.broadcast %mul3A_751 : f32 to vector<16xf32>
      %mul3A_753 = arith.mulf %add3A_750, %mul3A_752 : vector<16xf32>
      %max3A_754 = arith.constant 0.000000e+00 : f32
      %max3A_755 = vector.broadcast %max3A_754 : f32 to vector<16xf32>
      %max3A_756 = arith.maximumf %mul3A_753, %max3A_755 : vector<16xf32>
      %min3A_757 = arith.constant 2.550000e+02 : f32
      %min3A_758 = vector.broadcast %min3A_757 : f32 to vector<16xf32>
      %min3A_759 = arith.minimumf %max3A_756, %min3A_758 : vector<16xf32>
      %convert_element_type3A_760 = arith.fptosi %min3A_759 : vector<16xf32> to vector<16xi32>
      %mul3A_761 = arith.constant 16 : i32
      %mul3A_762 = vector.broadcast %mul3A_761 : i32 to vector<16xi32>
      %mul3A_763 = arith.muli %convert_element_type3A_760, %mul3A_762 : vector<16xi32>
      %add3A_764 = arith.addi %mul3A_763, %iota3A : vector<16xi32>
      tpu.vector_store_idx %arg11[%add3A_764], %broadcast_in_dim3A_244 masked %gt3A_736 {add = true} : memref<4096xf32, #tpu.memory_space<vmem>>[vector<16xi32>], vector<16xf32>, vector<16xi1>
      tpu.vector_store_idx %arg14[%add3A_764], %min3A_759 masked %gt3A_736 {add = true} : memref<4096xf32, #tpu.memory_space<vmem>>[vector<16xi32>], vector<16xf32>, vector<16xi1>
      %get3A_765 = arith.constant 0 : i32
      %get3A_766 = arith.index_cast %get3A_765 : i32 to index
      %get3A_767 = arith.index_cast %shift_right_arithmetic3A_726 : i32 to index
      %get3A_768 = arith.index_cast %mul3A_730 : i32 to index
      %get3A_769 = tpu.vector_load %arg8[%get3A_766, %get3A_767, %get3A_768] {strides = array<i32>} : memref<3x16x512xf32, #tpu.memory_space<vmem>>, vector<16xf32>,
      %add3A_770 = arith.constant 1.000000e+00 : f32
      %add3A_771 = vector.broadcast %add3A_770 : f32 to vector<16xf32>
      %add3A_772 = arith.addf %get3A_769, %add3A_771 : vector<16xf32>
      %mul3A_773 = arith.constant 1.275000e+02 : f32
      %mul3A_774 = vector.broadcast %mul3A_773 : f32 to vector<16xf32>
      %mul3A_775 = arith.mulf %add3A_772, %mul3A_774 : vector<16xf32>
      %max3A_776 = arith.constant 0.000000e+00 : f32
      %max3A_777 = vector.broadcast %max3A_776 : f32 to vector<16xf32>
      %max3A_778 = arith.maximumf %mul3A_775, %max3A_777 : vector<16xf32>
      %min3A_779 = arith.constant 2.550000e+02 : f32
      %min3A_780 = vector.broadcast %min3A_779 : f32 to vector<16xf32>
      %min3A_781 = arith.minimumf %max3A_778, %min3A_780 : vector<16xf32>
      %convert_element_type3A_782 = arith.fptosi %min3A_781 : vector<16xf32> to vector<16xi32>
      %mul3A_783 = arith.constant 16 : i32
      %mul3A_784 = vector.broadcast %mul3A_783 : i32 to vector<16xi32>
      %mul3A_785 = arith.muli %convert_element_type3A_782, %mul3A_784 : vector<16xi32>
      %add3A_786 = arith.addi %mul3A_785, %iota3A : vector<16xi32>
      tpu.vector_store_idx %arg17[%add3A_786], %broadcast_in_dim3A_244 masked %gt3A_742 {add = true} : memref<4096xf32, #tpu.memory_space<vmem>>[vector<16xi32>], vector<16xf32>, vector<16xi1>
      %get3A_787 = arith.constant 1 : i32
      %get3A_788 = arith.index_cast %get3A_787 : i32 to index
      %get3A_789 = arith.index_cast %shift_right_arithmetic3A_726 : i32 to index
      %get3A_790 = arith.index_cast %mul3A_730 : i32 to index
      %get3A_791 = tpu.vector_load %arg7[%get3A_788, %get3A_789, %get3A_790] {strides = array<i32>} : memref<3x16x512xf32, #tpu.memory_space<vmem>>, vector<16xf32>,
      %add3A_792 = arith.constant 1.000000e+00 : f32
      %add3A_793 = vector.broadcast %add3A_792 : f32 to vector<16xf32>
      %add3A_794 = arith.addf %get3A_791, %add3A_793 : vector<16xf32>
      %mul3A_795 = arith.constant 1.275000e+02 : f32
      %mul3A_796 = vector.broadcast %mul3A_795 : f32 to vector<16xf32>
      %mul3A_797 = arith.mulf %add3A_794, %mul3A_796 : vector<16xf32>
      %max3A_798 = arith.constant 0.000000e+00 : f32
      %max3A_799 = vector.broadcast %max3A_798 : f32 to vector<16xf32>
      %max3A_800 = arith.maximumf %mul3A_797, %max3A_799 : vector<16xf32>
      %min3A_801 = arith.constant 2.550000e+02 : f32
      %min3A_802 = vector.broadcast %min3A_801 : f32 to vector<16xf32>
      %min3A_803 = arith.minimumf %max3A_800, %min3A_802 : vector<16xf32>
      %convert_element_type3A_804 = arith.fptosi %min3A_803 : vector<16xf32> to vector<16xi32>
      %mul3A_805 = arith.constant 16 : i32
      %mul3A_806 = vector.broadcast %mul3A_805 : i32 to vector<16xi32>
      %mul3A_807 = arith.muli %convert_element_type3A_804, %mul3A_806 : vector<16xi32>
      %add3A_808 = arith.addi %mul3A_807, %iota3A : vector<16xi32>
      tpu.vector_store_idx %arg12[%add3A_808], %broadcast_in_dim3A_244 masked %gt3A_736 {add = true} : memref<4096xf32, #tpu.memory_space<vmem>>[vector<16xi32>], vector<16xf32>, vector<16xi1>
      tpu.vector_store_idx %arg15[%add3A_808], %min3A_803 masked %gt3A_736 {add = true} : memref<4096xf32, #tpu.memory_space<vmem>>[vector<16xi32>], vector<16xf32>, vector<16xi1>
      %get3A_809 = arith.constant 1 : i32
      %get3A_810 = arith.index_cast %get3A_809 : i32 to index
      %get3A_811 = arith.index_cast %shift_right_arithmetic3A_726 : i32 to index
      %get3A_812 = arith.index_cast %mul3A_730 : i32 to index
      %get3A_813 = tpu.vector_load %arg8[%get3A_810, %get3A_811, %get3A_812] {strides = array<i32>} : memref<3x16x512xf32, #tpu.memory_space<vmem>>, vector<16xf32>,
      %add3A_814 = arith.constant 1.000000e+00 : f32
      %add3A_815 = vector.broadcast %add3A_814 : f32 to vector<16xf32>
      %add3A_816 = arith.addf %get3A_813, %add3A_815 : vector<16xf32>
      %mul3A_817 = arith.constant 1.275000e+02 : f32
      %mul3A_818 = vector.broadcast %mul3A_817 : f32 to vector<16xf32>
      %mul3A_819 = arith.mulf %add3A_816, %mul3A_818 : vector<16xf32>
      %max3A_820 = arith.constant 0.000000e+00 : f32
      %max3A_821 = vector.broadcast %max3A_820 : f32 to vector<16xf32>
      %max3A_822 = arith.maximumf %mul3A_819, %max3A_821 : vector<16xf32>
      %min3A_823 = arith.constant 2.550000e+02 : f32
      %min3A_824 = vector.broadcast %min3A_823 : f32 to vector<16xf32>
      %min3A_825 = arith.minimumf %max3A_822, %min3A_824 : vector<16xf32>
      %convert_element_type3A_826 = arith.fptosi %min3A_825 : vector<16xf32> to vector<16xi32>
      %mul3A_827 = arith.constant 16 : i32
      %mul3A_828 = vector.broadcast %mul3A_827 : i32 to vector<16xi32>
      %mul3A_829 = arith.muli %convert_element_type3A_826, %mul3A_828 : vector<16xi32>
      %add3A_830 = arith.addi %mul3A_829, %iota3A : vector<16xi32>
      tpu.vector_store_idx %arg18[%add3A_830], %broadcast_in_dim3A_244 masked %gt3A_742 {add = true} : memref<4096xf32, #tpu.memory_space<vmem>>[vector<16xi32>], vector<16xf32>, vector<16xi1>
      %get3A_831 = arith.constant 2 : i32
      %get3A_832 = arith.index_cast %get3A_831 : i32 to index
      %get3A_833 = arith.index_cast %shift_right_arithmetic3A_726 : i32 to index
      %get3A_834 = arith.index_cast %mul3A_730 : i32 to index
      %get3A_835 = tpu.vector_load %arg7[%get3A_832, %get3A_833, %get3A_834] {strides = array<i32>} : memref<3x16x512xf32, #tpu.memory_space<vmem>>, vector<16xf32>,
      %add3A_836 = arith.constant 1.000000e+00 : f32
      %add3A_837 = vector.broadcast %add3A_836 : f32 to vector<16xf32>
      %add3A_838 = arith.addf %get3A_835, %add3A_837 : vector<16xf32>
      %mul3A_839 = arith.constant 1.275000e+02 : f32
      %mul3A_840 = vector.broadcast %mul3A_839 : f32 to vector<16xf32>
      %mul3A_841 = arith.mulf %add3A_838, %mul3A_840 : vector<16xf32>
      %max3A_842 = arith.constant 0.000000e+00 : f32
      %max3A_843 = vector.broadcast %max3A_842 : f32 to vector<16xf32>
      %max3A_844 = arith.maximumf %mul3A_841, %max3A_843 : vector<16xf32>
      %min3A_845 = arith.constant 2.550000e+02 : f32
      %min3A_846 = vector.broadcast %min3A_845 : f32 to vector<16xf32>
      %min3A_847 = arith.minimumf %max3A_844, %min3A_846 : vector<16xf32>
      %convert_element_type3A_848 = arith.fptosi %min3A_847 : vector<16xf32> to vector<16xi32>
      %mul3A_849 = arith.constant 16 : i32
      %mul3A_850 = vector.broadcast %mul3A_849 : i32 to vector<16xi32>
      %mul3A_851 = arith.muli %convert_element_type3A_848, %mul3A_850 : vector<16xi32>
      %add3A_852 = arith.addi %mul3A_851, %iota3A : vector<16xi32>
      tpu.vector_store_idx %arg13[%add3A_852], %broadcast_in_dim3A_244 masked %gt3A_736 {add = true} : memref<4096xf32, #tpu.memory_space<vmem>>[vector<16xi32>], vector<16xf32>, vector<16xi1>
      tpu.vector_store_idx %arg16[%add3A_852], %min3A_847 masked %gt3A_736 {add = true} : memref<4096xf32, #tpu.memory_space<vmem>>[vector<16xi32>], vector<16xf32>, vector<16xi1>
      %get3A_853 = arith.constant 2 : i32
      %get3A_854 = arith.index_cast %get3A_853 : i32 to index
      %get3A_855 = arith.index_cast %shift_right_arithmetic3A_726 : i32 to index
      %get3A_856 = arith.index_cast %mul3A_730 : i32 to index
      %get3A_857 = tpu.vector_load %arg8[%get3A_854, %get3A_855, %get3A_856] {strides = array<i32>} : memref<3x16x512xf32, #tpu.memory_space<vmem>>, vector<16xf32>,
      %add3A_858 = arith.constant 1.000000e+00 : f32
      %add3A_859 = vector.broadcast %add3A_858 : f32 to vector<16xf32>
      %add3A_860 = arith.addf %get3A_857, %add3A_859 : vector<16xf32>
      %mul3A_861 = arith.constant 1.275000e+02 : f32
      %mul3A_862 = vector.broadcast %mul3A_861 : f32 to vector<16xf32>
      %mul3A_863 = arith.mulf %add3A_860, %mul3A_862 : vector<16xf32>
      %max3A_864 = arith.constant 0.000000e+00 : f32
      %max3A_865 = vector.broadcast %max3A_864 : f32 to vector<16xf32>
      %max3A_866 = arith.maximumf %mul3A_863, %max3A_865 : vector<16xf32>
      %min3A_867 = arith.constant 2.550000e+02 : f32
      %min3A_868 = vector.broadcast %min3A_867 : f32 to vector<16xf32>
      %min3A_869 = arith.minimumf %max3A_866, %min3A_868 : vector<16xf32>
      %convert_element_type3A_870 = arith.fptosi %min3A_869 : vector<16xf32> to vector<16xi32>
      %mul3A_871 = arith.constant 16 : i32
      %mul3A_872 = vector.broadcast %mul3A_871 : i32 to vector<16xi32>
      %mul3A_873 = arith.muli %convert_element_type3A_870, %mul3A_872 : vector<16xi32>
      %add3A_874 = arith.addi %mul3A_873, %iota3A : vector<16xi32>
      tpu.vector_store_idx %arg19[%add3A_874], %broadcast_in_dim3A_244 masked %gt3A_742 {add = true} : memref<4096xf32, #tpu.memory_space<vmem>>[vector<16xi32>], vector<16xf32>, vector<16xi1>
      %mul3A_875 = arith.constant 4 : i32
      %mul3A_876 = arith.muli %scan3A_418, %mul3A_875 : i32
      %add3A_877 = arith.constant 3 : i32
      %add3A_878 = arith.addi %mul3A_876, %add3A_877 : i32
      %shift_right_arithmetic3A_879 = arith.constant 5 : i32
      %shift_right_arithmetic3A_880 = arith.shrsi %add3A_878, %shift_right_arithmetic3A_879 : i32
      %and3A_881 = arith.constant 31 : i32
      %and3A_882 = arith.andi %add3A_878, %and3A_881 : i32
      %mul3A_883 = arith.constant 16 : i32
      %mul3A_884 = arith.muli %and3A_882, %mul3A_883 : i32
      %get3A_885 = arith.index_cast %shift_right_arithmetic3A_880 : i32 to index
      %get3A_886 = arith.index_cast %mul3A_884 : i32 to index
      %get3A_887 = tpu.vector_load %arg9[%get3A_885, %get3A_886] {strides = array<i32>} : memref<16x512xf32, #tpu.memory_space<vmem>>, vector<16xf32>,
      %gt3A_888 = arith.constant 0.000000e+00 : f32
      %gt3A_889 = vector.broadcast %gt3A_888 : f32 to vector<16xf32>
      %gt3A_890 = arith.cmpf ogt, %get3A_887, %gt3A_889 : vector<16xf32>
      %get3A_891 = arith.index_cast %shift_right_arithmetic3A_880 : i32 to index
      %get3A_892 = arith.index_cast %mul3A_884 : i32 to index
      %get3A_893 = tpu.vector_load %arg10[%get3A_891, %get3A_892] {strides = array<i32>} : memref<16x512xf32, #tpu.memory_space<vmem>>, vector<16xf32>,
      %gt3A_894 = arith.constant 0.000000e+00 : f32
      %gt3A_895 = vector.broadcast %gt3A_894 : f32 to vector<16xf32>
      %gt3A_896 = arith.cmpf ogt, %get3A_893, %gt3A_895 : vector<16xf32>
      %get3A_897 = arith.constant 0 : i32
      %get3A_898 = arith.index_cast %get3A_897 : i32 to index
      %get3A_899 = arith.index_cast %shift_right_arithmetic3A_880 : i32 to index
      %get3A_900 = arith.index_cast %mul3A_884 : i32 to index
      %get3A_901 = tpu.vector_load %arg7[%get3A_898, %get3A_899, %get3A_900] {strides = array<i32>} : memref<3x16x512xf32, #tpu.memory_space<vmem>>, vector<16xf32>,
      %add3A_902 = arith.constant 1.000000e+00 : f32
      %add3A_903 = vector.broadcast %add3A_902 : f32 to vector<16xf32>
      %add3A_904 = arith.addf %get3A_901, %add3A_903 : vector<16xf32>
      %mul3A_905 = arith.constant 1.275000e+02 : f32
      %mul3A_906 = vector.broadcast %mul3A_905 : f32 to vector<16xf32>
      %mul3A_907 = arith.mulf %add3A_904, %mul3A_906 : vector<16xf32>
      %max3A_908 = arith.constant 0.000000e+00 : f32
      %max3A_909 = vector.broadcast %max3A_908 : f32 to vector<16xf32>
      %max3A_910 = arith.maximumf %mul3A_907, %max3A_909 : vector<16xf32>
      %min3A_911 = arith.constant 2.550000e+02 : f32
      %min3A_912 = vector.broadcast %min3A_911 : f32 to vector<16xf32>
      %min3A_913 = arith.minimumf %max3A_910, %min3A_912 : vector<16xf32>
      %convert_element_type3A_914 = arith.fptosi %min3A_913 : vector<16xf32> to vector<16xi32>
      %mul3A_915 = arith.constant 16 : i32
      %mul3A_916 = vector.broadcast %mul3A_915 : i32 to vector<16xi32>
      %mul3A_917 = arith.muli %convert_element_type3A_914, %mul3A_916 : vector<16xi32>
      %add3A_918 = arith.addi %mul3A_917, %iota3A : vector<16xi32>
      tpu.vector_store_idx %arg11[%add3A_918], %broadcast_in_dim3A_244 masked %gt3A_890 {add = true} : memref<4096xf32, #tpu.memory_space<vmem>>[vector<16xi32>], vector<16xf32>, vector<16xi1>
      tpu.vector_store_idx %arg14[%add3A_918], %min3A_913 masked %gt3A_890 {add = true} : memref<4096xf32, #tpu.memory_space<vmem>>[vector<16xi32>], vector<16xf32>, vector<16xi1>
      %get3A_919 = arith.constant 0 : i32
      %get3A_920 = arith.index_cast %get3A_919 : i32 to index
      %get3A_921 = arith.index_cast %shift_right_arithmetic3A_880 : i32 to index
      %get3A_922 = arith.index_cast %mul3A_884 : i32 to index
      %get3A_923 = tpu.vector_load %arg8[%get3A_920, %get3A_921, %get3A_922] {strides = array<i32>} : memref<3x16x512xf32, #tpu.memory_space<vmem>>, vector<16xf32>,
      %add3A_924 = arith.constant 1.000000e+00 : f32
      %add3A_925 = vector.broadcast %add3A_924 : f32 to vector<16xf32>
      %add3A_926 = arith.addf %get3A_923, %add3A_925 : vector<16xf32>
      %mul3A_927 = arith.constant 1.275000e+02 : f32
      %mul3A_928 = vector.broadcast %mul3A_927 : f32 to vector<16xf32>
      %mul3A_929 = arith.mulf %add3A_926, %mul3A_928 : vector<16xf32>
      %max3A_930 = arith.constant 0.000000e+00 : f32
      %max3A_931 = vector.broadcast %max3A_930 : f32 to vector<16xf32>
      %max3A_932 = arith.maximumf %mul3A_929, %max3A_931 : vector<16xf32>
      %min3A_933 = arith.constant 2.550000e+02 : f32
      %min3A_934 = vector.broadcast %min3A_933 : f32 to vector<16xf32>
      %min3A_935 = arith.minimumf %max3A_932, %min3A_934 : vector<16xf32>
      %convert_element_type3A_936 = arith.fptosi %min3A_935 : vector<16xf32> to vector<16xi32>
      %mul3A_937 = arith.constant 16 : i32
      %mul3A_938 = vector.broadcast %mul3A_937 : i32 to vector<16xi32>
      %mul3A_939 = arith.muli %convert_element_type3A_936, %mul3A_938 : vector<16xi32>
      %add3A_940 = arith.addi %mul3A_939, %iota3A : vector<16xi32>
      tpu.vector_store_idx %arg17[%add3A_940], %broadcast_in_dim3A_244 masked %gt3A_896 {add = true} : memref<4096xf32, #tpu.memory_space<vmem>>[vector<16xi32>], vector<16xf32>, vector<16xi1>
      %get3A_941 = arith.constant 1 : i32
      %get3A_942 = arith.index_cast %get3A_941 : i32 to index
      %get3A_943 = arith.index_cast %shift_right_arithmetic3A_880 : i32 to index
      %get3A_944 = arith.index_cast %mul3A_884 : i32 to index
      %get3A_945 = tpu.vector_load %arg7[%get3A_942, %get3A_943, %get3A_944] {strides = array<i32>} : memref<3x16x512xf32, #tpu.memory_space<vmem>>, vector<16xf32>,
      %add3A_946 = arith.constant 1.000000e+00 : f32
      %add3A_947 = vector.broadcast %add3A_946 : f32 to vector<16xf32>
      %add3A_948 = arith.addf %get3A_945, %add3A_947 : vector<16xf32>
      %mul3A_949 = arith.constant 1.275000e+02 : f32
      %mul3A_950 = vector.broadcast %mul3A_949 : f32 to vector<16xf32>
      %mul3A_951 = arith.mulf %add3A_948, %mul3A_950 : vector<16xf32>
      %max3A_952 = arith.constant 0.000000e+00 : f32
      %max3A_953 = vector.broadcast %max3A_952 : f32 to vector<16xf32>
      %max3A_954 = arith.maximumf %mul3A_951, %max3A_953 : vector<16xf32>
      %min3A_955 = arith.constant 2.550000e+02 : f32
      %min3A_956 = vector.broadcast %min3A_955 : f32 to vector<16xf32>
      %min3A_957 = arith.minimumf %max3A_954, %min3A_956 : vector<16xf32>
      %convert_element_type3A_958 = arith.fptosi %min3A_957 : vector<16xf32> to vector<16xi32>
      %mul3A_959 = arith.constant 16 : i32
      %mul3A_960 = vector.broadcast %mul3A_959 : i32 to vector<16xi32>
      %mul3A_961 = arith.muli %convert_element_type3A_958, %mul3A_960 : vector<16xi32>
      %add3A_962 = arith.addi %mul3A_961, %iota3A : vector<16xi32>
      tpu.vector_store_idx %arg12[%add3A_962], %broadcast_in_dim3A_244 masked %gt3A_890 {add = true} : memref<4096xf32, #tpu.memory_space<vmem>>[vector<16xi32>], vector<16xf32>, vector<16xi1>
      tpu.vector_store_idx %arg15[%add3A_962], %min3A_957 masked %gt3A_890 {add = true} : memref<4096xf32, #tpu.memory_space<vmem>>[vector<16xi32>], vector<16xf32>, vector<16xi1>
      %get3A_963 = arith.constant 1 : i32
      %get3A_964 = arith.index_cast %get3A_963 : i32 to index
      %get3A_965 = arith.index_cast %shift_right_arithmetic3A_880 : i32 to index
      %get3A_966 = arith.index_cast %mul3A_884 : i32 to index
      %get3A_967 = tpu.vector_load %arg8[%get3A_964, %get3A_965, %get3A_966] {strides = array<i32>} : memref<3x16x512xf32, #tpu.memory_space<vmem>>, vector<16xf32>,
      %add3A_968 = arith.constant 1.000000e+00 : f32
      %add3A_969 = vector.broadcast %add3A_968 : f32 to vector<16xf32>
      %add3A_970 = arith.addf %get3A_967, %add3A_969 : vector<16xf32>
      %mul3A_971 = arith.constant 1.275000e+02 : f32
      %mul3A_972 = vector.broadcast %mul3A_971 : f32 to vector<16xf32>
      %mul3A_973 = arith.mulf %add3A_970, %mul3A_972 : vector<16xf32>
      %max3A_974 = arith.constant 0.000000e+00 : f32
      %max3A_975 = vector.broadcast %max3A_974 : f32 to vector<16xf32>
      %max3A_976 = arith.maximumf %mul3A_973, %max3A_975 : vector<16xf32>
      %min3A_977 = arith.constant 2.550000e+02 : f32
      %min3A_978 = vector.broadcast %min3A_977 : f32 to vector<16xf32>
      %min3A_979 = arith.minimumf %max3A_976, %min3A_978 : vector<16xf32>
      %convert_element_type3A_980 = arith.fptosi %min3A_979 : vector<16xf32> to vector<16xi32>
      %mul3A_981 = arith.constant 16 : i32
      %mul3A_982 = vector.broadcast %mul3A_981 : i32 to vector<16xi32>
      %mul3A_983 = arith.muli %convert_element_type3A_980, %mul3A_982 : vector<16xi32>
      %add3A_984 = arith.addi %mul3A_983, %iota3A : vector<16xi32>
      tpu.vector_store_idx %arg18[%add3A_984], %broadcast_in_dim3A_244 masked %gt3A_896 {add = true} : memref<4096xf32, #tpu.memory_space<vmem>>[vector<16xi32>], vector<16xf32>, vector<16xi1>
      %get3A_985 = arith.constant 2 : i32
      %get3A_986 = arith.index_cast %get3A_985 : i32 to index
      %get3A_987 = arith.index_cast %shift_right_arithmetic3A_880 : i32 to index
      %get3A_988 = arith.index_cast %mul3A_884 : i32 to index
      %get3A_989 = tpu.vector_load %arg7[%get3A_986, %get3A_987, %get3A_988] {strides = array<i32>} : memref<3x16x512xf32, #tpu.memory_space<vmem>>, vector<16xf32>,
      %add3A_990 = arith.constant 1.000000e+00 : f32
      %add3A_991 = vector.broadcast %add3A_990 : f32 to vector<16xf32>
      %add3A_992 = arith.addf %get3A_989, %add3A_991 : vector<16xf32>
      %mul3A_993 = arith.constant 1.275000e+02 : f32
      %mul3A_994 = vector.broadcast %mul3A_993 : f32 to vector<16xf32>
      %mul3A_995 = arith.mulf %add3A_992, %mul3A_994 : vector<16xf32>
      %max3A_996 = arith.constant 0.000000e+00 : f32
      %max3A_997 = vector.broadcast %max3A_996 : f32 to vector<16xf32>
      %max3A_998 = arith.maximumf %mul3A_995, %max3A_997 : vector<16xf32>
      %min3A_999 = arith.constant 2.550000e+02 : f32
      %min3A_1000 = vector.broadcast %min3A_999 : f32 to vector<16xf32>
      %min3A_1001 = arith.minimumf %max3A_998, %min3A_1000 : vector<16xf32>
      %convert_element_type3A_1002 = arith.fptosi %min3A_1001 : vector<16xf32> to vector<16xi32>
      %mul3A_1003 = arith.constant 16 : i32
      %mul3A_1004 = vector.broadcast %mul3A_1003 : i32 to vector<16xi32>
      %mul3A_1005 = arith.muli %convert_element_type3A_1002, %mul3A_1004 : vector<16xi32>
      %add3A_1006 = arith.addi %mul3A_1005, %iota3A : vector<16xi32>
      tpu.vector_store_idx %arg13[%add3A_1006], %broadcast_in_dim3A_244 masked %gt3A_890 {add = true} : memref<4096xf32, #tpu.memory_space<vmem>>[vector<16xi32>], vector<16xf32>, vector<16xi1>
      tpu.vector_store_idx %arg16[%add3A_1006], %min3A_1001 masked %gt3A_890 {add = true} : memref<4096xf32, #tpu.memory_space<vmem>>[vector<16xi32>], vector<16xf32>, vector<16xi1>
      %get3A_1007 = arith.constant 2 : i32
      %get3A_1008 = arith.index_cast %get3A_1007 : i32 to index
      %get3A_1009 = arith.index_cast %shift_right_arithmetic3A_880 : i32 to index
      %get3A_1010 = arith.index_cast %mul3A_884 : i32 to index
      %get3A_1011 = tpu.vector_load %arg8[%get3A_1008, %get3A_1009, %get3A_1010] {strides = array<i32>} : memref<3x16x512xf32, #tpu.memory_space<vmem>>, vector<16xf32>,
      %add3A_1012 = arith.constant 1.000000e+00 : f32
      %add3A_1013 = vector.broadcast %add3A_1012 : f32 to vector<16xf32>
      %add3A_1014 = arith.addf %get3A_1011, %add3A_1013 : vector<16xf32>
      %mul3A_1015 = arith.constant 1.275000e+02 : f32
      %mul3A_1016 = vector.broadcast %mul3A_1015 : f32 to vector<16xf32>
      %mul3A_1017 = arith.mulf %add3A_1014, %mul3A_1016 : vector<16xf32>
      %max3A_1018 = arith.constant 0.000000e+00 : f32
      %max3A_1019 = vector.broadcast %max3A_1018 : f32 to vector<16xf32>
      %max3A_1020 = arith.maximumf %mul3A_1017, %max3A_1019 : vector<16xf32>
      %min3A_1021 = arith.constant 2.550000e+02 : f32
      %min3A_1022 = vector.broadcast %min3A_1021 : f32 to vector<16xf32>
      %min3A_1023 = arith.minimumf %max3A_1020, %min3A_1022 : vector<16xf32>
      %convert_element_type3A_1024 = arith.fptosi %min3A_1023 : vector<16xf32> to vector<16xi32>
      %mul3A_1025 = arith.constant 16 : i32
      %mul3A_1026 = vector.broadcast %mul3A_1025 : i32 to vector<16xi32>
      %mul3A_1027 = arith.muli %convert_element_type3A_1024, %mul3A_1026 : vector<16xi32>
      %add3A_1028 = arith.addi %mul3A_1027, %iota3A : vector<16xi32>
      tpu.vector_store_idx %arg19[%add3A_1028], %broadcast_in_dim3A_244 masked %gt3A_896 {add = true} : memref<4096xf32, #tpu.memory_space<vmem>>[vector<16xi32>], vector<16xf32>, vector<16xi1>
    }
    %scan3A_250 = arith.constant 128 : i32
    %mul3A_251 = arith.constant 16 : i32
    %mul3A_252 = vector.broadcast %mul3A_251 : i32 to vector<16xi32>
    %mul3A_253 = arith.muli %iota3A, %mul3A_252 : vector<16xi32>
    %add3A_254 = arith.constant 0 : i32
    %add3A_255 = vector.broadcast %add3A_254 : i32 to vector<16xi32>
    %add3A_256 = arith.addi %iota3A, %add3A_255 : vector<16xi32>
    %and3A = arith.constant 15 : i32
    %and3A_257 = vector.broadcast %and3A : i32 to vector<16xi32>
    %and3A_258 = arith.andi %add3A_256, %and3A_257 : vector<16xi32>
    %add3A_259 = arith.addi %mul3A_253, %and3A_258 : vector<16xi32>
    %mul3A_260 = arith.constant 16 : i32
    %mul3A_261 = vector.broadcast %mul3A_260 : i32 to vector<16xi32>
    %mul3A_262 = arith.muli %iota3A, %mul3A_261 : vector<16xi32>
    %add3A_263 = arith.constant 1 : i32
    %add3A_264 = vector.broadcast %add3A_263 : i32 to vector<16xi32>
    %add3A_265 = arith.addi %iota3A, %add3A_264 : vector<16xi32>
    %and3A_266 = arith.constant 15 : i32
    %and3A_267 = vector.broadcast %and3A_266 : i32 to vector<16xi32>
    %and3A_268 = arith.andi %add3A_265, %and3A_267 : vector<16xi32>
    %add3A_269 = arith.addi %mul3A_262, %and3A_268 : vector<16xi32>
    %mul3A_270 = arith.constant 16 : i32
    %mul3A_271 = vector.broadcast %mul3A_270 : i32 to vector<16xi32>
    %mul3A_272 = arith.muli %iota3A, %mul3A_271 : vector<16xi32>
    %add3A_273 = arith.constant 2 : i32
    %add3A_274 = vector.broadcast %add3A_273 : i32 to vector<16xi32>
    %add3A_275 = arith.addi %iota3A, %add3A_274 : vector<16xi32>
    %and3A_276 = arith.constant 15 : i32
    %and3A_277 = vector.broadcast %and3A_276 : i32 to vector<16xi32>
    %and3A_278 = arith.andi %add3A_275, %and3A_277 : vector<16xi32>
    %add3A_279 = arith.addi %mul3A_272, %and3A_278 : vector<16xi32>
    %mul3A_280 = arith.constant 16 : i32
    %mul3A_281 = vector.broadcast %mul3A_280 : i32 to vector<16xi32>
    %mul3A_282 = arith.muli %iota3A, %mul3A_281 : vector<16xi32>
    %add3A_283 = arith.constant 3 : i32
    %add3A_284 = vector.broadcast %add3A_283 : i32 to vector<16xi32>
    %add3A_285 = arith.addi %iota3A, %add3A_284 : vector<16xi32>
    %and3A_286 = arith.constant 15 : i32
    %and3A_287 = vector.broadcast %and3A_286 : i32 to vector<16xi32>
    %and3A_288 = arith.andi %add3A_285, %and3A_287 : vector<16xi32>
    %add3A_289 = arith.addi %mul3A_282, %and3A_288 : vector<16xi32>
    %mul3A_290 = arith.constant 16 : i32
    %mul3A_291 = vector.broadcast %mul3A_290 : i32 to vector<16xi32>
    %mul3A_292 = arith.muli %iota3A, %mul3A_291 : vector<16xi32>
    %add3A_293 = arith.constant 4 : i32
    %add3A_294 = vector.broadcast %add3A_293 : i32 to vector<16xi32>
    %add3A_295 = arith.addi %iota3A, %add3A_294 : vector<16xi32>
    %and3A_296 = arith.constant 15 : i32
    %and3A_297 = vector.broadcast %and3A_296 : i32 to vector<16xi32>
    %and3A_298 = arith.andi %add3A_295, %and3A_297 : vector<16xi32>
    %add3A_299 = arith.addi %mul3A_292, %and3A_298 : vector<16xi32>
    %mul3A_300 = arith.constant 16 : i32
    %mul3A_301 = vector.broadcast %mul3A_300 : i32 to vector<16xi32>
    %mul3A_302 = arith.muli %iota3A, %mul3A_301 : vector<16xi32>
    %add3A_303 = arith.constant 5 : i32
    %add3A_304 = vector.broadcast %add3A_303 : i32 to vector<16xi32>
    %add3A_305 = arith.addi %iota3A, %add3A_304 : vector<16xi32>
    %and3A_306 = arith.constant 15 : i32
    %and3A_307 = vector.broadcast %and3A_306 : i32 to vector<16xi32>
    %and3A_308 = arith.andi %add3A_305, %and3A_307 : vector<16xi32>
    %add3A_309 = arith.addi %mul3A_302, %and3A_308 : vector<16xi32>
    %mul3A_310 = arith.constant 16 : i32
    %mul3A_311 = vector.broadcast %mul3A_310 : i32 to vector<16xi32>
    %mul3A_312 = arith.muli %iota3A, %mul3A_311 : vector<16xi32>
    %add3A_313 = arith.constant 6 : i32
    %add3A_314 = vector.broadcast %add3A_313 : i32 to vector<16xi32>
    %add3A_315 = arith.addi %iota3A, %add3A_314 : vector<16xi32>
    %and3A_316 = arith.constant 15 : i32
    %and3A_317 = vector.broadcast %and3A_316 : i32 to vector<16xi32>
    %and3A_318 = arith.andi %add3A_315, %and3A_317 : vector<16xi32>
    %add3A_319 = arith.addi %mul3A_312, %and3A_318 : vector<16xi32>
    %mul3A_320 = arith.constant 16 : i32
    %mul3A_321 = vector.broadcast %mul3A_320 : i32 to vector<16xi32>
    %mul3A_322 = arith.muli %iota3A, %mul3A_321 : vector<16xi32>
    %add3A_323 = arith.constant 7 : i32
    %add3A_324 = vector.broadcast %add3A_323 : i32 to vector<16xi32>
    %add3A_325 = arith.addi %iota3A, %add3A_324 : vector<16xi32>
    %and3A_326 = arith.constant 15 : i32
    %and3A_327 = vector.broadcast %and3A_326 : i32 to vector<16xi32>
    %and3A_328 = arith.andi %add3A_325, %and3A_327 : vector<16xi32>
    %add3A_329 = arith.addi %mul3A_322, %and3A_328 : vector<16xi32>
    %mul3A_330 = arith.constant 16 : i32
    %mul3A_331 = vector.broadcast %mul3A_330 : i32 to vector<16xi32>
    %mul3A_332 = arith.muli %iota3A, %mul3A_331 : vector<16xi32>
    %add3A_333 = arith.constant 8 : i32
    %add3A_334 = vector.broadcast %add3A_333 : i32 to vector<16xi32>
    %add3A_335 = arith.addi %iota3A, %add3A_334 : vector<16xi32>
    %and3A_336 = arith.constant 15 : i32
    %and3A_337 = vector.broadcast %and3A_336 : i32 to vector<16xi32>
    %and3A_338 = arith.andi %add3A_335, %and3A_337 : vector<16xi32>
    %add3A_339 = arith.addi %mul3A_332, %and3A_338 : vector<16xi32>
    %mul3A_340 = arith.constant 16 : i32
    %mul3A_341 = vector.broadcast %mul3A_340 : i32 to vector<16xi32>
    %mul3A_342 = arith.muli %iota3A, %mul3A_341 : vector<16xi32>
    %add3A_343 = arith.constant 9 : i32
    %add3A_344 = vector.broadcast %add3A_343 : i32 to vector<16xi32>
    %add3A_345 = arith.addi %iota3A, %add3A_344 : vector<16xi32>
    %and3A_346 = arith.constant 15 : i32
    %and3A_347 = vector.broadcast %and3A_346 : i32 to vector<16xi32>
    %and3A_348 = arith.andi %add3A_345, %and3A_347 : vector<16xi32>
    %add3A_349 = arith.addi %mul3A_342, %and3A_348 : vector<16xi32>
    %mul3A_350 = arith.constant 16 : i32
    %mul3A_351 = vector.broadcast %mul3A_350 : i32 to vector<16xi32>
    %mul3A_352 = arith.muli %iota3A, %mul3A_351 : vector<16xi32>
    %add3A_353 = arith.constant 10 : i32
    %add3A_354 = vector.broadcast %add3A_353 : i32 to vector<16xi32>
    %add3A_355 = arith.addi %iota3A, %add3A_354 : vector<16xi32>
    %and3A_356 = arith.constant 15 : i32
    %and3A_357 = vector.broadcast %and3A_356 : i32 to vector<16xi32>
    %and3A_358 = arith.andi %add3A_355, %and3A_357 : vector<16xi32>
    %add3A_359 = arith.addi %mul3A_352, %and3A_358 : vector<16xi32>
    %mul3A_360 = arith.constant 16 : i32
    %mul3A_361 = vector.broadcast %mul3A_360 : i32 to vector<16xi32>
    %mul3A_362 = arith.muli %iota3A, %mul3A_361 : vector<16xi32>
    %add3A_363 = arith.constant 11 : i32
    %add3A_364 = vector.broadcast %add3A_363 : i32 to vector<16xi32>
    %add3A_365 = arith.addi %iota3A, %add3A_364 : vector<16xi32>
    %and3A_366 = arith.constant 15 : i32
    %and3A_367 = vector.broadcast %and3A_366 : i32 to vector<16xi32>
    %and3A_368 = arith.andi %add3A_365, %and3A_367 : vector<16xi32>
    %add3A_369 = arith.addi %mul3A_362, %and3A_368 : vector<16xi32>
    %mul3A_370 = arith.constant 16 : i32
    %mul3A_371 = vector.broadcast %mul3A_370 : i32 to vector<16xi32>
    %mul3A_372 = arith.muli %iota3A, %mul3A_371 : vector<16xi32>
    %add3A_373 = arith.constant 12 : i32
    %add3A_374 = vector.broadcast %add3A_373 : i32 to vector<16xi32>
    %add3A_375 = arith.addi %iota3A, %add3A_374 : vector<16xi32>
    %and3A_376 = arith.constant 15 : i32
    %and3A_377 = vector.broadcast %and3A_376 : i32 to vector<16xi32>
    %and3A_378 = arith.andi %add3A_375, %and3A_377 : vector<16xi32>
    %add3A_379 = arith.addi %mul3A_372, %and3A_378 : vector<16xi32>
    %mul3A_380 = arith.constant 16 : i32
    %mul3A_381 = vector.broadcast %mul3A_380 : i32 to vector<16xi32>
    %mul3A_382 = arith.muli %iota3A, %mul3A_381 : vector<16xi32>
    %add3A_383 = arith.constant 13 : i32
    %add3A_384 = vector.broadcast %add3A_383 : i32 to vector<16xi32>
    %add3A_385 = arith.addi %iota3A, %add3A_384 : vector<16xi32>
    %and3A_386 = arith.constant 15 : i32
    %and3A_387 = vector.broadcast %and3A_386 : i32 to vector<16xi32>
    %and3A_388 = arith.andi %add3A_385, %and3A_387 : vector<16xi32>
    %add3A_389 = arith.addi %mul3A_382, %and3A_388 : vector<16xi32>
    %mul3A_390 = arith.constant 16 : i32
    %mul3A_391 = vector.broadcast %mul3A_390 : i32 to vector<16xi32>
    %mul3A_392 = arith.muli %iota3A, %mul3A_391 : vector<16xi32>
    %add3A_393 = arith.constant 14 : i32
    %add3A_394 = vector.broadcast %add3A_393 : i32 to vector<16xi32>
    %add3A_395 = arith.addi %iota3A, %add3A_394 : vector<16xi32>
    %and3A_396 = arith.constant 15 : i32
    %and3A_397 = vector.broadcast %and3A_396 : i32 to vector<16xi32>
    %and3A_398 = arith.andi %add3A_395, %and3A_397 : vector<16xi32>
    %add3A_399 = arith.addi %mul3A_392, %and3A_398 : vector<16xi32>
    %mul3A_400 = arith.constant 16 : i32
    %mul3A_401 = vector.broadcast %mul3A_400 : i32 to vector<16xi32>
    %mul3A_402 = arith.muli %iota3A, %mul3A_401 : vector<16xi32>
    %add3A_403 = arith.constant 15 : i32
    %add3A_404 = vector.broadcast %add3A_403 : i32 to vector<16xi32>
    %add3A_405 = arith.addi %iota3A, %add3A_404 : vector<16xi32>
    %and3A_406 = arith.constant 15 : i32
    %and3A_407 = vector.broadcast %and3A_406 : i32 to vector<16xi32>
    %and3A_408 = arith.andi %add3A_405, %and3A_407 : vector<16xi32>
    %add3A_409 = arith.addi %mul3A_402, %and3A_408 : vector<16xi32>
    %scan3A_410 = arith.constant 0 : i32
    %scan3A_411 = arith.constant 0 : i32
    %scan3A_412 = arith.constant 16 : i32
    %scan3A_413 = arith.addi %scan3A_411, %scan3A_412 : i32
    %scan3A_414 = arith.constant 1 : i32
    scf.for %scan3A_418 = %scan3A_411 to %scan3A_413 step %scan3A_414  : i32 {
      %mul3A_419 = arith.constant 256 : i32
      %mul3A_420 = arith.muli %scan3A_418, %mul3A_419 : i32
      %add3A_421 = vector.broadcast %mul3A_420 : i32 to vector<16xi32>
      %add3A_422 = arith.addi %add3A_259, %add3A_421 : vector<16xi32>
      %gather3A = tpu.vector_load_idx %arg11[%add3A_422] : memref<4096xf32, #tpu.memory_space<vmem>>[vector<16xi32>], vector<16xf32>,
      %mul3A_423 = arith.constant 256 : i32
      %mul3A_424 = arith.muli %scan3A_418, %mul3A_423 : i32
      %add3A_425 = vector.broadcast %mul3A_424 : i32 to vector<16xi32>
      %add3A_426 = arith.addi %add3A_269, %add3A_425 : vector<16xi32>
      %gather3A_427 = tpu.vector_load_idx %arg11[%add3A_426] : memref<4096xf32, #tpu.memory_space<vmem>>[vector<16xi32>], vector<16xf32>,
      %add3A_428 = arith.addf %gather3A, %gather3A_427 : vector<16xf32>
      %mul3A_429 = arith.constant 256 : i32
      %mul3A_430 = arith.muli %scan3A_418, %mul3A_429 : i32
      %add3A_431 = vector.broadcast %mul3A_430 : i32 to vector<16xi32>
      %add3A_432 = arith.addi %add3A_279, %add3A_431 : vector<16xi32>
      %gather3A_433 = tpu.vector_load_idx %arg11[%add3A_432] : memref<4096xf32, #tpu.memory_space<vmem>>[vector<16xi32>], vector<16xf32>,
      %add3A_434 = arith.addf %add3A_428, %gather3A_433 : vector<16xf32>
      %mul3A_435 = arith.constant 256 : i32
      %mul3A_436 = arith.muli %scan3A_418, %mul3A_435 : i32
      %add3A_437 = vector.broadcast %mul3A_436 : i32 to vector<16xi32>
      %add3A_438 = arith.addi %add3A_289, %add3A_437 : vector<16xi32>
      %gather3A_439 = tpu.vector_load_idx %arg11[%add3A_438] : memref<4096xf32, #tpu.memory_space<vmem>>[vector<16xi32>], vector<16xf32>,
      %add3A_440 = arith.addf %add3A_434, %gather3A_439 : vector<16xf32>
      %mul3A_441 = arith.constant 256 : i32
      %mul3A_442 = arith.muli %scan3A_418, %mul3A_441 : i32
      %add3A_443 = vector.broadcast %mul3A_442 : i32 to vector<16xi32>
      %add3A_444 = arith.addi %add3A_299, %add3A_443 : vector<16xi32>
      %gather3A_445 = tpu.vector_load_idx %arg11[%add3A_444] : memref<4096xf32, #tpu.memory_space<vmem>>[vector<16xi32>], vector<16xf32>,
      %add3A_446 = arith.addf %add3A_440, %gather3A_445 : vector<16xf32>
      %mul3A_447 = arith.constant 256 : i32
      %mul3A_448 = arith.muli %scan3A_418, %mul3A_447 : i32
      %add3A_449 = vector.broadcast %mul3A_448 : i32 to vector<16xi32>
      %add3A_450 = arith.addi %add3A_309, %add3A_449 : vector<16xi32>
      %gather3A_451 = tpu.vector_load_idx %arg11[%add3A_450] : memref<4096xf32, #tpu.memory_space<vmem>>[vector<16xi32>], vector<16xf32>,
      %add3A_452 = arith.addf %add3A_446, %gather3A_451 : vector<16xf32>
      %mul3A_453 = arith.constant 256 : i32
      %mul3A_454 = arith.muli %scan3A_418, %mul3A_453 : i32
      %add3A_455 = vector.broadcast %mul3A_454 : i32 to vector<16xi32>
      %add3A_456 = arith.addi %add3A_319, %add3A_455 : vector<16xi32>
      %gather3A_457 = tpu.vector_load_idx %arg11[%add3A_456] : memref<4096xf32, #tpu.memory_space<vmem>>[vector<16xi32>], vector<16xf32>,
      %add3A_458 = arith.addf %add3A_452, %gather3A_457 : vector<16xf32>
      %mul3A_459 = arith.constant 256 : i32
      %mul3A_460 = arith.muli %scan3A_418, %mul3A_459 : i32
      %add3A_461 = vector.broadcast %mul3A_460 : i32 to vector<16xi32>
      %add3A_462 = arith.addi %add3A_329, %add3A_461 : vector<16xi32>
      %gather3A_463 = tpu.vector_load_idx %arg11[%add3A_462] : memref<4096xf32, #tpu.memory_space<vmem>>[vector<16xi32>], vector<16xf32>,
      %add3A_464 = arith.addf %add3A_458, %gather3A_463 : vector<16xf32>
      %mul3A_465 = arith.constant 256 : i32
      %mul3A_466 = arith.muli %scan3A_418, %mul3A_465 : i32
      %add3A_467 = vector.broadcast %mul3A_466 : i32 to vector<16xi32>
      %add3A_468 = arith.addi %add3A_339, %add3A_467 : vector<16xi32>
      %gather3A_469 = tpu.vector_load_idx %arg11[%add3A_468] : memref<4096xf32, #tpu.memory_space<vmem>>[vector<16xi32>], vector<16xf32>,
      %add3A_470 = arith.addf %add3A_464, %gather3A_469 : vector<16xf32>
      %mul3A_471 = arith.constant 256 : i32
      %mul3A_472 = arith.muli %scan3A_418, %mul3A_471 : i32
      %add3A_473 = vector.broadcast %mul3A_472 : i32 to vector<16xi32>
      %add3A_474 = arith.addi %add3A_349, %add3A_473 : vector<16xi32>
      %gather3A_475 = tpu.vector_load_idx %arg11[%add3A_474] : memref<4096xf32, #tpu.memory_space<vmem>>[vector<16xi32>], vector<16xf32>,
      %add3A_476 = arith.addf %add3A_470, %gather3A_475 : vector<16xf32>
      %mul3A_477 = arith.constant 256 : i32
      %mul3A_478 = arith.muli %scan3A_418, %mul3A_477 : i32
      %add3A_479 = vector.broadcast %mul3A_478 : i32 to vector<16xi32>
      %add3A_480 = arith.addi %add3A_359, %add3A_479 : vector<16xi32>
      %gather3A_481 = tpu.vector_load_idx %arg11[%add3A_480] : memref<4096xf32, #tpu.memory_space<vmem>>[vector<16xi32>], vector<16xf32>,
      %add3A_482 = arith.addf %add3A_476, %gather3A_481 : vector<16xf32>
      %mul3A_483 = arith.constant 256 : i32
      %mul3A_484 = arith.muli %scan3A_418, %mul3A_483 : i32
      %add3A_485 = vector.broadcast %mul3A_484 : i32 to vector<16xi32>
      %add3A_486 = arith.addi %add3A_369, %add3A_485 : vector<16xi32>
      %gather3A_487 = tpu.vector_load_idx %arg11[%add3A_486] : memref<4096xf32, #tpu.memory_space<vmem>>[vector<16xi32>], vector<16xf32>,
      %add3A_488 = arith.addf %add3A_482, %gather3A_487 : vector<16xf32>
      %mul3A_489 = arith.constant 256 : i32
      %mul3A_490 = arith.muli %scan3A_418, %mul3A_489 : i32
      %add3A_491 = vector.broadcast %mul3A_490 : i32 to vector<16xi32>
      %add3A_492 = arith.addi %add3A_379, %add3A_491 : vector<16xi32>
      %gather3A_493 = tpu.vector_load_idx %arg11[%add3A_492] : memref<4096xf32, #tpu.memory_space<vmem>>[vector<16xi32>], vector<16xf32>,
      %add3A_494 = arith.addf %add3A_488, %gather3A_493 : vector<16xf32>
      %mul3A_495 = arith.constant 256 : i32
      %mul3A_496 = arith.muli %scan3A_418, %mul3A_495 : i32
      %add3A_497 = vector.broadcast %mul3A_496 : i32 to vector<16xi32>
      %add3A_498 = arith.addi %add3A_389, %add3A_497 : vector<16xi32>
      %gather3A_499 = tpu.vector_load_idx %arg11[%add3A_498] : memref<4096xf32, #tpu.memory_space<vmem>>[vector<16xi32>], vector<16xf32>,
      %add3A_500 = arith.addf %add3A_494, %gather3A_499 : vector<16xf32>
      %mul3A_501 = arith.constant 256 : i32
      %mul3A_502 = arith.muli %scan3A_418, %mul3A_501 : i32
      %add3A_503 = vector.broadcast %mul3A_502 : i32 to vector<16xi32>
      %add3A_504 = arith.addi %add3A_399, %add3A_503 : vector<16xi32>
      %gather3A_505 = tpu.vector_load_idx %arg11[%add3A_504] : memref<4096xf32, #tpu.memory_space<vmem>>[vector<16xi32>], vector<16xf32>,
      %add3A_506 = arith.addf %add3A_500, %gather3A_505 : vector<16xf32>
      %mul3A_507 = arith.constant 256 : i32
      %mul3A_508 = arith.muli %scan3A_418, %mul3A_507 : i32
      %add3A_509 = vector.broadcast %mul3A_508 : i32 to vector<16xi32>
      %add3A_510 = arith.addi %add3A_409, %add3A_509 : vector<16xi32>
      %gather3A_511 = tpu.vector_load_idx %arg11[%add3A_510] : memref<4096xf32, #tpu.memory_space<vmem>>[vector<16xi32>], vector<16xf32>,
      %add3A_512 = arith.addf %add3A_506, %gather3A_511 : vector<16xf32>
      %mul3A_513 = arith.constant 16 : i32
      %mul3A_514 = arith.muli %scan3A_418, %mul3A_513 : i32
      %add3A_515 = arith.constant 0 : i32
      %add3A_516 = arith.addi %add3A_515, %mul3A_514 : i32
      %swap3A = arith.index_cast %add3A_516 : i32 to index
      %swap3A_517 = tpu.vector_load %arg20[%swap3A] {strides = array<i32>} : memref<2304xf32, #tpu.memory_space<vmem>>, vector<16xf32>,
      tpu.vector_store %arg20[%swap3A], %add3A_512 {strides = array<i32>} : memref<2304xf32, #tpu.memory_space<vmem>>, vector<16xf32>,
      %mul3A_518 = arith.constant 256 : i32
      %mul3A_519 = arith.muli %scan3A_418, %mul3A_518 : i32
      %add3A_520 = vector.broadcast %mul3A_519 : i32 to vector<16xi32>
      %add3A_521 = arith.addi %add3A_259, %add3A_520 : vector<16xi32>
      %gather3A_522 = tpu.vector_load_idx %arg12[%add3A_521] : memref<4096xf32, #tpu.memory_space<vmem>>[vector<16xi32>], vector<16xf32>,
      %mul3A_523 = arith.constant 256 : i32
      %mul3A_524 = arith.muli %scan3A_418, %mul3A_523 : i32
      %add3A_525 = vector.broadcast %mul3A_524 : i32 to vector<16xi32>
      %add3A_526 = arith.addi %add3A_269, %add3A_525 : vector<16xi32>
      %gather3A_527 = tpu.vector_load_idx %arg12[%add3A_526] : memref<4096xf32, #tpu.memory_space<vmem>>[vector<16xi32>], vector<16xf32>,
      %add3A_528 = arith.addf %gather3A_522, %gather3A_527 : vector<16xf32>
      %mul3A_529 = arith.constant 256 : i32
      %mul3A_530 = arith.muli %scan3A_418, %mul3A_529 : i32
      %add3A_531 = vector.broadcast %mul3A_530 : i32 to vector<16xi32>
      %add3A_532 = arith.addi %add3A_279, %add3A_531 : vector<16xi32>
      %gather3A_533 = tpu.vector_load_idx %arg12[%add3A_532] : memref<4096xf32, #tpu.memory_space<vmem>>[vector<16xi32>], vector<16xf32>,
      %add3A_534 = arith.addf %add3A_528, %gather3A_533 : vector<16xf32>
      %mul3A_535 = arith.constant 256 : i32
      %mul3A_536 = arith.muli %scan3A_418, %mul3A_535 : i32
      %add3A_537 = vector.broadcast %mul3A_536 : i32 to vector<16xi32>
      %add3A_538 = arith.addi %add3A_289, %add3A_537 : vector<16xi32>
      %gather3A_539 = tpu.vector_load_idx %arg12[%add3A_538] : memref<4096xf32, #tpu.memory_space<vmem>>[vector<16xi32>], vector<16xf32>,
      %add3A_540 = arith.addf %add3A_534, %gather3A_539 : vector<16xf32>
      %mul3A_541 = arith.constant 256 : i32
      %mul3A_542 = arith.muli %scan3A_418, %mul3A_541 : i32
      %add3A_543 = vector.broadcast %mul3A_542 : i32 to vector<16xi32>
      %add3A_544 = arith.addi %add3A_299, %add3A_543 : vector<16xi32>
      %gather3A_545 = tpu.vector_load_idx %arg12[%add3A_544] : memref<4096xf32, #tpu.memory_space<vmem>>[vector<16xi32>], vector<16xf32>,
      %add3A_546 = arith.addf %add3A_540, %gather3A_545 : vector<16xf32>
      %mul3A_547 = arith.constant 256 : i32
      %mul3A_548 = arith.muli %scan3A_418, %mul3A_547 : i32
      %add3A_549 = vector.broadcast %mul3A_548 : i32 to vector<16xi32>
      %add3A_550 = arith.addi %add3A_309, %add3A_549 : vector<16xi32>
      %gather3A_551 = tpu.vector_load_idx %arg12[%add3A_550] : memref<4096xf32, #tpu.memory_space<vmem>>[vector<16xi32>], vector<16xf32>,
      %add3A_552 = arith.addf %add3A_546, %gather3A_551 : vector<16xf32>
      %mul3A_553 = arith.constant 256 : i32
      %mul3A_554 = arith.muli %scan3A_418, %mul3A_553 : i32
      %add3A_555 = vector.broadcast %mul3A_554 : i32 to vector<16xi32>
      %add3A_556 = arith.addi %add3A_319, %add3A_555 : vector<16xi32>
      %gather3A_557 = tpu.vector_load_idx %arg12[%add3A_556] : memref<4096xf32, #tpu.memory_space<vmem>>[vector<16xi32>], vector<16xf32>,
      %add3A_558 = arith.addf %add3A_552, %gather3A_557 : vector<16xf32>
      %mul3A_559 = arith.constant 256 : i32
      %mul3A_560 = arith.muli %scan3A_418, %mul3A_559 : i32
      %add3A_561 = vector.broadcast %mul3A_560 : i32 to vector<16xi32>
      %add3A_562 = arith.addi %add3A_329, %add3A_561 : vector<16xi32>
      %gather3A_563 = tpu.vector_load_idx %arg12[%add3A_562] : memref<4096xf32, #tpu.memory_space<vmem>>[vector<16xi32>], vector<16xf32>,
      %add3A_564 = arith.addf %add3A_558, %gather3A_563 : vector<16xf32>
      %mul3A_565 = arith.constant 256 : i32
      %mul3A_566 = arith.muli %scan3A_418, %mul3A_565 : i32
      %add3A_567 = vector.broadcast %mul3A_566 : i32 to vector<16xi32>
      %add3A_568 = arith.addi %add3A_339, %add3A_567 : vector<16xi32>
      %gather3A_569 = tpu.vector_load_idx %arg12[%add3A_568] : memref<4096xf32, #tpu.memory_space<vmem>>[vector<16xi32>], vector<16xf32>,
      %add3A_570 = arith.addf %add3A_564, %gather3A_569 : vector<16xf32>
      %mul3A_571 = arith.constant 256 : i32
      %mul3A_572 = arith.muli %scan3A_418, %mul3A_571 : i32
      %add3A_573 = vector.broadcast %mul3A_572 : i32 to vector<16xi32>
      %add3A_574 = arith.addi %add3A_349, %add3A_573 : vector<16xi32>
      %gather3A_575 = tpu.vector_load_idx %arg12[%add3A_574] : memref<4096xf32, #tpu.memory_space<vmem>>[vector<16xi32>], vector<16xf32>,
      %add3A_576 = arith.addf %add3A_570, %gather3A_575 : vector<16xf32>
      %mul3A_577 = arith.constant 256 : i32
      %mul3A_578 = arith.muli %scan3A_418, %mul3A_577 : i32
      %add3A_579 = vector.broadcast %mul3A_578 : i32 to vector<16xi32>
      %add3A_580 = arith.addi %add3A_359, %add3A_579 : vector<16xi32>
      %gather3A_581 = tpu.vector_load_idx %arg12[%add3A_580] : memref<4096xf32, #tpu.memory_space<vmem>>[vector<16xi32>], vector<16xf32>,
      %add3A_582 = arith.addf %add3A_576, %gather3A_581 : vector<16xf32>
      %mul3A_583 = arith.constant 256 : i32
      %mul3A_584 = arith.muli %scan3A_418, %mul3A_583 : i32
      %add3A_585 = vector.broadcast %mul3A_584 : i32 to vector<16xi32>
      %add3A_586 = arith.addi %add3A_369, %add3A_585 : vector<16xi32>
      %gather3A_587 = tpu.vector_load_idx %arg12[%add3A_586] : memref<4096xf32, #tpu.memory_space<vmem>>[vector<16xi32>], vector<16xf32>,
      %add3A_588 = arith.addf %add3A_582, %gather3A_587 : vector<16xf32>
      %mul3A_589 = arith.constant 256 : i32
      %mul3A_590 = arith.muli %scan3A_418, %mul3A_589 : i32
      %add3A_591 = vector.broadcast %mul3A_590 : i32 to vector<16xi32>
      %add3A_592 = arith.addi %add3A_379, %add3A_591 : vector<16xi32>
      %gather3A_593 = tpu.vector_load_idx %arg12[%add3A_592] : memref<4096xf32, #tpu.memory_space<vmem>>[vector<16xi32>], vector<16xf32>,
      %add3A_594 = arith.addf %add3A_588, %gather3A_593 : vector<16xf32>
      %mul3A_595 = arith.constant 256 : i32
      %mul3A_596 = arith.muli %scan3A_418, %mul3A_595 : i32
      %add3A_597 = vector.broadcast %mul3A_596 : i32 to vector<16xi32>
      %add3A_598 = arith.addi %add3A_389, %add3A_597 : vector<16xi32>
      %gather3A_599 = tpu.vector_load_idx %arg12[%add3A_598] : memref<4096xf32, #tpu.memory_space<vmem>>[vector<16xi32>], vector<16xf32>,
      %add3A_600 = arith.addf %add3A_594, %gather3A_599 : vector<16xf32>
      %mul3A_601 = arith.constant 256 : i32
      %mul3A_602 = arith.muli %scan3A_418, %mul3A_601 : i32
      %add3A_603 = vector.broadcast %mul3A_602 : i32 to vector<16xi32>
      %add3A_604 = arith.addi %add3A_399, %add3A_603 : vector<16xi32>
      %gather3A_605 = tpu.vector_load_idx %arg12[%add3A_604] : memref<4096xf32, #tpu.memory_space<vmem>>[vector<16xi32>], vector<16xf32>,
      %add3A_606 = arith.addf %add3A_600, %gather3A_605 : vector<16xf32>
      %mul3A_607 = arith.constant 256 : i32
      %mul3A_608 = arith.muli %scan3A_418, %mul3A_607 : i32
      %add3A_609 = vector.broadcast %mul3A_608 : i32 to vector<16xi32>
      %add3A_610 = arith.addi %add3A_409, %add3A_609 : vector<16xi32>
      %gather3A_611 = tpu.vector_load_idx %arg12[%add3A_610] : memref<4096xf32, #tpu.memory_space<vmem>>[vector<16xi32>], vector<16xf32>,
      %add3A_612 = arith.addf %add3A_606, %gather3A_611 : vector<16xf32>
      %mul3A_613 = arith.constant 16 : i32
      %mul3A_614 = arith.muli %scan3A_418, %mul3A_613 : i32
      %add3A_615 = arith.constant 256 : i32
      %add3A_616 = arith.addi %add3A_615, %mul3A_614 : i32
      %swap3A_617 = arith.index_cast %add3A_616 : i32 to index
      %swap3A_618 = tpu.vector_load %arg20[%swap3A_617] {strides = array<i32>} : memref<2304xf32, #tpu.memory_space<vmem>>, vector<16xf32>,
      tpu.vector_store %arg20[%swap3A_617], %add3A_612 {strides = array<i32>} : memref<2304xf32, #tpu.memory_space<vmem>>, vector<16xf32>,
      %mul3A_619 = arith.constant 256 : i32
      %mul3A_620 = arith.muli %scan3A_418, %mul3A_619 : i32
      %add3A_621 = vector.broadcast %mul3A_620 : i32 to vector<16xi32>
      %add3A_622 = arith.addi %add3A_259, %add3A_621 : vector<16xi32>
      %gather3A_623 = tpu.vector_load_idx %arg13[%add3A_622] : memref<4096xf32, #tpu.memory_space<vmem>>[vector<16xi32>], vector<16xf32>,
      %mul3A_624 = arith.constant 256 : i32
      %mul3A_625 = arith.muli %scan3A_418, %mul3A_624 : i32
      %add3A_626 = vector.broadcast %mul3A_625 : i32 to vector<16xi32>
      %add3A_627 = arith.addi %add3A_269, %add3A_626 : vector<16xi32>
      %gather3A_628 = tpu.vector_load_idx %arg13[%add3A_627] : memref<4096xf32, #tpu.memory_space<vmem>>[vector<16xi32>], vector<16xf32>,
      %add3A_629 = arith.addf %gather3A_623, %gather3A_628 : vector<16xf32>
      %mul3A_630 = arith.constant 256 : i32
      %mul3A_631 = arith.muli %scan3A_418, %mul3A_630 : i32
      %add3A_632 = vector.broadcast %mul3A_631 : i32 to vector<16xi32>
      %add3A_633 = arith.addi %add3A_279, %add3A_632 : vector<16xi32>
      %gather3A_634 = tpu.vector_load_idx %arg13[%add3A_633] : memref<4096xf32, #tpu.memory_space<vmem>>[vector<16xi32>], vector<16xf32>,
      %add3A_635 = arith.addf %add3A_629, %gather3A_634 : vector<16xf32>
      %mul3A_636 = arith.constant 256 : i32
      %mul3A_637 = arith.muli %scan3A_418, %mul3A_636 : i32
      %add3A_638 = vector.broadcast %mul3A_637 : i32 to vector<16xi32>
      %add3A_639 = arith.addi %add3A_289, %add3A_638 : vector<16xi32>
      %gather3A_640 = tpu.vector_load_idx %arg13[%add3A_639] : memref<4096xf32, #tpu.memory_space<vmem>>[vector<16xi32>], vector<16xf32>,
      %add3A_641 = arith.addf %add3A_635, %gather3A_640 : vector<16xf32>
      %mul3A_642 = arith.constant 256 : i32
      %mul3A_643 = arith.muli %scan3A_418, %mul3A_642 : i32
      %add3A_644 = vector.broadcast %mul3A_643 : i32 to vector<16xi32>
      %add3A_645 = arith.addi %add3A_299, %add3A_644 : vector<16xi32>
      %gather3A_646 = tpu.vector_load_idx %arg13[%add3A_645] : memref<4096xf32, #tpu.memory_space<vmem>>[vector<16xi32>], vector<16xf32>,
      %add3A_647 = arith.addf %add3A_641, %gather3A_646 : vector<16xf32>
      %mul3A_648 = arith.constant 256 : i32
      %mul3A_649 = arith.muli %scan3A_418, %mul3A_648 : i32
      %add3A_650 = vector.broadcast %mul3A_649 : i32 to vector<16xi32>
      %add3A_651 = arith.addi %add3A_309, %add3A_650 : vector<16xi32>
      %gather3A_652 = tpu.vector_load_idx %arg13[%add3A_651] : memref<4096xf32, #tpu.memory_space<vmem>>[vector<16xi32>], vector<16xf32>,
      %add3A_653 = arith.addf %add3A_647, %gather3A_652 : vector<16xf32>
      %mul3A_654 = arith.constant 256 : i32
      %mul3A_655 = arith.muli %scan3A_418, %mul3A_654 : i32
      %add3A_656 = vector.broadcast %mul3A_655 : i32 to vector<16xi32>
      %add3A_657 = arith.addi %add3A_319, %add3A_656 : vector<16xi32>
      %gather3A_658 = tpu.vector_load_idx %arg13[%add3A_657] : memref<4096xf32, #tpu.memory_space<vmem>>[vector<16xi32>], vector<16xf32>,
      %add3A_659 = arith.addf %add3A_653, %gather3A_658 : vector<16xf32>
      %mul3A_660 = arith.constant 256 : i32
      %mul3A_661 = arith.muli %scan3A_418, %mul3A_660 : i32
      %add3A_662 = vector.broadcast %mul3A_661 : i32 to vector<16xi32>
      %add3A_663 = arith.addi %add3A_329, %add3A_662 : vector<16xi32>
      %gather3A_664 = tpu.vector_load_idx %arg13[%add3A_663] : memref<4096xf32, #tpu.memory_space<vmem>>[vector<16xi32>], vector<16xf32>,
      %add3A_665 = arith.addf %add3A_659, %gather3A_664 : vector<16xf32>
      %mul3A_666 = arith.constant 256 : i32
      %mul3A_667 = arith.muli %scan3A_418, %mul3A_666 : i32
      %add3A_668 = vector.broadcast %mul3A_667 : i32 to vector<16xi32>
      %add3A_669 = arith.addi %add3A_339, %add3A_668 : vector<16xi32>
      %gather3A_670 = tpu.vector_load_idx %arg13[%add3A_669] : memref<4096xf32, #tpu.memory_space<vmem>>[vector<16xi32>], vector<16xf32>,
      %add3A_671 = arith.addf %add3A_665, %gather3A_670 : vector<16xf32>
      %mul3A_672 = arith.constant 256 : i32
      %mul3A_673 = arith.muli %scan3A_418, %mul3A_672 : i32
      %add3A_674 = vector.broadcast %mul3A_673 : i32 to vector<16xi32>
      %add3A_675 = arith.addi %add3A_349, %add3A_674 : vector<16xi32>
      %gather3A_676 = tpu.vector_load_idx %arg13[%add3A_675] : memref<4096xf32, #tpu.memory_space<vmem>>[vector<16xi32>], vector<16xf32>,
      %add3A_677 = arith.addf %add3A_671, %gather3A_676 : vector<16xf32>
      %mul3A_678 = arith.constant 256 : i32
      %mul3A_679 = arith.muli %scan3A_418, %mul3A_678 : i32
      %add3A_680 = vector.broadcast %mul3A_679 : i32 to vector<16xi32>
      %add3A_681 = arith.addi %add3A_359, %add3A_680 : vector<16xi32>
      %gather3A_682 = tpu.vector_load_idx %arg13[%add3A_681] : memref<4096xf32, #tpu.memory_space<vmem>>[vector<16xi32>], vector<16xf32>,
      %add3A_683 = arith.addf %add3A_677, %gather3A_682 : vector<16xf32>
      %mul3A_684 = arith.constant 256 : i32
      %mul3A_685 = arith.muli %scan3A_418, %mul3A_684 : i32
      %add3A_686 = vector.broadcast %mul3A_685 : i32 to vector<16xi32>
      %add3A_687 = arith.addi %add3A_369, %add3A_686 : vector<16xi32>
      %gather3A_688 = tpu.vector_load_idx %arg13[%add3A_687] : memref<4096xf32, #tpu.memory_space<vmem>>[vector<16xi32>], vector<16xf32>,
      %add3A_689 = arith.addf %add3A_683, %gather3A_688 : vector<16xf32>
      %mul3A_690 = arith.constant 256 : i32
      %mul3A_691 = arith.muli %scan3A_418, %mul3A_690 : i32
      %add3A_692 = vector.broadcast %mul3A_691 : i32 to vector<16xi32>
      %add3A_693 = arith.addi %add3A_379, %add3A_692 : vector<16xi32>
      %gather3A_694 = tpu.vector_load_idx %arg13[%add3A_693] : memref<4096xf32, #tpu.memory_space<vmem>>[vector<16xi32>], vector<16xf32>,
      %add3A_695 = arith.addf %add3A_689, %gather3A_694 : vector<16xf32>
      %mul3A_696 = arith.constant 256 : i32
      %mul3A_697 = arith.muli %scan3A_418, %mul3A_696 : i32
      %add3A_698 = vector.broadcast %mul3A_697 : i32 to vector<16xi32>
      %add3A_699 = arith.addi %add3A_389, %add3A_698 : vector<16xi32>
      %gather3A_700 = tpu.vector_load_idx %arg13[%add3A_699] : memref<4096xf32, #tpu.memory_space<vmem>>[vector<16xi32>], vector<16xf32>,
      %add3A_701 = arith.addf %add3A_695, %gather3A_700 : vector<16xf32>
      %mul3A_702 = arith.constant 256 : i32
      %mul3A_703 = arith.muli %scan3A_418, %mul3A_702 : i32
      %add3A_704 = vector.broadcast %mul3A_703 : i32 to vector<16xi32>
      %add3A_705 = arith.addi %add3A_399, %add3A_704 : vector<16xi32>
      %gather3A_706 = tpu.vector_load_idx %arg13[%add3A_705] : memref<4096xf32, #tpu.memory_space<vmem>>[vector<16xi32>], vector<16xf32>,
      %add3A_707 = arith.addf %add3A_701, %gather3A_706 : vector<16xf32>
      %mul3A_708 = arith.constant 256 : i32
      %mul3A_709 = arith.muli %scan3A_418, %mul3A_708 : i32
      %add3A_710 = vector.broadcast %mul3A_709 : i32 to vector<16xi32>
      %add3A_711 = arith.addi %add3A_409, %add3A_710 : vector<16xi32>
      %gather3A_712 = tpu.vector_load_idx %arg13[%add3A_711] : memref<4096xf32, #tpu.memory_space<vmem>>[vector<16xi32>], vector<16xf32>,
      %add3A_713 = arith.addf %add3A_707, %gather3A_712 : vector<16xf32>
      %mul3A_714 = arith.constant 16 : i32
      %mul3A_715 = arith.muli %scan3A_418, %mul3A_714 : i32
      %add3A_716 = arith.constant 512 : i32
      %add3A_717 = arith.addi %add3A_716, %mul3A_715 : i32
      %swap3A_718 = arith.index_cast %add3A_717 : i32 to index
      %swap3A_719 = tpu.vector_load %arg20[%swap3A_718] {strides = array<i32>} : memref<2304xf32, #tpu.memory_space<vmem>>, vector<16xf32>,
      tpu.vector_store %arg20[%swap3A_718], %add3A_713 {strides = array<i32>} : memref<2304xf32, #tpu.memory_space<vmem>>, vector<16xf32>,
      %mul3A_720 = arith.constant 256 : i32
      %mul3A_721 = arith.muli %scan3A_418, %mul3A_720 : i32
      %add3A_722 = vector.broadcast %mul3A_721 : i32 to vector<16xi32>
      %add3A_723 = arith.addi %add3A_259, %add3A_722 : vector<16xi32>
      %gather3A_724 = tpu.vector_load_idx %arg14[%add3A_723] : memref<4096xf32, #tpu.memory_space<vmem>>[vector<16xi32>], vector<16xf32>,
      %mul3A_725 = arith.constant 256 : i32
      %mul3A_726 = arith.muli %scan3A_418, %mul3A_725 : i32
      %add3A_727 = vector.broadcast %mul3A_726 : i32 to vector<16xi32>
      %add3A_728 = arith.addi %add3A_269, %add3A_727 : vector<16xi32>
      %gather3A_729 = tpu.vector_load_idx %arg14[%add3A_728] : memref<4096xf32, #tpu.memory_space<vmem>>[vector<16xi32>], vector<16xf32>,
      %add3A_730 = arith.addf %gather3A_724, %gather3A_729 : vector<16xf32>
      %mul3A_731 = arith.constant 256 : i32
      %mul3A_732 = arith.muli %scan3A_418, %mul3A_731 : i32
      %add3A_733 = vector.broadcast %mul3A_732 : i32 to vector<16xi32>
      %add3A_734 = arith.addi %add3A_279, %add3A_733 : vector<16xi32>
      %gather3A_735 = tpu.vector_load_idx %arg14[%add3A_734] : memref<4096xf32, #tpu.memory_space<vmem>>[vector<16xi32>], vector<16xf32>,
      %add3A_736 = arith.addf %add3A_730, %gather3A_735 : vector<16xf32>
      %mul3A_737 = arith.constant 256 : i32
      %mul3A_738 = arith.muli %scan3A_418, %mul3A_737 : i32
      %add3A_739 = vector.broadcast %mul3A_738 : i32 to vector<16xi32>
      %add3A_740 = arith.addi %add3A_289, %add3A_739 : vector<16xi32>
      %gather3A_741 = tpu.vector_load_idx %arg14[%add3A_740] : memref<4096xf32, #tpu.memory_space<vmem>>[vector<16xi32>], vector<16xf32>,
      %add3A_742 = arith.addf %add3A_736, %gather3A_741 : vector<16xf32>
      %mul3A_743 = arith.constant 256 : i32
      %mul3A_744 = arith.muli %scan3A_418, %mul3A_743 : i32
      %add3A_745 = vector.broadcast %mul3A_744 : i32 to vector<16xi32>
      %add3A_746 = arith.addi %add3A_299, %add3A_745 : vector<16xi32>
      %gather3A_747 = tpu.vector_load_idx %arg14[%add3A_746] : memref<4096xf32, #tpu.memory_space<vmem>>[vector<16xi32>], vector<16xf32>,
      %add3A_748 = arith.addf %add3A_742, %gather3A_747 : vector<16xf32>
      %mul3A_749 = arith.constant 256 : i32
      %mul3A_750 = arith.muli %scan3A_418, %mul3A_749 : i32
      %add3A_751 = vector.broadcast %mul3A_750 : i32 to vector<16xi32>
      %add3A_752 = arith.addi %add3A_309, %add3A_751 : vector<16xi32>
      %gather3A_753 = tpu.vector_load_idx %arg14[%add3A_752] : memref<4096xf32, #tpu.memory_space<vmem>>[vector<16xi32>], vector<16xf32>,
      %add3A_754 = arith.addf %add3A_748, %gather3A_753 : vector<16xf32>
      %mul3A_755 = arith.constant 256 : i32
      %mul3A_756 = arith.muli %scan3A_418, %mul3A_755 : i32
      %add3A_757 = vector.broadcast %mul3A_756 : i32 to vector<16xi32>
      %add3A_758 = arith.addi %add3A_319, %add3A_757 : vector<16xi32>
      %gather3A_759 = tpu.vector_load_idx %arg14[%add3A_758] : memref<4096xf32, #tpu.memory_space<vmem>>[vector<16xi32>], vector<16xf32>,
      %add3A_760 = arith.addf %add3A_754, %gather3A_759 : vector<16xf32>
      %mul3A_761 = arith.constant 256 : i32
      %mul3A_762 = arith.muli %scan3A_418, %mul3A_761 : i32
      %add3A_763 = vector.broadcast %mul3A_762 : i32 to vector<16xi32>
      %add3A_764 = arith.addi %add3A_329, %add3A_763 : vector<16xi32>
      %gather3A_765 = tpu.vector_load_idx %arg14[%add3A_764] : memref<4096xf32, #tpu.memory_space<vmem>>[vector<16xi32>], vector<16xf32>,
      %add3A_766 = arith.addf %add3A_760, %gather3A_765 : vector<16xf32>
      %mul3A_767 = arith.constant 256 : i32
      %mul3A_768 = arith.muli %scan3A_418, %mul3A_767 : i32
      %add3A_769 = vector.broadcast %mul3A_768 : i32 to vector<16xi32>
      %add3A_770 = arith.addi %add3A_339, %add3A_769 : vector<16xi32>
      %gather3A_771 = tpu.vector_load_idx %arg14[%add3A_770] : memref<4096xf32, #tpu.memory_space<vmem>>[vector<16xi32>], vector<16xf32>,
      %add3A_772 = arith.addf %add3A_766, %gather3A_771 : vector<16xf32>
      %mul3A_773 = arith.constant 256 : i32
      %mul3A_774 = arith.muli %scan3A_418, %mul3A_773 : i32
      %add3A_775 = vector.broadcast %mul3A_774 : i32 to vector<16xi32>
      %add3A_776 = arith.addi %add3A_349, %add3A_775 : vector<16xi32>
      %gather3A_777 = tpu.vector_load_idx %arg14[%add3A_776] : memref<4096xf32, #tpu.memory_space<vmem>>[vector<16xi32>], vector<16xf32>,
      %add3A_778 = arith.addf %add3A_772, %gather3A_777 : vector<16xf32>
      %mul3A_779 = arith.constant 256 : i32
      %mul3A_780 = arith.muli %scan3A_418, %mul3A_779 : i32
      %add3A_781 = vector.broadcast %mul3A_780 : i32 to vector<16xi32>
      %add3A_782 = arith.addi %add3A_359, %add3A_781 : vector<16xi32>
      %gather3A_783 = tpu.vector_load_idx %arg14[%add3A_782] : memref<4096xf32, #tpu.memory_space<vmem>>[vector<16xi32>], vector<16xf32>,
      %add3A_784 = arith.addf %add3A_778, %gather3A_783 : vector<16xf32>
      %mul3A_785 = arith.constant 256 : i32
      %mul3A_786 = arith.muli %scan3A_418, %mul3A_785 : i32
      %add3A_787 = vector.broadcast %mul3A_786 : i32 to vector<16xi32>
      %add3A_788 = arith.addi %add3A_369, %add3A_787 : vector<16xi32>
      %gather3A_789 = tpu.vector_load_idx %arg14[%add3A_788] : memref<4096xf32, #tpu.memory_space<vmem>>[vector<16xi32>], vector<16xf32>,
      %add3A_790 = arith.addf %add3A_784, %gather3A_789 : vector<16xf32>
      %mul3A_791 = arith.constant 256 : i32
      %mul3A_792 = arith.muli %scan3A_418, %mul3A_791 : i32
      %add3A_793 = vector.broadcast %mul3A_792 : i32 to vector<16xi32>
      %add3A_794 = arith.addi %add3A_379, %add3A_793 : vector<16xi32>
      %gather3A_795 = tpu.vector_load_idx %arg14[%add3A_794] : memref<4096xf32, #tpu.memory_space<vmem>>[vector<16xi32>], vector<16xf32>,
      %add3A_796 = arith.addf %add3A_790, %gather3A_795 : vector<16xf32>
      %mul3A_797 = arith.constant 256 : i32
      %mul3A_798 = arith.muli %scan3A_418, %mul3A_797 : i32
      %add3A_799 = vector.broadcast %mul3A_798 : i32 to vector<16xi32>
      %add3A_800 = arith.addi %add3A_389, %add3A_799 : vector<16xi32>
      %gather3A_801 = tpu.vector_load_idx %arg14[%add3A_800] : memref<4096xf32, #tpu.memory_space<vmem>>[vector<16xi32>], vector<16xf32>,
      %add3A_802 = arith.addf %add3A_796, %gather3A_801 : vector<16xf32>
      %mul3A_803 = arith.constant 256 : i32
      %mul3A_804 = arith.muli %scan3A_418, %mul3A_803 : i32
      %add3A_805 = vector.broadcast %mul3A_804 : i32 to vector<16xi32>
      %add3A_806 = arith.addi %add3A_399, %add3A_805 : vector<16xi32>
      %gather3A_807 = tpu.vector_load_idx %arg14[%add3A_806] : memref<4096xf32, #tpu.memory_space<vmem>>[vector<16xi32>], vector<16xf32>,
      %add3A_808 = arith.addf %add3A_802, %gather3A_807 : vector<16xf32>
      %mul3A_809 = arith.constant 256 : i32
      %mul3A_810 = arith.muli %scan3A_418, %mul3A_809 : i32
      %add3A_811 = vector.broadcast %mul3A_810 : i32 to vector<16xi32>
      %add3A_812 = arith.addi %add3A_409, %add3A_811 : vector<16xi32>
      %gather3A_813 = tpu.vector_load_idx %arg14[%add3A_812] : memref<4096xf32, #tpu.memory_space<vmem>>[vector<16xi32>], vector<16xf32>,
      %add3A_814 = arith.addf %add3A_808, %gather3A_813 : vector<16xf32>
      %mul3A_815 = arith.constant 16 : i32
      %mul3A_816 = arith.muli %scan3A_418, %mul3A_815 : i32
      %add3A_817 = arith.constant 768 : i32
      %add3A_818 = arith.addi %add3A_817, %mul3A_816 : i32
      %swap3A_819 = arith.index_cast %add3A_818 : i32 to index
      %swap3A_820 = tpu.vector_load %arg20[%swap3A_819] {strides = array<i32>} : memref<2304xf32, #tpu.memory_space<vmem>>, vector<16xf32>,
      tpu.vector_store %arg20[%swap3A_819], %add3A_814 {strides = array<i32>} : memref<2304xf32, #tpu.memory_space<vmem>>, vector<16xf32>,
      %mul3A_821 = arith.constant 256 : i32
      %mul3A_822 = arith.muli %scan3A_418, %mul3A_821 : i32
      %add3A_823 = vector.broadcast %mul3A_822 : i32 to vector<16xi32>
      %add3A_824 = arith.addi %add3A_259, %add3A_823 : vector<16xi32>
      %gather3A_825 = tpu.vector_load_idx %arg15[%add3A_824] : memref<4096xf32, #tpu.memory_space<vmem>>[vector<16xi32>], vector<16xf32>,
      %mul3A_826 = arith.constant 256 : i32
      %mul3A_827 = arith.muli %scan3A_418, %mul3A_826 : i32
      %add3A_828 = vector.broadcast %mul3A_827 : i32 to vector<16xi32>
      %add3A_829 = arith.addi %add3A_269, %add3A_828 : vector<16xi32>
      %gather3A_830 = tpu.vector_load_idx %arg15[%add3A_829] : memref<4096xf32, #tpu.memory_space<vmem>>[vector<16xi32>], vector<16xf32>,
      %add3A_831 = arith.addf %gather3A_825, %gather3A_830 : vector<16xf32>
      %mul3A_832 = arith.constant 256 : i32
      %mul3A_833 = arith.muli %scan3A_418, %mul3A_832 : i32
      %add3A_834 = vector.broadcast %mul3A_833 : i32 to vector<16xi32>
      %add3A_835 = arith.addi %add3A_279, %add3A_834 : vector<16xi32>
      %gather3A_836 = tpu.vector_load_idx %arg15[%add3A_835] : memref<4096xf32, #tpu.memory_space<vmem>>[vector<16xi32>], vector<16xf32>,
      %add3A_837 = arith.addf %add3A_831, %gather3A_836 : vector<16xf32>
      %mul3A_838 = arith.constant 256 : i32
      %mul3A_839 = arith.muli %scan3A_418, %mul3A_838 : i32
      %add3A_840 = vector.broadcast %mul3A_839 : i32 to vector<16xi32>
      %add3A_841 = arith.addi %add3A_289, %add3A_840 : vector<16xi32>
      %gather3A_842 = tpu.vector_load_idx %arg15[%add3A_841] : memref<4096xf32, #tpu.memory_space<vmem>>[vector<16xi32>], vector<16xf32>,
      %add3A_843 = arith.addf %add3A_837, %gather3A_842 : vector<16xf32>
      %mul3A_844 = arith.constant 256 : i32
      %mul3A_845 = arith.muli %scan3A_418, %mul3A_844 : i32
      %add3A_846 = vector.broadcast %mul3A_845 : i32 to vector<16xi32>
      %add3A_847 = arith.addi %add3A_299, %add3A_846 : vector<16xi32>
      %gather3A_848 = tpu.vector_load_idx %arg15[%add3A_847] : memref<4096xf32, #tpu.memory_space<vmem>>[vector<16xi32>], vector<16xf32>,
      %add3A_849 = arith.addf %add3A_843, %gather3A_848 : vector<16xf32>
      %mul3A_850 = arith.constant 256 : i32
      %mul3A_851 = arith.muli %scan3A_418, %mul3A_850 : i32
      %add3A_852 = vector.broadcast %mul3A_851 : i32 to vector<16xi32>
      %add3A_853 = arith.addi %add3A_309, %add3A_852 : vector<16xi32>
      %gather3A_854 = tpu.vector_load_idx %arg15[%add3A_853] : memref<4096xf32, #tpu.memory_space<vmem>>[vector<16xi32>], vector<16xf32>,
      %add3A_855 = arith.addf %add3A_849, %gather3A_854 : vector<16xf32>
      %mul3A_856 = arith.constant 256 : i32
      %mul3A_857 = arith.muli %scan3A_418, %mul3A_856 : i32
      %add3A_858 = vector.broadcast %mul3A_857 : i32 to vector<16xi32>
      %add3A_859 = arith.addi %add3A_319, %add3A_858 : vector<16xi32>
      %gather3A_860 = tpu.vector_load_idx %arg15[%add3A_859] : memref<4096xf32, #tpu.memory_space<vmem>>[vector<16xi32>], vector<16xf32>,
      %add3A_861 = arith.addf %add3A_855, %gather3A_860 : vector<16xf32>
      %mul3A_862 = arith.constant 256 : i32
      %mul3A_863 = arith.muli %scan3A_418, %mul3A_862 : i32
      %add3A_864 = vector.broadcast %mul3A_863 : i32 to vector<16xi32>
      %add3A_865 = arith.addi %add3A_329, %add3A_864 : vector<16xi32>
      %gather3A_866 = tpu.vector_load_idx %arg15[%add3A_865] : memref<4096xf32, #tpu.memory_space<vmem>>[vector<16xi32>], vector<16xf32>,
      %add3A_867 = arith.addf %add3A_861, %gather3A_866 : vector<16xf32>
      %mul3A_868 = arith.constant 256 : i32
      %mul3A_869 = arith.muli %scan3A_418, %mul3A_868 : i32
      %add3A_870 = vector.broadcast %mul3A_869 : i32 to vector<16xi32>
      %add3A_871 = arith.addi %add3A_339, %add3A_870 : vector<16xi32>
      %gather3A_872 = tpu.vector_load_idx %arg15[%add3A_871] : memref<4096xf32, #tpu.memory_space<vmem>>[vector<16xi32>], vector<16xf32>,
      %add3A_873 = arith.addf %add3A_867, %gather3A_872 : vector<16xf32>
      %mul3A_874 = arith.constant 256 : i32
      %mul3A_875 = arith.muli %scan3A_418, %mul3A_874 : i32
      %add3A_876 = vector.broadcast %mul3A_875 : i32 to vector<16xi32>
      %add3A_877 = arith.addi %add3A_349, %add3A_876 : vector<16xi32>
      %gather3A_878 = tpu.vector_load_idx %arg15[%add3A_877] : memref<4096xf32, #tpu.memory_space<vmem>>[vector<16xi32>], vector<16xf32>,
      %add3A_879 = arith.addf %add3A_873, %gather3A_878 : vector<16xf32>
      %mul3A_880 = arith.constant 256 : i32
      %mul3A_881 = arith.muli %scan3A_418, %mul3A_880 : i32
      %add3A_882 = vector.broadcast %mul3A_881 : i32 to vector<16xi32>
      %add3A_883 = arith.addi %add3A_359, %add3A_882 : vector<16xi32>
      %gather3A_884 = tpu.vector_load_idx %arg15[%add3A_883] : memref<4096xf32, #tpu.memory_space<vmem>>[vector<16xi32>], vector<16xf32>,
      %add3A_885 = arith.addf %add3A_879, %gather3A_884 : vector<16xf32>
      %mul3A_886 = arith.constant 256 : i32
      %mul3A_887 = arith.muli %scan3A_418, %mul3A_886 : i32
      %add3A_888 = vector.broadcast %mul3A_887 : i32 to vector<16xi32>
      %add3A_889 = arith.addi %add3A_369, %add3A_888 : vector<16xi32>
      %gather3A_890 = tpu.vector_load_idx %arg15[%add3A_889] : memref<4096xf32, #tpu.memory_space<vmem>>[vector<16xi32>], vector<16xf32>,
      %add3A_891 = arith.addf %add3A_885, %gather3A_890 : vector<16xf32>
      %mul3A_892 = arith.constant 256 : i32
      %mul3A_893 = arith.muli %scan3A_418, %mul3A_892 : i32
      %add3A_894 = vector.broadcast %mul3A_893 : i32 to vector<16xi32>
      %add3A_895 = arith.addi %add3A_379, %add3A_894 : vector<16xi32>
      %gather3A_896 = tpu.vector_load_idx %arg15[%add3A_895] : memref<4096xf32, #tpu.memory_space<vmem>>[vector<16xi32>], vector<16xf32>,
      %add3A_897 = arith.addf %add3A_891, %gather3A_896 : vector<16xf32>
      %mul3A_898 = arith.constant 256 : i32
      %mul3A_899 = arith.muli %scan3A_418, %mul3A_898 : i32
      %add3A_900 = vector.broadcast %mul3A_899 : i32 to vector<16xi32>
      %add3A_901 = arith.addi %add3A_389, %add3A_900 : vector<16xi32>
      %gather3A_902 = tpu.vector_load_idx %arg15[%add3A_901] : memref<4096xf32, #tpu.memory_space<vmem>>[vector<16xi32>], vector<16xf32>,
      %add3A_903 = arith.addf %add3A_897, %gather3A_902 : vector<16xf32>
      %mul3A_904 = arith.constant 256 : i32
      %mul3A_905 = arith.muli %scan3A_418, %mul3A_904 : i32
      %add3A_906 = vector.broadcast %mul3A_905 : i32 to vector<16xi32>
      %add3A_907 = arith.addi %add3A_399, %add3A_906 : vector<16xi32>
      %gather3A_908 = tpu.vector_load_idx %arg15[%add3A_907] : memref<4096xf32, #tpu.memory_space<vmem>>[vector<16xi32>], vector<16xf32>,
      %add3A_909 = arith.addf %add3A_903, %gather3A_908 : vector<16xf32>
      %mul3A_910 = arith.constant 256 : i32
      %mul3A_911 = arith.muli %scan3A_418, %mul3A_910 : i32
      %add3A_912 = vector.broadcast %mul3A_911 : i32 to vector<16xi32>
      %add3A_913 = arith.addi %add3A_409, %add3A_912 : vector<16xi32>
      %gather3A_914 = tpu.vector_load_idx %arg15[%add3A_913] : memref<4096xf32, #tpu.memory_space<vmem>>[vector<16xi32>], vector<16xf32>,
      %add3A_915 = arith.addf %add3A_909, %gather3A_914 : vector<16xf32>
      %mul3A_916 = arith.constant 16 : i32
      %mul3A_917 = arith.muli %scan3A_418, %mul3A_916 : i32
      %add3A_918 = arith.constant 1024 : i32
      %add3A_919 = arith.addi %add3A_918, %mul3A_917 : i32
      %swap3A_920 = arith.index_cast %add3A_919 : i32 to index
      %swap3A_921 = tpu.vector_load %arg20[%swap3A_920] {strides = array<i32>} : memref<2304xf32, #tpu.memory_space<vmem>>, vector<16xf32>,
      tpu.vector_store %arg20[%swap3A_920], %add3A_915 {strides = array<i32>} : memref<2304xf32, #tpu.memory_space<vmem>>, vector<16xf32>,
      %mul3A_922 = arith.constant 256 : i32
      %mul3A_923 = arith.muli %scan3A_418, %mul3A_922 : i32
      %add3A_924 = vector.broadcast %mul3A_923 : i32 to vector<16xi32>
      %add3A_925 = arith.addi %add3A_259, %add3A_924 : vector<16xi32>
      %gather3A_926 = tpu.vector_load_idx %arg16[%add3A_925] : memref<4096xf32, #tpu.memory_space<vmem>>[vector<16xi32>], vector<16xf32>,
      %mul3A_927 = arith.constant 256 : i32
      %mul3A_928 = arith.muli %scan3A_418, %mul3A_927 : i32
      %add3A_929 = vector.broadcast %mul3A_928 : i32 to vector<16xi32>
      %add3A_930 = arith.addi %add3A_269, %add3A_929 : vector<16xi32>
      %gather3A_931 = tpu.vector_load_idx %arg16[%add3A_930] : memref<4096xf32, #tpu.memory_space<vmem>>[vector<16xi32>], vector<16xf32>,
      %add3A_932 = arith.addf %gather3A_926, %gather3A_931 : vector<16xf32>
      %mul3A_933 = arith.constant 256 : i32
      %mul3A_934 = arith.muli %scan3A_418, %mul3A_933 : i32
      %add3A_935 = vector.broadcast %mul3A_934 : i32 to vector<16xi32>
      %add3A_936 = arith.addi %add3A_279, %add3A_935 : vector<16xi32>
      %gather3A_937 = tpu.vector_load_idx %arg16[%add3A_936] : memref<4096xf32, #tpu.memory_space<vmem>>[vector<16xi32>], vector<16xf32>,
      %add3A_938 = arith.addf %add3A_932, %gather3A_937 : vector<16xf32>
      %mul3A_939 = arith.constant 256 : i32
      %mul3A_940 = arith.muli %scan3A_418, %mul3A_939 : i32
      %add3A_941 = vector.broadcast %mul3A_940 : i32 to vector<16xi32>
      %add3A_942 = arith.addi %add3A_289, %add3A_941 : vector<16xi32>
      %gather3A_943 = tpu.vector_load_idx %arg16[%add3A_942] : memref<4096xf32, #tpu.memory_space<vmem>>[vector<16xi32>], vector<16xf32>,
      %add3A_944 = arith.addf %add3A_938, %gather3A_943 : vector<16xf32>
      %mul3A_945 = arith.constant 256 : i32
      %mul3A_946 = arith.muli %scan3A_418, %mul3A_945 : i32
      %add3A_947 = vector.broadcast %mul3A_946 : i32 to vector<16xi32>
      %add3A_948 = arith.addi %add3A_299, %add3A_947 : vector<16xi32>
      %gather3A_949 = tpu.vector_load_idx %arg16[%add3A_948] : memref<4096xf32, #tpu.memory_space<vmem>>[vector<16xi32>], vector<16xf32>,
      %add3A_950 = arith.addf %add3A_944, %gather3A_949 : vector<16xf32>
      %mul3A_951 = arith.constant 256 : i32
      %mul3A_952 = arith.muli %scan3A_418, %mul3A_951 : i32
      %add3A_953 = vector.broadcast %mul3A_952 : i32 to vector<16xi32>
      %add3A_954 = arith.addi %add3A_309, %add3A_953 : vector<16xi32>
      %gather3A_955 = tpu.vector_load_idx %arg16[%add3A_954] : memref<4096xf32, #tpu.memory_space<vmem>>[vector<16xi32>], vector<16xf32>,
      %add3A_956 = arith.addf %add3A_950, %gather3A_955 : vector<16xf32>
      %mul3A_957 = arith.constant 256 : i32
      %mul3A_958 = arith.muli %scan3A_418, %mul3A_957 : i32
      %add3A_959 = vector.broadcast %mul3A_958 : i32 to vector<16xi32>
      %add3A_960 = arith.addi %add3A_319, %add3A_959 : vector<16xi32>
      %gather3A_961 = tpu.vector_load_idx %arg16[%add3A_960] : memref<4096xf32, #tpu.memory_space<vmem>>[vector<16xi32>], vector<16xf32>,
      %add3A_962 = arith.addf %add3A_956, %gather3A_961 : vector<16xf32>
      %mul3A_963 = arith.constant 256 : i32
      %mul3A_964 = arith.muli %scan3A_418, %mul3A_963 : i32
      %add3A_965 = vector.broadcast %mul3A_964 : i32 to vector<16xi32>
      %add3A_966 = arith.addi %add3A_329, %add3A_965 : vector<16xi32>
      %gather3A_967 = tpu.vector_load_idx %arg16[%add3A_966] : memref<4096xf32, #tpu.memory_space<vmem>>[vector<16xi32>], vector<16xf32>,
      %add3A_968 = arith.addf %add3A_962, %gather3A_967 : vector<16xf32>
      %mul3A_969 = arith.constant 256 : i32
      %mul3A_970 = arith.muli %scan3A_418, %mul3A_969 : i32
      %add3A_971 = vector.broadcast %mul3A_970 : i32 to vector<16xi32>
      %add3A_972 = arith.addi %add3A_339, %add3A_971 : vector<16xi32>
      %gather3A_973 = tpu.vector_load_idx %arg16[%add3A_972] : memref<4096xf32, #tpu.memory_space<vmem>>[vector<16xi32>], vector<16xf32>,
      %add3A_974 = arith.addf %add3A_968, %gather3A_973 : vector<16xf32>
      %mul3A_975 = arith.constant 256 : i32
      %mul3A_976 = arith.muli %scan3A_418, %mul3A_975 : i32
      %add3A_977 = vector.broadcast %mul3A_976 : i32 to vector<16xi32>
      %add3A_978 = arith.addi %add3A_349, %add3A_977 : vector<16xi32>
      %gather3A_979 = tpu.vector_load_idx %arg16[%add3A_978] : memref<4096xf32, #tpu.memory_space<vmem>>[vector<16xi32>], vector<16xf32>,
      %add3A_980 = arith.addf %add3A_974, %gather3A_979 : vector<16xf32>
      %mul3A_981 = arith.constant 256 : i32
      %mul3A_982 = arith.muli %scan3A_418, %mul3A_981 : i32
      %add3A_983 = vector.broadcast %mul3A_982 : i32 to vector<16xi32>
      %add3A_984 = arith.addi %add3A_359, %add3A_983 : vector<16xi32>
      %gather3A_985 = tpu.vector_load_idx %arg16[%add3A_984] : memref<4096xf32, #tpu.memory_space<vmem>>[vector<16xi32>], vector<16xf32>,
      %add3A_986 = arith.addf %add3A_980, %gather3A_985 : vector<16xf32>
      %mul3A_987 = arith.constant 256 : i32
      %mul3A_988 = arith.muli %scan3A_418, %mul3A_987 : i32
      %add3A_989 = vector.broadcast %mul3A_988 : i32 to vector<16xi32>
      %add3A_990 = arith.addi %add3A_369, %add3A_989 : vector<16xi32>
      %gather3A_991 = tpu.vector_load_idx %arg16[%add3A_990] : memref<4096xf32, #tpu.memory_space<vmem>>[vector<16xi32>], vector<16xf32>,
      %add3A_992 = arith.addf %add3A_986, %gather3A_991 : vector<16xf32>
      %mul3A_993 = arith.constant 256 : i32
      %mul3A_994 = arith.muli %scan3A_418, %mul3A_993 : i32
      %add3A_995 = vector.broadcast %mul3A_994 : i32 to vector<16xi32>
      %add3A_996 = arith.addi %add3A_379, %add3A_995 : vector<16xi32>
      %gather3A_997 = tpu.vector_load_idx %arg16[%add3A_996] : memref<4096xf32, #tpu.memory_space<vmem>>[vector<16xi32>], vector<16xf32>,
      %add3A_998 = arith.addf %add3A_992, %gather3A_997 : vector<16xf32>
      %mul3A_999 = arith.constant 256 : i32
      %mul3A_1000 = arith.muli %scan3A_418, %mul3A_999 : i32
      %add3A_1001 = vector.broadcast %mul3A_1000 : i32 to vector<16xi32>
      %add3A_1002 = arith.addi %add3A_389, %add3A_1001 : vector<16xi32>
      %gather3A_1003 = tpu.vector_load_idx %arg16[%add3A_1002] : memref<4096xf32, #tpu.memory_space<vmem>>[vector<16xi32>], vector<16xf32>,
      %add3A_1004 = arith.addf %add3A_998, %gather3A_1003 : vector<16xf32>
      %mul3A_1005 = arith.constant 256 : i32
      %mul3A_1006 = arith.muli %scan3A_418, %mul3A_1005 : i32
      %add3A_1007 = vector.broadcast %mul3A_1006 : i32 to vector<16xi32>
      %add3A_1008 = arith.addi %add3A_399, %add3A_1007 : vector<16xi32>
      %gather3A_1009 = tpu.vector_load_idx %arg16[%add3A_1008] : memref<4096xf32, #tpu.memory_space<vmem>>[vector<16xi32>], vector<16xf32>,
      %add3A_1010 = arith.addf %add3A_1004, %gather3A_1009 : vector<16xf32>
      %mul3A_1011 = arith.constant 256 : i32
      %mul3A_1012 = arith.muli %scan3A_418, %mul3A_1011 : i32
      %add3A_1013 = vector.broadcast %mul3A_1012 : i32 to vector<16xi32>
      %add3A_1014 = arith.addi %add3A_409, %add3A_1013 : vector<16xi32>
      %gather3A_1015 = tpu.vector_load_idx %arg16[%add3A_1014] : memref<4096xf32, #tpu.memory_space<vmem>>[vector<16xi32>], vector<16xf32>,
      %add3A_1016 = arith.addf %add3A_1010, %gather3A_1015 : vector<16xf32>
      %mul3A_1017 = arith.constant 16 : i32
      %mul3A_1018 = arith.muli %scan3A_418, %mul3A_1017 : i32
      %add3A_1019 = arith.constant 1280 : i32
      %add3A_1020 = arith.addi %add3A_1019, %mul3A_1018 : i32
      %swap3A_1021 = arith.index_cast %add3A_1020 : i32 to index
      %swap3A_1022 = tpu.vector_load %arg20[%swap3A_1021] {strides = array<i32>} : memref<2304xf32, #tpu.memory_space<vmem>>, vector<16xf32>,
      tpu.vector_store %arg20[%swap3A_1021], %add3A_1016 {strides = array<i32>} : memref<2304xf32, #tpu.memory_space<vmem>>, vector<16xf32>,
      %mul3A_1023 = arith.constant 256 : i32
      %mul3A_1024 = arith.muli %scan3A_418, %mul3A_1023 : i32
      %add3A_1025 = vector.broadcast %mul3A_1024 : i32 to vector<16xi32>
      %add3A_1026 = arith.addi %add3A_259, %add3A_1025 : vector<16xi32>
      %gather3A_1027 = tpu.vector_load_idx %arg17[%add3A_1026] : memref<4096xf32, #tpu.memory_space<vmem>>[vector<16xi32>], vector<16xf32>,
      %mul3A_1028 = arith.constant 256 : i32
      %mul3A_1029 = arith.muli %scan3A_418, %mul3A_1028 : i32
      %add3A_1030 = vector.broadcast %mul3A_1029 : i32 to vector<16xi32>
      %add3A_1031 = arith.addi %add3A_269, %add3A_1030 : vector<16xi32>
      %gather3A_1032 = tpu.vector_load_idx %arg17[%add3A_1031] : memref<4096xf32, #tpu.memory_space<vmem>>[vector<16xi32>], vector<16xf32>,
      %add3A_1033 = arith.addf %gather3A_1027, %gather3A_1032 : vector<16xf32>
      %mul3A_1034 = arith.constant 256 : i32
      %mul3A_1035 = arith.muli %scan3A_418, %mul3A_1034 : i32
      %add3A_1036 = vector.broadcast %mul3A_1035 : i32 to vector<16xi32>
      %add3A_1037 = arith.addi %add3A_279, %add3A_1036 : vector<16xi32>
      %gather3A_1038 = tpu.vector_load_idx %arg17[%add3A_1037] : memref<4096xf32, #tpu.memory_space<vmem>>[vector<16xi32>], vector<16xf32>,
      %add3A_1039 = arith.addf %add3A_1033, %gather3A_1038 : vector<16xf32>
      %mul3A_1040 = arith.constant 256 : i32
      %mul3A_1041 = arith.muli %scan3A_418, %mul3A_1040 : i32
      %add3A_1042 = vector.broadcast %mul3A_1041 : i32 to vector<16xi32>
      %add3A_1043 = arith.addi %add3A_289, %add3A_1042 : vector<16xi32>
      %gather3A_1044 = tpu.vector_load_idx %arg17[%add3A_1043] : memref<4096xf32, #tpu.memory_space<vmem>>[vector<16xi32>], vector<16xf32>,
      %add3A_1045 = arith.addf %add3A_1039, %gather3A_1044 : vector<16xf32>
      %mul3A_1046 = arith.constant 256 : i32
      %mul3A_1047 = arith.muli %scan3A_418, %mul3A_1046 : i32
      %add3A_1048 = vector.broadcast %mul3A_1047 : i32 to vector<16xi32>
      %add3A_1049 = arith.addi %add3A_299, %add3A_1048 : vector<16xi32>
      %gather3A_1050 = tpu.vector_load_idx %arg17[%add3A_1049] : memref<4096xf32, #tpu.memory_space<vmem>>[vector<16xi32>], vector<16xf32>,
      %add3A_1051 = arith.addf %add3A_1045, %gather3A_1050 : vector<16xf32>
      %mul3A_1052 = arith.constant 256 : i32
      %mul3A_1053 = arith.muli %scan3A_418, %mul3A_1052 : i32
      %add3A_1054 = vector.broadcast %mul3A_1053 : i32 to vector<16xi32>
      %add3A_1055 = arith.addi %add3A_309, %add3A_1054 : vector<16xi32>
      %gather3A_1056 = tpu.vector_load_idx %arg17[%add3A_1055] : memref<4096xf32, #tpu.memory_space<vmem>>[vector<16xi32>], vector<16xf32>,
      %add3A_1057 = arith.addf %add3A_1051, %gather3A_1056 : vector<16xf32>
      %mul3A_1058 = arith.constant 256 : i32
      %mul3A_1059 = arith.muli %scan3A_418, %mul3A_1058 : i32
      %add3A_1060 = vector.broadcast %mul3A_1059 : i32 to vector<16xi32>
      %add3A_1061 = arith.addi %add3A_319, %add3A_1060 : vector<16xi32>
      %gather3A_1062 = tpu.vector_load_idx %arg17[%add3A_1061] : memref<4096xf32, #tpu.memory_space<vmem>>[vector<16xi32>], vector<16xf32>,
      %add3A_1063 = arith.addf %add3A_1057, %gather3A_1062 : vector<16xf32>
      %mul3A_1064 = arith.constant 256 : i32
      %mul3A_1065 = arith.muli %scan3A_418, %mul3A_1064 : i32
      %add3A_1066 = vector.broadcast %mul3A_1065 : i32 to vector<16xi32>
      %add3A_1067 = arith.addi %add3A_329, %add3A_1066 : vector<16xi32>
      %gather3A_1068 = tpu.vector_load_idx %arg17[%add3A_1067] : memref<4096xf32, #tpu.memory_space<vmem>>[vector<16xi32>], vector<16xf32>,
      %add3A_1069 = arith.addf %add3A_1063, %gather3A_1068 : vector<16xf32>
      %mul3A_1070 = arith.constant 256 : i32
      %mul3A_1071 = arith.muli %scan3A_418, %mul3A_1070 : i32
      %add3A_1072 = vector.broadcast %mul3A_1071 : i32 to vector<16xi32>
      %add3A_1073 = arith.addi %add3A_339, %add3A_1072 : vector<16xi32>
      %gather3A_1074 = tpu.vector_load_idx %arg17[%add3A_1073] : memref<4096xf32, #tpu.memory_space<vmem>>[vector<16xi32>], vector<16xf32>,
      %add3A_1075 = arith.addf %add3A_1069, %gather3A_1074 : vector<16xf32>
      %mul3A_1076 = arith.constant 256 : i32
      %mul3A_1077 = arith.muli %scan3A_418, %mul3A_1076 : i32
      %add3A_1078 = vector.broadcast %mul3A_1077 : i32 to vector<16xi32>
      %add3A_1079 = arith.addi %add3A_349, %add3A_1078 : vector<16xi32>
      %gather3A_1080 = tpu.vector_load_idx %arg17[%add3A_1079] : memref<4096xf32, #tpu.memory_space<vmem>>[vector<16xi32>], vector<16xf32>,
      %add3A_1081 = arith.addf %add3A_1075, %gather3A_1080 : vector<16xf32>
      %mul3A_1082 = arith.constant 256 : i32
      %mul3A_1083 = arith.muli %scan3A_418, %mul3A_1082 : i32
      %add3A_1084 = vector.broadcast %mul3A_1083 : i32 to vector<16xi32>
      %add3A_1085 = arith.addi %add3A_359, %add3A_1084 : vector<16xi32>
      %gather3A_1086 = tpu.vector_load_idx %arg17[%add3A_1085] : memref<4096xf32, #tpu.memory_space<vmem>>[vector<16xi32>], vector<16xf32>,
      %add3A_1087 = arith.addf %add3A_1081, %gather3A_1086 : vector<16xf32>
      %mul3A_1088 = arith.constant 256 : i32
      %mul3A_1089 = arith.muli %scan3A_418, %mul3A_1088 : i32
      %add3A_1090 = vector.broadcast %mul3A_1089 : i32 to vector<16xi32>
      %add3A_1091 = arith.addi %add3A_369, %add3A_1090 : vector<16xi32>
      %gather3A_1092 = tpu.vector_load_idx %arg17[%add3A_1091] : memref<4096xf32, #tpu.memory_space<vmem>>[vector<16xi32>], vector<16xf32>,
      %add3A_1093 = arith.addf %add3A_1087, %gather3A_1092 : vector<16xf32>
      %mul3A_1094 = arith.constant 256 : i32
      %mul3A_1095 = arith.muli %scan3A_418, %mul3A_1094 : i32
      %add3A_1096 = vector.broadcast %mul3A_1095 : i32 to vector<16xi32>
      %add3A_1097 = arith.addi %add3A_379, %add3A_1096 : vector<16xi32>
      %gather3A_1098 = tpu.vector_load_idx %arg17[%add3A_1097] : memref<4096xf32, #tpu.memory_space<vmem>>[vector<16xi32>], vector<16xf32>,
      %add3A_1099 = arith.addf %add3A_1093, %gather3A_1098 : vector<16xf32>
      %mul3A_1100 = arith.constant 256 : i32
      %mul3A_1101 = arith.muli %scan3A_418, %mul3A_1100 : i32
      %add3A_1102 = vector.broadcast %mul3A_1101 : i32 to vector<16xi32>
      %add3A_1103 = arith.addi %add3A_389, %add3A_1102 : vector<16xi32>
      %gather3A_1104 = tpu.vector_load_idx %arg17[%add3A_1103] : memref<4096xf32, #tpu.memory_space<vmem>>[vector<16xi32>], vector<16xf32>,
      %add3A_1105 = arith.addf %add3A_1099, %gather3A_1104 : vector<16xf32>
      %mul3A_1106 = arith.constant 256 : i32
      %mul3A_1107 = arith.muli %scan3A_418, %mul3A_1106 : i32
      %add3A_1108 = vector.broadcast %mul3A_1107 : i32 to vector<16xi32>
      %add3A_1109 = arith.addi %add3A_399, %add3A_1108 : vector<16xi32>
      %gather3A_1110 = tpu.vector_load_idx %arg17[%add3A_1109] : memref<4096xf32, #tpu.memory_space<vmem>>[vector<16xi32>], vector<16xf32>,
      %add3A_1111 = arith.addf %add3A_1105, %gather3A_1110 : vector<16xf32>
      %mul3A_1112 = arith.constant 256 : i32
      %mul3A_1113 = arith.muli %scan3A_418, %mul3A_1112 : i32
      %add3A_1114 = vector.broadcast %mul3A_1113 : i32 to vector<16xi32>
      %add3A_1115 = arith.addi %add3A_409, %add3A_1114 : vector<16xi32>
      %gather3A_1116 = tpu.vector_load_idx %arg17[%add3A_1115] : memref<4096xf32, #tpu.memory_space<vmem>>[vector<16xi32>], vector<16xf32>,
      %add3A_1117 = arith.addf %add3A_1111, %gather3A_1116 : vector<16xf32>
      %mul3A_1118 = arith.constant 16 : i32
      %mul3A_1119 = arith.muli %scan3A_418, %mul3A_1118 : i32
      %add3A_1120 = arith.constant 1536 : i32
      %add3A_1121 = arith.addi %add3A_1120, %mul3A_1119 : i32
      %swap3A_1122 = arith.index_cast %add3A_1121 : i32 to index
      %swap3A_1123 = tpu.vector_load %arg20[%swap3A_1122] {strides = array<i32>} : memref<2304xf32, #tpu.memory_space<vmem>>, vector<16xf32>,
      tpu.vector_store %arg20[%swap3A_1122], %add3A_1117 {strides = array<i32>} : memref<2304xf32, #tpu.memory_space<vmem>>, vector<16xf32>,
      %mul3A_1124 = arith.constant 256 : i32
      %mul3A_1125 = arith.muli %scan3A_418, %mul3A_1124 : i32
      %add3A_1126 = vector.broadcast %mul3A_1125 : i32 to vector<16xi32>
      %add3A_1127 = arith.addi %add3A_259, %add3A_1126 : vector<16xi32>
      %gather3A_1128 = tpu.vector_load_idx %arg18[%add3A_1127] : memref<4096xf32, #tpu.memory_space<vmem>>[vector<16xi32>], vector<16xf32>,
      %mul3A_1129 = arith.constant 256 : i32
      %mul3A_1130 = arith.muli %scan3A_418, %mul3A_1129 : i32
      %add3A_1131 = vector.broadcast %mul3A_1130 : i32 to vector<16xi32>
      %add3A_1132 = arith.addi %add3A_269, %add3A_1131 : vector<16xi32>
      %gather3A_1133 = tpu.vector_load_idx %arg18[%add3A_1132] : memref<4096xf32, #tpu.memory_space<vmem>>[vector<16xi32>], vector<16xf32>,
      %add3A_1134 = arith.addf %gather3A_1128, %gather3A_1133 : vector<16xf32>
      %mul3A_1135 = arith.constant 256 : i32
      %mul3A_1136 = arith.muli %scan3A_418, %mul3A_1135 : i32
      %add3A_1137 = vector.broadcast %mul3A_1136 : i32 to vector<16xi32>
      %add3A_1138 = arith.addi %add3A_279, %add3A_1137 : vector<16xi32>
      %gather3A_1139 = tpu.vector_load_idx %arg18[%add3A_1138] : memref<4096xf32, #tpu.memory_space<vmem>>[vector<16xi32>], vector<16xf32>,
      %add3A_1140 = arith.addf %add3A_1134, %gather3A_1139 : vector<16xf32>
      %mul3A_1141 = arith.constant 256 : i32
      %mul3A_1142 = arith.muli %scan3A_418, %mul3A_1141 : i32
      %add3A_1143 = vector.broadcast %mul3A_1142 : i32 to vector<16xi32>
      %add3A_1144 = arith.addi %add3A_289, %add3A_1143 : vector<16xi32>
      %gather3A_1145 = tpu.vector_load_idx %arg18[%add3A_1144] : memref<4096xf32, #tpu.memory_space<vmem>>[vector<16xi32>], vector<16xf32>,
      %add3A_1146 = arith.addf %add3A_1140, %gather3A_1145 : vector<16xf32>
      %mul3A_1147 = arith.constant 256 : i32
      %mul3A_1148 = arith.muli %scan3A_418, %mul3A_1147 : i32
      %add3A_1149 = vector.broadcast %mul3A_1148 : i32 to vector<16xi32>
      %add3A_1150 = arith.addi %add3A_299, %add3A_1149 : vector<16xi32>
      %gather3A_1151 = tpu.vector_load_idx %arg18[%add3A_1150] : memref<4096xf32, #tpu.memory_space<vmem>>[vector<16xi32>], vector<16xf32>,
      %add3A_1152 = arith.addf %add3A_1146, %gather3A_1151 : vector<16xf32>
      %mul3A_1153 = arith.constant 256 : i32
      %mul3A_1154 = arith.muli %scan3A_418, %mul3A_1153 : i32
      %add3A_1155 = vector.broadcast %mul3A_1154 : i32 to vector<16xi32>
      %add3A_1156 = arith.addi %add3A_309, %add3A_1155 : vector<16xi32>
      %gather3A_1157 = tpu.vector_load_idx %arg18[%add3A_1156] : memref<4096xf32, #tpu.memory_space<vmem>>[vector<16xi32>], vector<16xf32>,
      %add3A_1158 = arith.addf %add3A_1152, %gather3A_1157 : vector<16xf32>
      %mul3A_1159 = arith.constant 256 : i32
      %mul3A_1160 = arith.muli %scan3A_418, %mul3A_1159 : i32
      %add3A_1161 = vector.broadcast %mul3A_1160 : i32 to vector<16xi32>
      %add3A_1162 = arith.addi %add3A_319, %add3A_1161 : vector<16xi32>
      %gather3A_1163 = tpu.vector_load_idx %arg18[%add3A_1162] : memref<4096xf32, #tpu.memory_space<vmem>>[vector<16xi32>], vector<16xf32>,
      %add3A_1164 = arith.addf %add3A_1158, %gather3A_1163 : vector<16xf32>
      %mul3A_1165 = arith.constant 256 : i32
      %mul3A_1166 = arith.muli %scan3A_418, %mul3A_1165 : i32
      %add3A_1167 = vector.broadcast %mul3A_1166 : i32 to vector<16xi32>
      %add3A_1168 = arith.addi %add3A_329, %add3A_1167 : vector<16xi32>
      %gather3A_1169 = tpu.vector_load_idx %arg18[%add3A_1168] : memref<4096xf32, #tpu.memory_space<vmem>>[vector<16xi32>], vector<16xf32>,
      %add3A_1170 = arith.addf %add3A_1164, %gather3A_1169 : vector<16xf32>
      %mul3A_1171 = arith.constant 256 : i32
      %mul3A_1172 = arith.muli %scan3A_418, %mul3A_1171 : i32
      %add3A_1173 = vector.broadcast %mul3A_1172 : i32 to vector<16xi32>
      %add3A_1174 = arith.addi %add3A_339, %add3A_1173 : vector<16xi32>
      %gather3A_1175 = tpu.vector_load_idx %arg18[%add3A_1174] : memref<4096xf32, #tpu.memory_space<vmem>>[vector<16xi32>], vector<16xf32>,
      %add3A_1176 = arith.addf %add3A_1170, %gather3A_1175 : vector<16xf32>
      %mul3A_1177 = arith.constant 256 : i32
      %mul3A_1178 = arith.muli %scan3A_418, %mul3A_1177 : i32
      %add3A_1179 = vector.broadcast %mul3A_1178 : i32 to vector<16xi32>
      %add3A_1180 = arith.addi %add3A_349, %add3A_1179 : vector<16xi32>
      %gather3A_1181 = tpu.vector_load_idx %arg18[%add3A_1180] : memref<4096xf32, #tpu.memory_space<vmem>>[vector<16xi32>], vector<16xf32>,
      %add3A_1182 = arith.addf %add3A_1176, %gather3A_1181 : vector<16xf32>
      %mul3A_1183 = arith.constant 256 : i32
      %mul3A_1184 = arith.muli %scan3A_418, %mul3A_1183 : i32
      %add3A_1185 = vector.broadcast %mul3A_1184 : i32 to vector<16xi32>
      %add3A_1186 = arith.addi %add3A_359, %add3A_1185 : vector<16xi32>
      %gather3A_1187 = tpu.vector_load_idx %arg18[%add3A_1186] : memref<4096xf32, #tpu.memory_space<vmem>>[vector<16xi32>], vector<16xf32>,
      %add3A_1188 = arith.addf %add3A_1182, %gather3A_1187 : vector<16xf32>
      %mul3A_1189 = arith.constant 256 : i32
      %mul3A_1190 = arith.muli %scan3A_418, %mul3A_1189 : i32
      %add3A_1191 = vector.broadcast %mul3A_1190 : i32 to vector<16xi32>
      %add3A_1192 = arith.addi %add3A_369, %add3A_1191 : vector<16xi32>
      %gather3A_1193 = tpu.vector_load_idx %arg18[%add3A_1192] : memref<4096xf32, #tpu.memory_space<vmem>>[vector<16xi32>], vector<16xf32>,
      %add3A_1194 = arith.addf %add3A_1188, %gather3A_1193 : vector<16xf32>
      %mul3A_1195 = arith.constant 256 : i32
      %mul3A_1196 = arith.muli %scan3A_418, %mul3A_1195 : i32
      %add3A_1197 = vector.broadcast %mul3A_1196 : i32 to vector<16xi32>
      %add3A_1198 = arith.addi %add3A_379, %add3A_1197 : vector<16xi32>
      %gather3A_1199 = tpu.vector_load_idx %arg18[%add3A_1198] : memref<4096xf32, #tpu.memory_space<vmem>>[vector<16xi32>], vector<16xf32>,
      %add3A_1200 = arith.addf %add3A_1194, %gather3A_1199 : vector<16xf32>
      %mul3A_1201 = arith.constant 256 : i32
      %mul3A_1202 = arith.muli %scan3A_418, %mul3A_1201 : i32
      %add3A_1203 = vector.broadcast %mul3A_1202 : i32 to vector<16xi32>
      %add3A_1204 = arith.addi %add3A_389, %add3A_1203 : vector<16xi32>
      %gather3A_1205 = tpu.vector_load_idx %arg18[%add3A_1204] : memref<4096xf32, #tpu.memory_space<vmem>>[vector<16xi32>], vector<16xf32>,
      %add3A_1206 = arith.addf %add3A_1200, %gather3A_1205 : vector<16xf32>
      %mul3A_1207 = arith.constant 256 : i32
      %mul3A_1208 = arith.muli %scan3A_418, %mul3A_1207 : i32
      %add3A_1209 = vector.broadcast %mul3A_1208 : i32 to vector<16xi32>
      %add3A_1210 = arith.addi %add3A_399, %add3A_1209 : vector<16xi32>
      %gather3A_1211 = tpu.vector_load_idx %arg18[%add3A_1210] : memref<4096xf32, #tpu.memory_space<vmem>>[vector<16xi32>], vector<16xf32>,
      %add3A_1212 = arith.addf %add3A_1206, %gather3A_1211 : vector<16xf32>
      %mul3A_1213 = arith.constant 256 : i32
      %mul3A_1214 = arith.muli %scan3A_418, %mul3A_1213 : i32
      %add3A_1215 = vector.broadcast %mul3A_1214 : i32 to vector<16xi32>
      %add3A_1216 = arith.addi %add3A_409, %add3A_1215 : vector<16xi32>
      %gather3A_1217 = tpu.vector_load_idx %arg18[%add3A_1216] : memref<4096xf32, #tpu.memory_space<vmem>>[vector<16xi32>], vector<16xf32>,
      %add3A_1218 = arith.addf %add3A_1212, %gather3A_1217 : vector<16xf32>
      %mul3A_1219 = arith.constant 16 : i32
      %mul3A_1220 = arith.muli %scan3A_418, %mul3A_1219 : i32
      %add3A_1221 = arith.constant 1792 : i32
      %add3A_1222 = arith.addi %add3A_1221, %mul3A_1220 : i32
      %swap3A_1223 = arith.index_cast %add3A_1222 : i32 to index
      %swap3A_1224 = tpu.vector_load %arg20[%swap3A_1223] {strides = array<i32>} : memref<2304xf32, #tpu.memory_space<vmem>>, vector<16xf32>,
      tpu.vector_store %arg20[%swap3A_1223], %add3A_1218 {strides = array<i32>} : memref<2304xf32, #tpu.memory_space<vmem>>, vector<16xf32>,
      %mul3A_1225 = arith.constant 256 : i32
      %mul3A_1226 = arith.muli %scan3A_418, %mul3A_1225 : i32
      %add3A_1227 = vector.broadcast %mul3A_1226 : i32 to vector<16xi32>
      %add3A_1228 = arith.addi %add3A_259, %add3A_1227 : vector<16xi32>
      %gather3A_1229 = tpu.vector_load_idx %arg19[%add3A_1228] : memref<4096xf32, #tpu.memory_space<vmem>>[vector<16xi32>], vector<16xf32>,
      %mul3A_1230 = arith.constant 256 : i32
      %mul3A_1231 = arith.muli %scan3A_418, %mul3A_1230 : i32
      %add3A_1232 = vector.broadcast %mul3A_1231 : i32 to vector<16xi32>
      %add3A_1233 = arith.addi %add3A_269, %add3A_1232 : vector<16xi32>
      %gather3A_1234 = tpu.vector_load_idx %arg19[%add3A_1233] : memref<4096xf32, #tpu.memory_space<vmem>>[vector<16xi32>], vector<16xf32>,
      %add3A_1235 = arith.addf %gather3A_1229, %gather3A_1234 : vector<16xf32>
      %mul3A_1236 = arith.constant 256 : i32
      %mul3A_1237 = arith.muli %scan3A_418, %mul3A_1236 : i32
      %add3A_1238 = vector.broadcast %mul3A_1237 : i32 to vector<16xi32>
      %add3A_1239 = arith.addi %add3A_279, %add3A_1238 : vector<16xi32>
      %gather3A_1240 = tpu.vector_load_idx %arg19[%add3A_1239] : memref<4096xf32, #tpu.memory_space<vmem>>[vector<16xi32>], vector<16xf32>,
      %add3A_1241 = arith.addf %add3A_1235, %gather3A_1240 : vector<16xf32>
      %mul3A_1242 = arith.constant 256 : i32
      %mul3A_1243 = arith.muli %scan3A_418, %mul3A_1242 : i32
      %add3A_1244 = vector.broadcast %mul3A_1243 : i32 to vector<16xi32>
      %add3A_1245 = arith.addi %add3A_289, %add3A_1244 : vector<16xi32>
      %gather3A_1246 = tpu.vector_load_idx %arg19[%add3A_1245] : memref<4096xf32, #tpu.memory_space<vmem>>[vector<16xi32>], vector<16xf32>,
      %add3A_1247 = arith.addf %add3A_1241, %gather3A_1246 : vector<16xf32>
      %mul3A_1248 = arith.constant 256 : i32
      %mul3A_1249 = arith.muli %scan3A_418, %mul3A_1248 : i32
      %add3A_1250 = vector.broadcast %mul3A_1249 : i32 to vector<16xi32>
      %add3A_1251 = arith.addi %add3A_299, %add3A_1250 : vector<16xi32>
      %gather3A_1252 = tpu.vector_load_idx %arg19[%add3A_1251] : memref<4096xf32, #tpu.memory_space<vmem>>[vector<16xi32>], vector<16xf32>,
      %add3A_1253 = arith.addf %add3A_1247, %gather3A_1252 : vector<16xf32>
      %mul3A_1254 = arith.constant 256 : i32
      %mul3A_1255 = arith.muli %scan3A_418, %mul3A_1254 : i32
      %add3A_1256 = vector.broadcast %mul3A_1255 : i32 to vector<16xi32>
      %add3A_1257 = arith.addi %add3A_309, %add3A_1256 : vector<16xi32>
      %gather3A_1258 = tpu.vector_load_idx %arg19[%add3A_1257] : memref<4096xf32, #tpu.memory_space<vmem>>[vector<16xi32>], vector<16xf32>,
      %add3A_1259 = arith.addf %add3A_1253, %gather3A_1258 : vector<16xf32>
      %mul3A_1260 = arith.constant 256 : i32
      %mul3A_1261 = arith.muli %scan3A_418, %mul3A_1260 : i32
      %add3A_1262 = vector.broadcast %mul3A_1261 : i32 to vector<16xi32>
      %add3A_1263 = arith.addi %add3A_319, %add3A_1262 : vector<16xi32>
      %gather3A_1264 = tpu.vector_load_idx %arg19[%add3A_1263] : memref<4096xf32, #tpu.memory_space<vmem>>[vector<16xi32>], vector<16xf32>,
      %add3A_1265 = arith.addf %add3A_1259, %gather3A_1264 : vector<16xf32>
      %mul3A_1266 = arith.constant 256 : i32
      %mul3A_1267 = arith.muli %scan3A_418, %mul3A_1266 : i32
      %add3A_1268 = vector.broadcast %mul3A_1267 : i32 to vector<16xi32>
      %add3A_1269 = arith.addi %add3A_329, %add3A_1268 : vector<16xi32>
      %gather3A_1270 = tpu.vector_load_idx %arg19[%add3A_1269] : memref<4096xf32, #tpu.memory_space<vmem>>[vector<16xi32>], vector<16xf32>,
      %add3A_1271 = arith.addf %add3A_1265, %gather3A_1270 : vector<16xf32>
      %mul3A_1272 = arith.constant 256 : i32
      %mul3A_1273 = arith.muli %scan3A_418, %mul3A_1272 : i32
      %add3A_1274 = vector.broadcast %mul3A_1273 : i32 to vector<16xi32>
      %add3A_1275 = arith.addi %add3A_339, %add3A_1274 : vector<16xi32>
      %gather3A_1276 = tpu.vector_load_idx %arg19[%add3A_1275] : memref<4096xf32, #tpu.memory_space<vmem>>[vector<16xi32>], vector<16xf32>,
      %add3A_1277 = arith.addf %add3A_1271, %gather3A_1276 : vector<16xf32>
      %mul3A_1278 = arith.constant 256 : i32
      %mul3A_1279 = arith.muli %scan3A_418, %mul3A_1278 : i32
      %add3A_1280 = vector.broadcast %mul3A_1279 : i32 to vector<16xi32>
      %add3A_1281 = arith.addi %add3A_349, %add3A_1280 : vector<16xi32>
      %gather3A_1282 = tpu.vector_load_idx %arg19[%add3A_1281] : memref<4096xf32, #tpu.memory_space<vmem>>[vector<16xi32>], vector<16xf32>,
      %add3A_1283 = arith.addf %add3A_1277, %gather3A_1282 : vector<16xf32>
      %mul3A_1284 = arith.constant 256 : i32
      %mul3A_1285 = arith.muli %scan3A_418, %mul3A_1284 : i32
      %add3A_1286 = vector.broadcast %mul3A_1285 : i32 to vector<16xi32>
      %add3A_1287 = arith.addi %add3A_359, %add3A_1286 : vector<16xi32>
      %gather3A_1288 = tpu.vector_load_idx %arg19[%add3A_1287] : memref<4096xf32, #tpu.memory_space<vmem>>[vector<16xi32>], vector<16xf32>,
      %add3A_1289 = arith.addf %add3A_1283, %gather3A_1288 : vector<16xf32>
      %mul3A_1290 = arith.constant 256 : i32
      %mul3A_1291 = arith.muli %scan3A_418, %mul3A_1290 : i32
      %add3A_1292 = vector.broadcast %mul3A_1291 : i32 to vector<16xi32>
      %add3A_1293 = arith.addi %add3A_369, %add3A_1292 : vector<16xi32>
      %gather3A_1294 = tpu.vector_load_idx %arg19[%add3A_1293] : memref<4096xf32, #tpu.memory_space<vmem>>[vector<16xi32>], vector<16xf32>,
      %add3A_1295 = arith.addf %add3A_1289, %gather3A_1294 : vector<16xf32>
      %mul3A_1296 = arith.constant 256 : i32
      %mul3A_1297 = arith.muli %scan3A_418, %mul3A_1296 : i32
      %add3A_1298 = vector.broadcast %mul3A_1297 : i32 to vector<16xi32>
      %add3A_1299 = arith.addi %add3A_379, %add3A_1298 : vector<16xi32>
      %gather3A_1300 = tpu.vector_load_idx %arg19[%add3A_1299] : memref<4096xf32, #tpu.memory_space<vmem>>[vector<16xi32>], vector<16xf32>,
      %add3A_1301 = arith.addf %add3A_1295, %gather3A_1300 : vector<16xf32>
      %mul3A_1302 = arith.constant 256 : i32
      %mul3A_1303 = arith.muli %scan3A_418, %mul3A_1302 : i32
      %add3A_1304 = vector.broadcast %mul3A_1303 : i32 to vector<16xi32>
      %add3A_1305 = arith.addi %add3A_389, %add3A_1304 : vector<16xi32>
      %gather3A_1306 = tpu.vector_load_idx %arg19[%add3A_1305] : memref<4096xf32, #tpu.memory_space<vmem>>[vector<16xi32>], vector<16xf32>,
      %add3A_1307 = arith.addf %add3A_1301, %gather3A_1306 : vector<16xf32>
      %mul3A_1308 = arith.constant 256 : i32
      %mul3A_1309 = arith.muli %scan3A_418, %mul3A_1308 : i32
      %add3A_1310 = vector.broadcast %mul3A_1309 : i32 to vector<16xi32>
      %add3A_1311 = arith.addi %add3A_399, %add3A_1310 : vector<16xi32>
      %gather3A_1312 = tpu.vector_load_idx %arg19[%add3A_1311] : memref<4096xf32, #tpu.memory_space<vmem>>[vector<16xi32>], vector<16xf32>,
      %add3A_1313 = arith.addf %add3A_1307, %gather3A_1312 : vector<16xf32>
      %mul3A_1314 = arith.constant 256 : i32
      %mul3A_1315 = arith.muli %scan3A_418, %mul3A_1314 : i32
      %add3A_1316 = vector.broadcast %mul3A_1315 : i32 to vector<16xi32>
      %add3A_1317 = arith.addi %add3A_409, %add3A_1316 : vector<16xi32>
      %gather3A_1318 = tpu.vector_load_idx %arg19[%add3A_1317] : memref<4096xf32, #tpu.memory_space<vmem>>[vector<16xi32>], vector<16xf32>,
      %add3A_1319 = arith.addf %add3A_1313, %gather3A_1318 : vector<16xf32>
      %mul3A_1320 = arith.constant 16 : i32
      %mul3A_1321 = arith.muli %scan3A_418, %mul3A_1320 : i32
      %add3A_1322 = arith.constant 2048 : i32
      %add3A_1323 = arith.addi %add3A_1322, %mul3A_1321 : i32
      %swap3A_1324 = arith.index_cast %add3A_1323 : i32 to index
      %swap3A_1325 = tpu.vector_load %arg20[%swap3A_1324] {strides = array<i32>} : memref<2304xf32, #tpu.memory_space<vmem>>, vector<16xf32>,
      tpu.vector_store %arg20[%swap3A_1324], %add3A_1319 {strides = array<i32>} : memref<2304xf32, #tpu.memory_space<vmem>>, vector<16xf32>,
    }
    %scan3A_415 = arith.constant 16 : i32
    %mul3A_416 = arith.constant 2304 : i32
    %mul3A_417 = arith.muli %add3A, %mul3A_416 : i32
    "tpu.region"() ({
      %run_scoped3A = tpu.sem_alloc : memref<!tpu.dma_semaphore, #tpu.memory_space<semaphore_mem>>
      %dma_start3A_418 = tpu.memref_slice %arg6[%mul3A_417] : memref<73728xf32, #tpu.memory_space<hbm>> -> memref<2304xf32, #tpu.memory_space<hbm>>
      %dma_start3A_419 = tpu.memref_slice %arg6[%mul3A_417] : memref<73728xf32, #tpu.memory_space<hbm>> -> memref<2304xf32, #tpu.memory_space<hbm>>
      tpu.enqueue_dma source(%arg20 : memref<2304xf32, #tpu.memory_space<vmem>>) target(%dma_start3A_419 : memref<2304xf32, #tpu.memory_space<hbm>>) target_semaphore(%run_scoped3A : memref<!tpu.dma_semaphore, #tpu.memory_space<semaphore_mem>>)
      %dma_wait3A_420 = tpu.memref_slice %arg6[%mul3A_417] : memref<73728xf32, #tpu.memory_space<hbm>> -> memref<2304xf32, #tpu.memory_space<hbm>>
      %dma_wait3A_421 = tpu.memref_slice %arg6[%mul3A_417] : memref<73728xf32, #tpu.memory_space<hbm>> -> memref<2304xf32, #tpu.memory_space<hbm>>
      tpu.wait_dma2 semaphore(%run_scoped3A : memref<!tpu.dma_semaphore, #tpu.memory_space<semaphore_mem>>) src(%arg20 : memref<2304xf32, #tpu.memory_space<vmem>>) dst(%dma_wait3A_421 : memref<2304xf32, #tpu.memory_space<hbm>>)
      tpu.yield
    }) : () -> ()
    return
  }
}

</mosaic_0001>

<sc_bundles>
// kernel: kernel.3.cloned.1.call-start
scs
__scs_entry_jumppad:
0x0: {  	(pc) =	sbr.rel $0x88, $3  }
0x1: {  	(tag) =	ssettag $0x0;
	lr =	simm.s32 $0x1  }
0x2: {  	[smem:$0x3F9D] =	sst lr;
	_ =	strace $0xD0000000  }
0x3: {  	_ = 	snop  }
0x4: {  	_ = 	snop  }
0x5: {  	_ = 	snop  }
0x6: {  	_ = 	snop  }
0x7: {  	_ = 	snop  }
__scs_overlays_trampoline_lowered:
0x8: {  	[smem:$0x3FAC] =	sst s0  }
0x9: {  	[smem:$0x3FAD] =	sst s1  }
0xa: {  	[smem:$0x3FAE] =	sst s2  }
0xb: {  	[smem:$0x3FAF] =	sst s3  }
0xc: {  	[smem:$0x3FB0] =	sst s4  }
0xd: {  	[smem:$0x3FB1] =	sst s5  }
0xe: {  	[smem:$0x3FB2] =	sst s6  }
0xf: {  	[smem:$0x3FB3] =	sst s7  }
0x10: {  	[smem:$0x3FB4] =	sst s8  }
0x11: {  	[smem:$0x3FB5] =	sst s9;
	s0 =	simm.s32 @!p0 $0x0  }
0x12: {  	s1 =	sld [smem:$0x3F9B];
	s0 =	simm.s32 @p0 $0x1  }
0x13: {  	[smem:$0x3FB6] =	sst s0;
	s0 =	simm.s32 @!p1 $0x0  }
0x14: {  	s2 =	sld [smem:$0x3F9A];
	s0 =	simm.s32 @p1 $0x1  }
0x15: {  	[smem:$0x3FB7] =	sst s0;
	s0 =	simm.s32 @!p2 $0x0  }
0x16: {  	s3 =	sld [smem:$0x3FDB];
	s0 =	simm.s32 @p2 $0x1  }
0x17: {  	s4 =	simm.s32 $0x1BF5;
	[smem:$0x3FB9] =	sst s0  }
0x18: {  	s0 =	sld [smem:$0x3F9C];
	_ =	swait.ge [sflag:s4], $0x0  }
0x19: {  	s7 =	sld [smem:$0x3F9D]  }
0x1a: {  	s8 =	sadd.s32 $0xFFFFE003, lr  }
0x1b: {  	s9 =	sadd.s32 $0xFFFFFEF7, lr;
	s5 =	simm.s32 $0xFFFFFFFF;
	p2 =	slt.u32 s8, $0xFFFFF086  }
0x1c: {  	p1 =	slt.u32 s9, $0xF7A;
	s5 =	simm.s32 @!p2 $0x0  }
0x1d: {  	s5 =	simm.s32 @p1 $0x1;
	p0 =	seq.s32 s7, s2  }
0x1e: {  	s7 =	smul.u32 @!p0 $0xF7A, s2;
	p2 =	seq.s32 @!p0 s5, $0x0  }
0x1f: {  	s9 =	smul.u32 $0xF7A, s1;
	s8 =	simm.s32 @!p0 $0x1BF5;
	p2 =	por !p2, p0  }
0x20: {  	[sflag:s8] =	ssyncset.s32 @!p0 $0xFFFFF086;
	s6 =	sadd.s32 @!p0 s3, s7;
	s7 =	simm.s32 @!p0 $0x108  }
0x21: {  	s3 =	sadd.s32 s3, s9;
	s6 =	sadd.s32 @!p0 $0x88, s6;
	s7 =	simm.s32 @p2 $0x1082  }
0x22: {  	[simem:s7], [sflag:s8] =	dma.local @!p0 [hbm:s6], $0xF7A  }
0x23: {  	s9 =	sor.u32 $0xD0000000, s2;
	s6 =	simm.s32 $0x108;
	_ =	swait.ge @!p0 [sflag:s8], $0x0  }
0x24: {  	s3 =	sadd.s32 $0x88, s3;
	s6 =	simm.s32 @!p1 $0x1082;
	[sflag:s4] =	ssyncset.s32 $0xFFFFF086  }
0x25: {  	[simem:s6], [sflag:s4] =	dma.local [hbm:s3], $0xF7A  }
0x26: {  	[smem:$0x3F9D] =	sst s1;
	(tag) =	ssettag s2;
	_ =	strace s9  }
0x27: {  	s1 =	sld [smem:$0x3FAD]  }
0x28: {  	s2 =	sld [smem:$0x3FAE]  }
0x29: {  	s4 =	sld [smem:$0x3FB0]  }
0x2a: {  	p0 =	seq.s32 s5, $0x0;
	s5 =	sld [smem:$0x3FB1]  }
0x2b: {  	s6 =	sld [smem:$0x3FB2]  }
0x2c: {  	s7 =	sld [smem:$0x3FB3]  }
0x2d: {  	s3 =	simm.s32 $0x108;
	s8 =	sld [smem:$0x3FB4]  }
0x2e: {  	s3 =	simm.s32 @!p0 $0x1082;
	s9 =	sld [smem:$0x3FB5]  }
0x2f: {  	lr =	sadd.s32 s0, s3;
	s0 =	sld [smem:$0x3FAC]  }
0x30: {  	s3 =	sld [smem:$0x3FAF]  }
0x31: {  	[smem:$0x3FB8] =	sst s10  }
0x32: {  	s10 =	sld [smem:$0x3FB6];
	_ =	sdelay $0x3  }
0x33: {  	p0 =	seq.s32 s10, $0x1;
	s10 =	sld [smem:$0x3FB8];
	_ =	sdelay $0x3  }
0x34: {  	[smem:$0x3FB8] =	sst s10  }
0x35: {  	s10 =	sld [smem:$0x3FB7];
	_ =	sdelay $0x3  }
0x36: {  	p1 =	seq.s32 s10, $0x1;
	s10 =	sld [smem:$0x3FB8];
	_ =	sdelay $0x3  }
0x37: {  	[smem:$0x3FB8] =	sst s10  }
0x38: {  	s10 =	sld [smem:$0x3FB9]  }
0x39: {  	_ = 	snop;
	(pc) =	sbr.ind lr, $3  }
0x3a: {  	_ = 	snop  }
0x3b: {  	_ = 	snop  }
0x3c: {  	p2 =	seq.s32 s10, $0x1;
	s10 =	sld [smem:$0x3FB8]  }
0x3d: {  	_ =	shalt  }
0x3e: {  	_ =	shalt  }
0x3f: {  	_ =	shalt  }
0x40: {  	_ =	shalt  }
0x41: {  	_ =	shalt  }
0x42: {  	_ =	shalt  }
0x43: {  	_ =	shalt  }
0x44: {  	_ =	shalt  }
0x45: {  	_ =	shalt  }
0x46: {  	_ =	shalt  }
0x47: {  	_ =	shalt  }
0x48: {  	_ =	shalt  }
0x49: {  	_ =	shalt  }
0x4a: {  	_ =	shalt  }
0x4b: {  	_ =	shalt  }
0x4c: {  	_ =	shalt  }
0x4d: {  	_ =	shalt  }
0x4e: {  	_ =	shalt  }
0x4f: {  	_ =	shalt  }
0x50: {  	_ =	shalt  }
0x51: {  	_ =	shalt  }
0x52: {  	_ =	shalt  }
0x53: {  	_ =	shalt  }
0x54: {  	_ =	shalt  }
0x55: {  	_ =	shalt  }
0x56: {  	_ =	shalt  }
0x57: {  	_ =	shalt  }
0x58: {  	_ =	shalt  }
0x59: {  	_ =	shalt  }
0x5a: {  	_ =	shalt  }
0x5b: {  	_ =	shalt  }
0x5c: {  	_ =	shalt  }
0x5d: {  	_ =	shalt  }
0x5e: {  	_ =	shalt  }
0x5f: {  	_ =	shalt  }
0x60: {  	_ =	shalt  }
0x61: {  	_ =	shalt  }
0x62: {  	_ =	shalt  }
0x63: {  	_ =	shalt  }
0x64: {  	_ =	shalt  }
0x65: {  	_ =	shalt  }
0x66: {  	_ =	shalt  }
0x67: {  	_ =	shalt  }
0x68: {  	_ =	shalt  }
0x69: {  	_ =	shalt  }
0x6a: {  	_ =	shalt  }
0x6b: {  	_ =	shalt  }
0x6c: {  	_ =	shalt  }
0x6d: {  	_ =	shalt  }
0x6e: {  	_ =	shalt  }
0x6f: {  	_ =	shalt  }
0x70: {  	_ =	shalt  }
0x71: {  	_ =	shalt  }
0x72: {  	_ =	shalt  }
0x73: {  	_ =	shalt  }
0x74: {  	_ =	shalt  }
0x75: {  	_ =	shalt  }
0x76: {  	_ =	shalt  }
0x77: {  	_ =	shalt  }
0x78: {  	_ =	shalt  }
0x79: {  	_ =	shalt  }
0x7a: {  	_ =	shalt  }
0x7b: {  	_ =	shalt  }
0x7c: {  	_ =	shalt  }
0x7d: {  	_ =	shalt  }
0x7e: {  	_ =	shalt  }
0x7f: {  	_ =	shalt  }
0x80: {  	_ =	shalt  }
0x81: {  	_ =	shalt  }
0x82: {  	_ =	shalt  }
0x83: {  	_ =	shalt  }
0x84: {  	_ =	shalt  }
0x85: {  	_ =	shalt  }
0x86: {  	_ =	shalt  }
0x87: {  	_ =	shalt  }
.Lfunc_end0:
.L_simem_size_0:
called_computation_lowered:
.L_overlay_start_0:
0x88: {  	s2 =	sld [smem:$0x3FD9]  }
0x89: {  	s3 =	sld [smem:$0x3FFE];
	_ =	sdelay $0x1  }
0x8a: {  	s1 =	srdreg.scid  }
0x8b: {  	s0 =	sand.u32 $0x1, s1  }
0x8c: {  	s17 =	sshll.u32 s0, $0xA;
	s2 =	sadd.s32 s3, s2  }
0x8d: {  	s2 =	sadd.s32 s2, s17  }
0x8e: {  	[smem:$0x3FC4] =	sst s2  }
0x8f: {  	_ = 	snop  }
0x90: {  	s2 =	sld [smem:$0x3FC9]  }
0x91: {  	s18 =	sld [smem:$0x3FC8]  }
0x92: {  	s4 =	sld [smem:$0x3FC7]  }
0x93: {  	s5 =	sld [smem:$0x3FC6];
	(tm) =	ssettm $0x1  }
0x94: {  	s6 =	sld [smem:$0x3FFB];
	_ =	sdelay $0x3  }
0x95: {  	_ =	strace s6  }
0x96: {  	s6 =	sld [smem:$0x3FFC];
	_ =	sdelay $0x3  }
0x97: {  	_ =	strace s6  }
0x98: {  	s6 =	sld [smem:$0x3FFD];
	_ =	sdelay $0x3  }
0x99: {  	_ =	strace s6  }
0x9a: {  	_ =	strace $0x8FFFFFFF  }
0x9b: {  	s19 =	sld [smem:$0x3FDB];
	_ =	sdelay $0x1  }
0x9c: {  	s7 =	simm.s32 $_scs_section_size  }
0x9d: {  	s8 =	simm.s32 $_size__tile_overlayer_lowered;
	s9 =	simm.s32 $_tile_overlayer_lowered  }
0x9e: {  	s22 =	simm.s32 $0x1BFF;
	s21 =	sshll.u32 s9, $0x1;
	s6 =	sadd.s32 s7, s19  }
0x9f: {  	s10 =	simm.s32 $0x0;
	s20 =	sshll.u32 s8, $0x1;
	s8 =	sadd.s32 s21, s6  }
0xa0: {  	[timem:s10], [sflag:s22] =	dma.local [hbm:s8], s20  }
0xa1: {  	_ =	swait.ge [sflag:s22], s20  }
0xa2: {  	s7 =	ssub.s32 $0x0, s20;
	[sflag:s22] =	ssyncset.done $0x0  }
0xa3: {  	[sflag:s22] =	ssyncadd.s32 s7;
	_ =	sdelay $0x1  }
0xa4: {  	s23 =	simm.s32 $0x1B8B  }
0xa5: {  	_ =	swait.ge [sflag:s23], $0x1  }
0xa6: {  	[sflag:s23] =	ssyncset.done $0x0  }
0xa7: {  	s25 =	simm.s32 $0x1B8E;
	s24 =	sld [smem:$0x3FFE];
	[sflag:s23] =	ssyncadd.s32 $0xFFFFFFFF  }
0xa8: {  	s26 =	simm.s32 $execute0_lowered;
	[smem:$0x3FD2] =	sst s25  }
0xa9: {  	s8 =	sshll.u32 s26, $0x1;
	_ =	strace $0x80000046;
	[dreg:$0x1] =	wrdreg $0xFFFFFFFF  }
0xaa: {  	s28 =	simm.s32 $_size_execute0_lowered;
	s6 =	sadd.s32 s6, s8;
	[dreg:$0x0] =	wrdreg $0x0  }
0xab: {  	s8 =	sshll.u32 s28, $0x1;
	[dreg:$0x2] =	wrdreg s6  }
0xac: {  	[dreg:$0x3] =	wrdreg s8  }
0xad: {  	[dreg:$0x4] =	wrdreg $0xC0  }
0xae: {  	_ =	task [dreg:s10], $0x5FFFF  }
0xaf: {  	[dreg:$0x1] =	wrdreg $0xFFFFFFFF  }
0xb0: {  	[dreg:$0x0] =	wrdreg $0x60  }
0xb1: {  	[dreg:$0x2] =	wrdreg s2  }
0xb2: {  	[dreg:$0x3] =	wrdreg s18  }
0xb3: {  	[dreg:$0x4] =	wrdreg s4  }
0xb4: {  	[dreg:$0x5] =	wrdreg s5  }
0xb5: {  	[dreg:$0x6] =	wrdreg s24  }
0xb6: {  	[dreg:$0x7] =	wrdreg $0x9  }
0xb7: {  	_ =	task.clear_ibuf [dreg:s10], $0x8FFFF;
	_ =	strace $0x90000046  }
0xb8: {  	s29 =	simm.s32 $0x9;
	_ =	strace $0x80000048  }
0xb9: {  	_ =	swait.ge [sflag:s29], $0x1  }
0xba: {  	[sflag:s29] =	ssyncadd.s32 $0xFFFFFFFF  }
0xbb: {  	_ =	strace $0x90000048  }
0xbc: {  	_ =	sfence  }
0xbd: {  	s30 =	sld [smem:$0x0];
	_ =	sdelay $0x2  }
0xbe: {  	s31 =	sshll.u32 s1, $0xD;
	s1 =	sshrl.u32 s1, $0x2  }
0xbf: {  	s3 =	sand.u32 $0x4000, s31;
	s1 =	sadd.s32 s1, s30  }
0xc0: {  	s0 =	sor.u32 s3, s0;
	s1 =	sshll.u32 s1, $0x11  }
0xc1: {  	s0 =	sor.u32 s1, s0  }
0xc2: {  	s0 =	sadd.s32 $0x8F2B, s0  }
0xc3: {  	[sflag:s0] =	ssyncadd.remote.s32 $0x1  }
0xc4: {  	_ =	sfence.sel $0xFFFF  }
0xc5: {  	[dreg:$0x0] =	wrdreg $0xFFFFFFFF;
	(pc) =	sbr.abs _section_cstart, $3  }
0xc6: {  	[dreg:$0x1] =	wrdreg $0xFFFFFFFF  }
0xc7: {  	_ =	task.clear_ibuf [dreg:s10], $0x2FFFF;
	_ =	strace $0x9FFFFFFF  }
0xc8: {  	(tm) =	ssettm $0x7FFFFFFF  }
0xc9: {  	_ =	shalt  }
tec
execute0_lowered:
.L_overlay_start_1:
0x0: {  	(tag) =	ssettag $0x1  }
0x1: {  	v0 =	vimm.s32 $0xBCAB9A89;
	v1 =	vimm.s32 $0xF0EFDECD  }
0x2: {  	v2 =	vimm.s32 $0x34231201;
	v3 =	vimm.s32 $0x78675645;
	v4 =	vimm.s32 $0xBDAC9B8A  }
0x3: {  	v5 =	vimm.s32 $0xF1E0DFCE;
	vm0 =	vcmask $0x1F10;
	v7 =	vimm.s32 $0x7A695847  }
0x4: {  	v9 =	vimm.s32 $0xB0AF9E8D;
	v12 =	vimm.s32 $0x7C6B5A49;
	v15 =	vimm.s32 $0x71605F4E  }
0x5: {  	v18 =	vimm.s32 $0x74635241;
	v19 =	vimm.s32 $0xB9A89786;
	v20 =	vimm.s32 $0xFDECDBCA  }
0x6: {  	v0 =	vunpack.c.0.s8.s32 v0;
	v1 =	vunpack.c.0.s8.s32 v1;
	v2 =	vunpack.c.0.s8.s32 v2  }
0x7: {  	v3 =	vunpack.c.0.s8.s32 v3;
	v6 =	vunpack.c.0.s8.s32 v4;
	v5 =	vunpack.c.0.s8.s32 v5  }
0x8: {  	v9 =	vunpack.c.0.s8.s32 v9;
	v12 =	vunpack.c.0.s8.s32 v12;
	v15 =	vunpack.c.0.s8.s32 v15  }
0x9: {  	v18 =	vunpack.c.0.s8.s32 v18;
	v0 =	vsel vm0, v1, v0;
	v1 =	vsel vm0, v3, v2  }
0xa: {  	v2 =	vimm.s32 $0x79685746;
	v3 =	vimm.s32 $0xBEAD9C8B;
	v4 =	vcombine.low v1, v0  }
0xb: {  	v0 =	vsel vm0, v5, v6;
	v1 =	vimm.s32 $0x35241302;
	v2 =	vunpack.c.0.s8.s32 v2  }
0xc: {  	v3 =	vunpack.c.0.s8.s32 v3;
	v5 =	vimm.s32 $0xF2E1D0CF;
	v1 =	vunpack.c.0.s8.s32 v1  }
0xd: {  	v6 =	vimm.s32 $0x36251403;
	v5 =	vunpack.c.0.s8.s32 v5;
	v4 =	vand.u32 $0xFF, v4  }
0xe: {  	v1 =	vsel vm0, v2, v1;
	v2 =	vunpack.c.0.s8.s32 v6;
	v6 =	vunpack.c.0.s8.s32 v7  }
0xf: {  	v3 =	vsel vm0, v5, v3;
	v5 =	vimm.s32 $0xBFAE9D8C;
	v7 =	vimm.s32 $0xF3E2D1C0  }
0x10: {  	v8 =	vunpack.c.0.s8.s32 v5;
	v7 =	vunpack.c.0.s8.s32 v7;
	v5 =	vimm.s32 $0x37261504  }
0x11: {  	v2 =	vsel vm0, v6, v2;
	v6 =	vimm.s32 $0x7B6A5948;
	v10 =	vunpack.c.0.s8.s32 v5  }
0x12: {  	v5 =	vimm.s32 $0xF4E3D2C1;
	v11 =	vunpack.c.0.s8.s32 v6;
	v6 =	vimm.s32 $0x38271605  }
0x13: {  	v13 =	vunpack.c.0.s8.s32 v5;
	v5 =	vcombine.low v1, v0;
	v0 =	vsel vm0, v7, v8  }
0x14: {  	v7 =	vimm.s32 $0xB1A09F8E;
	v8 =	vimm.s32 $0xF5E4D3C2;
	v14 =	vunpack.c.0.s8.s32 v6  }
0x15: {  	v6 =	vcombine.low v2, v3;
	v1 =	vsel vm0, v11, v10;
	v2 =	vsel vm0, v13, v9  }
0x16: {  	v9 =	vimm.s32 $0x39281706;
	v10 =	vunpack.c.0.s8.s32 v7;
	v11 =	vunpack.c.0.s8.s32 v8  }
0x17: {  	v7 =	vimm.s32 $0x7D6C5B4A;
	v8 =	vimm.s32 $0xB2A1908F;
	v5 =	vand.u32 $0xFF, v5  }
0x18: {  	v3 =	vsel vm0, v12, v14;
	v9 =	vunpack.c.0.s8.s32 v9;
	v12 =	vimm.s32 $0xF6E5D4C3  }
0x19: {  	v13 =	vunpack.c.0.s8.s32 v7;
	v14 =	vunpack.c.0.s8.s32 v8;
	v7 =	vcombine.low v1, v0  }
0x1a: {  	v6 =	vand.u32 $0xFF, v6;
	v12 =	vunpack.c.0.s8.s32 v12;
	v8 =	vcombine.low v3, v2  }
0x1b: {  	v0 =	vsel vm0, v11, v10;
	v3 =	vimm.s32 $0x3A291807;
	v10 =	vimm.s32 $0xB3A29180  }
0x1c: {  	v1 =	vsel vm0, v13, v9;
	v3 =	vunpack.c.0.s8.s32 v3;
	v9 =	vimm.s32 $0x7E6D5C4B  }
0x1d: {  	v11 =	vunpack.c.0.s8.s32 v10;
	v10 =	vimm.s32 $0xF7E6D5C4;
	v13 =	vimm.s32 $0x7F6E5D4C  }
0x1e: {  	v7 =	vand.u32 $0xFF, v7;
	v2 =	vsel vm0, v12, v14;
	v9 =	vunpack.c.0.s8.s32 v9  }
0x1f: {  	v12 =	vunpack.c.0.s8.s32 v10;
	v10 =	vimm.s32 $0x3B2A1908;
	v13 =	vunpack.c.0.s8.s32 v13  }
0x20: {  	v8 =	vand.u32 $0xFF, v8;
	v14 =	vunpack.c.0.s8.s32 v10;
	v3 =	vsel vm0, v9, v3  }
0x21: {  	v9 =	vcombine.low v1, v0;
	v0 =	vsel vm0, v12, v11;
	v12 =	vimm.s32 $0xB5A49382  }
0x22: {  	v10 =	vcombine.low v3, v2;
	v1 =	vsel vm0, v13, v14;
	v2 =	vimm.s32 $0xB4A39281  }
0x23: {  	v3 =	vimm.s32 $0xF8E7D6C5;
	v12 =	vunpack.c.0.s8.s32 v12;
	v13 =	vimm.s32 $0xF9E8D7C6  }
0x24: {  	v14 =	vimm.s32 $0x3D2C1B0A;
	v11 =	vcombine.low v1, v0;
	v0 =	vunpack.c.0.s8.s32 v2  }
0x25: {  	v1 =	vunpack.c.0.s8.s32 v3;
	v2 =	vimm.s32 $0x3C2B1A09;
	v3 =	vimm.s32 $0x706F5E4D  }
0x26: {  	v13 =	vunpack.c.0.s8.s32 v13;
	v2 =	vunpack.c.0.s8.s32 v2;
	v3 =	vunpack.c.0.s8.s32 v3  }
0x27: {  	v14 =	vunpack.c.0.s8.s32 v14;
	v9 =	vand.u32 $0xFF, v9;
	v10 =	vand.u32 $0xFF, v10  }
0x28: {  	v0 =	vsel vm0, v1, v0;
	v11 =	vand.u32 $0xFF, v11;
	v1 =	vsel vm0, v3, v2  }
0x29: {  	v2 =	vimm.s32 $0xB6A59483;
	v3 =	vsel vm0, v13, v12;
	v12 =	vsel vm0, v15, v14  }
0x2a: {  	v13 =	vimm.s32 $0xFAE9D8C7;
	v14 =	vimm.s32 $0x3E2D1C0B;
	v15 =	vimm.s32 $0x7261504F  }
0x2b: {  	v2 =	vunpack.c.0.s8.s32 v2;
	v13 =	vunpack.c.0.s8.s32 v13;
	v14 =	vunpack.c.0.s8.s32 v14  }
0x2c: {  	v15 =	vunpack.c.0.s8.s32 v15;
	v17 =	vcombine.low v12, v3;
	v3 =	vimm.s32 $0x73625140  }
0x2d: {  	s0 =	rddreg [dreg:$0x0];
	v16 =	vcombine.low v1, v0;
	v12 =	vimm.s32 $0xB8A79685;
	v3 =	vunpack.c.0.s8.s32 v3  }
0x2e: {  	s1 =	rddreg [dreg:$0x1];
	v12 =	vunpack.c.0.s8.s32 v12;
	v0 =	vsel vm0, v13, v2;
	v1 =	vsel vm0, v15, v14  }
0x2f: {  	s9 =	rddreg [dreg:$0x2];
	v2 =	vimm.s32 $0xB7A69584;
	v13 =	vimm.s32 $0xFCEBDAC9;
	v15 =	vimm.s32 $0x302F1E0D  }
0x30: {  	s10 =	rddreg [dreg:$0x3];
	v14 =	vcombine.low v1, v0;
	v0 =	vunpack.c.0.s8.s32 v2;
	v1 =	vimm.s32 $0xFBEAD9C8  }
0x31: {  	s11 =	rddreg [dreg:$0x4];
	v2 =	vimm.s32 $0x3F2E1D0C;
	v13 =	vunpack.c.0.s8.s32 v13;
	v1 =	vunpack.c.0.s8.s32 v1  }
0x32: {  	s3 =	srdreg.scid;
	s4 =	stileid.u32;
	v15 =	vunpack.c.0.s8.s32 v15;
	v2 =	vunpack.c.0.s8.s32 v2;
	v14 =	vand.u32 $0xFF, v14  }
0x33: {  	s2 =	simm.s32 $0x0;
	s20 =	simm.s32 $0x1;
	s21 =	simm.s32 $0x10000;
	v0 =	vsel vm0, v1, v0;
	v1 =	vunpack.c.0.s8.s32 v19;
	v19 =	vunpack.c.0.s8.s32 v20  }
0x34: {  	s22 =	simm.s32 $0x13000;
	s23 =	simm.s32 $0x16000;
	s24 =	simm.s32 $0x11000;
	v2 =	vsel vm0, v3, v2;
	v3 =	vsel vm0, v13, v12;
	v12 =	vsel vm0, v18, v15  }
0x35: {  	s25 =	simm.s32 $0x14000;
	s28 =	simm.s32 $0x12000;
	s29 =	simm.s32 $0x15000;
	v15 =	vcombine.low v2, v0;
	v18 =	vcombine.low v12, v3;
	v0 =	vimm.s32 $0x31201F0E  }
0x36: {  	s30 =	simm.s32 $0x18000;
	s31 =	simm.s32 $0x19000;
	s3 =	sand.u32 $0x1, s3;
	v2 =	vimm.s32 $0xBAA99887;
	v12 =	vimm.s32 $0x3221100F;
	v13 =	vsel vm0, v19, v1  }
0x37: {  	s4 =	sshll.u32 s4, $0x1;
	[smem:$0x7FF] =	sst s2;
	s5 =	ssub.s32 $0x2, s3;
	v1 =	vimm.s32 $0x75645342;
	v3 =	vunpack.c.0.s8.s32 v0;
	v2 =	vunpack.c.0.s8.s32 v2  }
0x38: {  	s3 =	sor.u32 s3, s4;
	_ =	strace $0x80000047;
	s26 =	sshrl.u32 s5, $0x1;
	v0 =	vimm.s32 $0xFEEDDCCB;
	v19 =	vimm.s32 $0x76655443;
	v1 =	vunpack.c.0.s8.s32 v1  }
0x39: {  	s12 =	sshll.u32 s3, $0xA;
	s14 =	smul.u32 $0x120, s3;
	s13 =	ssub.s32 s5, s26;
	v12 =	vunpack.c.0.s8.s32 v12;
	v20 =	vunpack.c.0.s8.s32 v0;
	v19 =	vunpack.c.0.s8.s32 v19  }
0x3a: {  	s6 =	sor.u32 $0x8000, s12;
	s8 =	sor.u32 $0x10000, s12;
	s3 =	sadd.s32 s0, s12;
	v0 =	vimm.f32 $0.0e+00;
	v15 =	vand.u32 $0xFF, v15;
	v21 =	vsel vm0, v1, v3  }
0x3b: {  	s4 =	sadd.s32 s1, s12;
	s9 =	sadd.s32 s9, s12;
	s10 =	sadd.s32 s10, s12;
	v1 =	vimm.f32 $1.000000000e+00;
	v20 =	vsel vm0, v20, v2;
	v19 =	vsel vm0, v19, v12  }
0x3c: {  	s26 =	simm.s32 $0x17000;
	s5 =	sadd.s32 s0, s6;
	s6 =	sadd.s32 s1, s6;
	v2 =	vlaneseq.u32;
	v21 =	vcombine.low v21, v13;
	v19 =	vcombine.low v19, v20  }
0x3d: {  	s7 =	sadd.s32 s0, s8;
	s8 =	sadd.s32 s1, s8;
	s11 =	sadd.s32 s11, s14;
	v12 =	vand.u32 $0xFF, v16;
	v16 =	vand.u32 $0xFF, v18;
	v3 =	vmul.u32 $0x11, v2  }
0x3e: {  	s12 =	smax.u32 s13, $0x1;
	s0 =	simm.s32 $0x2;
	s1 =	simm.s32 $0x0;
	v13 =	vand.u32 $0xFF, v17;
	v17 =	vand.u32 $0xFF, v21;
	v18 =	vand.u32 $0xFF, v19  }
.LBB2_1:
0x3f: {  	[tilespmem:s2], [sflag:$0x1] =	stream.linear.gather [hbm4b:s3+s2], $0x2000, $0x38;
	[tilespmem:$0x19900] =	vst v63  }
0x40: {  	s13 =	simm.s32 $0x6000  }
0x41: {  	[tilespmem:s13], [sflag:$0x1] =	stream.linear.gather [hbm4b:s4+s2], $0x2000, $0x38;
	[tilespmem:$0x19900] =	vst v63  }
0x42: {  	s14 =	simm.s32 $0x2000  }
0x43: {  	[tilespmem:s14], [sflag:$0x1] =	stream.linear.gather [hbm4b:s5+s2], $0x2000, $0x38;
	[tilespmem:$0x19900] =	vst v63  }
0x44: {  	s15 =	simm.s32 $0x8000  }
0x45: {  	[tilespmem:s15], [sflag:$0x1] =	stream.linear.gather [hbm4b:s6+s2], $0x2000, $0x38;
	[tilespmem:$0x19900] =	vst v63  }
0x46: {  	s16 =	simm.s32 $0x4000  }
0x47: {  	[tilespmem:s16], [sflag:$0x1] =	stream.linear.gather [hbm4b:s7+s2], $0x2000, $0x38;
	[tilespmem:$0x19900] =	vst v63  }
0x48: {  	s17 =	simm.s32 $0xA000  }
0x49: {  	[tilespmem:s17], [sflag:$0x1] =	stream.linear.gather [hbm4b:s8+s2], $0x2000, $0x38;
	[tilespmem:$0x19900] =	vst v63  }
0x4a: {  	s18 =	simm.s32 $0xC000  }
0x4b: {  	[tilespmem:s18], [sflag:$0x1] =	stream.linear.gather [hbm4b:s9+s2], $0x2000, $0x38;
	[tilespmem:$0x19900] =	vst v63  }
0x4c: {  	s19 =	simm.s32 $0xE000;
	s13 =	simm.s32 $0x0;
	s14 =	simm.s32 $0x40  }
0x4d: {  	[tilespmem:s19], [sflag:$0x1] =	stream.linear.gather [hbm4b:s10+s2], $0x2000, $0x38;
	[tilespmem:$0x19900] =	vst v63  }
.LBB2_2:
0x4e: {  	p0 =	sne.s32 s14, $0x3FC0;
	[tilespmem:s13+$0x18000] =	vst v0  }
0x4f: {  	[tilespmem:s13+$0x10000] =	vst v0  }
0x50: {  	[tilespmem:s13+$0x11000] =	vst v0  }
0x51: {  	[tilespmem:s13+$0x12000] =	vst v0  }
.Ltmp0:
0x52: {  	[tilespmem:s13+$0x13000] =	vst v0;
	(pc) =	sbr.rel @p0 .LBB2_2-.Ltmp0, $4  }
0x53: {  	[tilespmem:s13+$0x14000] =	vst v0  }
0x54: {  	[tilespmem:s13+$0x15000] =	vst v0  }
0x55: {  	[tilespmem:s13+$0x16000] =	vst v0  }
0x56: {  	[tilespmem:s13+$0x17000] =	vst v0;
	s13 =	sshra.s32 s14, $0x2;
	s14 =	sadd.s32 $0x40, s14  }
0x57: {  	[tilespmem:s13+$0x18000] =	vst v0  }
0x58: {  	[tilespmem:s13+$0x10000] =	vst v0  }
0x59: {  	[tilespmem:s13+$0x11000] =	vst v0  }
0x5a: {  	[tilespmem:s13+$0x12000] =	vst v0  }
0x5b: {  	[tilespmem:s13+$0x13000] =	vst v0  }
0x5c: {  	[tilespmem:s13+$0x14000] =	vst v0  }
0x5d: {  	[tilespmem:s13+$0x15000] =	vst v0  }
0x5e: {  	[tilespmem:s13+$0x16000] =	vst v0  }
0x5f: {  	[tilespmem:s13+$0x17000] =	vst v0  }
0x60: {  	_ =	swait.ge [sflag:s20], $0x2000  }
0x61: {  	[sflag:s20] =	ssyncset.done $0x0  }
0x62: {  	[sflag:s20] =	ssyncadd.s32 $0xFFFFE000  }
0x63: {  	_ =	swait.ge [sflag:s20], $0x2000  }
0x64: {  	[sflag:s20] =	ssyncset.done $0x0  }
0x65: {  	[sflag:s20] =	ssyncadd.s32 $0xFFFFE000  }
0x66: {  	_ =	swait.ge [sflag:s20], $0x2000  }
0x67: {  	[sflag:s20] =	ssyncset.done $0x0  }
0x68: {  	[sflag:s20] =	ssyncadd.s32 $0xFFFFE000  }
0x69: {  	_ =	swait.ge [sflag:s20], $0x2000  }
0x6a: {  	[sflag:s20] =	ssyncset.done $0x0  }
0x6b: {  	[sflag:s20] =	ssyncadd.s32 $0xFFFFE000  }
0x6c: {  	_ =	swait.ge [sflag:s20], $0x2000  }
0x6d: {  	[sflag:s20] =	ssyncset.done $0x0  }
0x6e: {  	[sflag:s20] =	ssyncadd.s32 $0xFFFFE000  }
0x6f: {  	_ =	swait.ge [sflag:s20], $0x2000  }
0x70: {  	[sflag:s20] =	ssyncset.done $0x0  }
0x71: {  	[sflag:s20] =	ssyncadd.s32 $0xFFFFE000  }
0x72: {  	_ =	swait.ge [sflag:s20], $0x2000  }
0x73: {  	[sflag:s20] =	ssyncset.done $0x0  }
0x74: {  	[sflag:s20] =	ssyncadd.s32 $0xFFFFE000  }
0x75: {  	_ =	swait.ge [sflag:s20], $0x2000  }
0x76: {  	s13 =	simm.s32 $0x0;
	s14 =	simm.s32 $0x0;
	[sflag:s20] =	ssyncset.done $0x0  }
0x77: {  	s15 =	simm.s32 $0x0;
	s16 =	simm.s32 $0x0;
	[sflag:s20] =	ssyncadd.s32 $0xFFFFE000  }
.LBB2_4:
0x78: {  	s17 =	sshll.u32 s16, $0x6  }
0x79: {  	s18 =	sand.u32 $0xC00, s15;
	s19 =	sshll.u32 s16, $0x4;
	s17 =	sand.u32 $0x1000, s17  }
0x7a: {  	s17 =	sor.u32 s18, s17;
	s18 =	sand.u32 $0x380, s19  }
0x7b: {  	s19 =	sand.u32 $0x40, s14;
	s17 =	sor.u32 s18, s17  }
0x7c: {  	s17 =	sor.u32 s19, s17  }
0x7d: {  	v19 =	vld [tilespmem:s17+$0x0];
	_ =	sdelay $0x4  }
0x7e: {  	v19 =	vadd.f32 $1.000000000e+00, v19;
	_ =	sdelay $0x1  }
0x7f: {  	v19 =	vmul.f32 $1.275000000e+02, v19;
	_ =	sdelay $0x1  }
0x80: {  	v20 =	vld [tilespmem:s17+$0xC000];
	v19 =	vmax.f32 v19, $0.0e+00  }
0x81: {  	v19 =	vmin.f32 v19, $2.550000000e+02  }
0x82: {  	v21 =	vtrunc.f32 v19  }
0x83: {  	v21 =	vcvt.f32.s32 v21;
	_ =	sdelay $0x1  }
0x84: {  	vm0 =	vgt.f32 v20, $0.0e+00;
	v20 =	vshll.u32 v21, $0x4  }
0x85: {  	v20 =	vor.u32 v2, v20;
	_ =	sdelay $0x3  }
0x86: {  	v57 =	vld [tilespmem:s17+$0xE000]  }
0x87: {  	[tilespmem:v20+s21+$0x0] =	vst.idx.add.f32.msk vm0, v1  }
0x88: {  	[tilespmem:v20+s22+$0x0] =	vst.idx.add.f32.msk vm0, v19  }
0x89: {  	v19 =	vld [tilespmem:s17+$0x6000];
	_ =	sdelay $0x4  }
0x8a: {  	v19 =	vadd.f32 $1.000000000e+00, v19;
	_ =	sdelay $0x1  }
0x8b: {  	v19 =	vmul.f32 $1.275000000e+02, v19;
	_ =	sdelay $0x1  }
0x8c: {  	v19 =	vmax.f32 v19, $0.0e+00  }
0x8d: {  	v19 =	vmin.f32 v19, $2.550000000e+02  }
0x8e: {  	v19 =	vtrunc.f32 v19  }
0x8f: {  	v19 =	vcvt.f32.s32 v19;
	_ =	sdelay $0x1  }
0x90: {  	vm1 =	vgt.f32 v57, $0.0e+00;
	v19 =	vshll.u32 v19, $0x4  }
0x91: {  	v19 =	vor.u32 v2, v19;
	_ =	sdelay $0x4  }
0x92: {  	[tilespmem:v19+s23+$0x0] =	vst.idx.add.f32.msk vm1, v1  }
0x93: {  	v19 =	vld [tilespmem:s17+$0x2000];
	_ =	sdelay $0x4  }
0x94: {  	v19 =	vadd.f32 $1.000000000e+00, v19;
	_ =	sdelay $0x1  }
0x95: {  	v19 =	vmul.f32 $1.275000000e+02, v19;
	_ =	sdelay $0x1  }
0x96: {  	v19 =	vmax.f32 v19, $0.0e+00  }
0x97: {  	v19 =	vmin.f32 v19, $2.550000000e+02  }
0x98: {  	v20 =	vtrunc.f32 v19  }
0x99: {  	v20 =	vcvt.f32.s32 v20;
	_ =	sdelay $0x1  }
0x9a: {  	v20 =	vshll.u32 v20, $0x4  }
0x9b: {  	v20 =	vor.u32 v2, v20;
	_ =	sdelay $0x4  }
0x9c: {  	[tilespmem:v20+s24+$0x0] =	vst.idx.add.f32.msk vm0, v1  }
0x9d: {  	[tilespmem:v20+s25+$0x0] =	vst.idx.add.f32.msk vm0, v19  }
0x9e: {  	v19 =	vld [tilespmem:s17+$0x8000];
	_ =	sdelay $0x4  }
0x9f: {  	v19 =	vadd.f32 $1.000000000e+00, v19;
	_ =	sdelay $0x1  }
0xa0: {  	v19 =	vmul.f32 $1.275000000e+02, v19;
	_ =	sdelay $0x1  }
0xa1: {  	v19 =	vmax.f32 v19, $0.0e+00  }
0xa2: {  	v19 =	vmin.f32 v19, $2.550000000e+02  }
0xa3: {  	v19 =	vtrunc.f32 v19  }
0xa4: {  	v19 =	vcvt.f32.s32 v19;
	_ =	sdelay $0x1  }
0xa5: {  	v19 =	vshll.u32 v19, $0x4  }
0xa6: {  	v19 =	vor.u32 v2, v19;
	_ =	sdelay $0x4  }
0xa7: {  	[tilespmem:v19+s26+$0x0] =	vst.idx.add.f32.msk vm1, v1  }
0xa8: {  	v19 =	vld [tilespmem:s17+$0x4000];
	_ =	sdelay $0x4  }
0xa9: {  	v19 =	vadd.f32 $1.000000000e+00, v19;
	_ =	sdelay $0x1  }
0xaa: {  	v19 =	vmul.f32 $1.275000000e+02, v19;
	_ =	sdelay $0x1  }
0xab: {  	v19 =	vmax.f32 v19, $0.0e+00  }
0xac: {  	v19 =	vmin.f32 v19, $2.550000000e+02  }
0xad: {  	v20 =	vtrunc.f32 v19  }
0xae: {  	v20 =	vcvt.f32.s32 v20;
	_ =	sdelay $0x1  }
0xaf: {  	v20 =	vshll.u32 v20, $0x4  }
0xb0: {  	v20 =	vor.u32 v2, v20;
	_ =	sdelay $0x4  }
0xb1: {  	[tilespmem:v20+s28+$0x0] =	vst.idx.add.f32.msk vm0, v1  }
0xb2: {  	[tilespmem:v20+s29+$0x0] =	vst.idx.add.f32.msk vm0, v19  }
0xb3: {  	v19 =	vld [tilespmem:s17+$0xA000];
	_ =	sdelay $0x4  }
0xb4: {  	v19 =	vadd.f32 $1.000000000e+00, v19;
	_ =	sdelay $0x1  }
0xb5: {  	v19 =	vmul.f32 $1.275000000e+02, v19;
	_ =	sdelay $0x1  }
0xb6: {  	v19 =	vmax.f32 v19, $0.0e+00  }
0xb7: {  	v19 =	vmin.f32 v19, $2.550000000e+02  }
0xb8: {  	v19 =	vtrunc.f32 v19  }
0xb9: {  	v19 =	vcvt.f32.s32 v19;
	_ =	sdelay $0x1  }
0xba: {  	v19 =	vshll.u32 v19, $0x4  }
0xbb: {  	v19 =	vor.u32 v2, v19;
	_ =	sdelay $0x4  }
0xbc: {  	[tilespmem:v19+s30+$0x0] =	vst.idx.add.f32.msk vm1, v1  }
0xbd: {  	v19 =	vld [tilespmem:s17+$0x10];
	_ =	sdelay $0x4  }
0xbe: {  	v19 =	vadd.f32 $1.000000000e+00, v19;
	_ =	sdelay $0x1  }
0xbf: {  	v19 =	vmul.f32 $1.275000000e+02, v19;
	_ =	sdelay $0x1  }
0xc0: {  	v20 =	vld [tilespmem:s17+$0xC010];
	v19 =	vmax.f32 v19, $0.0e+00  }
0xc1: {  	v19 =	vmin.f32 v19, $2.550000000e+02  }
0xc2: {  	v58 =	vtrunc.f32 v19  }
0xc3: {  	v21 =	vcvt.f32.s32 v58;
	_ =	sdelay $0x1  }
0xc4: {  	vm10 =	vgt.f32 v20, $0.0e+00;
	v20 =	vshll.u32 v21, $0x4  }
0xc5: {  	v20 =	vor.u32 v2, v20;
	_ =	sdelay $0x3  }
0xc6: {  	v59 =	vld [tilespmem:s17+$0xE010]  }
0xc7: {  	[tilespmem:v20+s21+$0x0] =	vst.idx.add.f32.msk vm10, v1  }
0xc8: {  	[tilespmem:v20+s22+$0x0] =	vst.idx.add.f32.msk vm10, v19  }
0xc9: {  	v19 =	vld [tilespmem:s17+$0x6010];
	_ =	sdelay $0x4  }
0xca: {  	v19 =	vadd.f32 $1.000000000e+00, v19;
	_ =	sdelay $0x1  }
0xcb: {  	v19 =	vmul.f32 $1.275000000e+02, v19;
	_ =	sdelay $0x1  }
0xcc: {  	v19 =	vmax.f32 v19, $0.0e+00  }
0xcd: {  	v19 =	vmin.f32 v19, $2.550000000e+02  }
0xce: {  	v19 =	vtrunc.f32 v19  }
0xcf: {  	v19 =	vcvt.f32.s32 v19;
	_ =	sdelay $0x1  }
0xd0: {  	vm11 =	vgt.f32 v59, $0.0e+00;
	v19 =	vshll.u32 v19, $0x4  }
0xd1: {  	v19 =	vor.u32 v2, v19;
	_ =	sdelay $0x4  }
0xd2: {  	[tilespmem:v19+s23+$0x0] =	vst.idx.add.f32.msk vm11, v1  }
0xd3: {  	v19 =	vld [tilespmem:s17+$0x2010];
	_ =	sdelay $0x4  }
0xd4: {  	v19 =	vadd.f32 $1.000000000e+00, v19;
	_ =	sdelay $0x1  }
0xd5: {  	v19 =	vmul.f32 $1.275000000e+02, v19;
	_ =	sdelay $0x1  }
0xd6: {  	v19 =	vmax.f32 v19, $0.0e+00  }
0xd7: {  	v19 =	vmin.f32 v19, $2.550000000e+02  }
0xd8: {  	v20 =	vtrunc.f32 v19  }
0xd9: {  	v20 =	vcvt.f32.s32 v20;
	_ =	sdelay $0x1  }
0xda: {  	v20 =	vshll.u32 v20, $0x4  }
0xdb: {  	v20 =	vor.u32 v2, v20;
	_ =	sdelay $0x4  }
0xdc: {  	[tilespmem:v20+s24+$0x0] =	vst.idx.add.f32.msk vm10, v1  }
0xdd: {  	[tilespmem:v20+s25+$0x0] =	vst.idx.add.f32.msk vm10, v19  }
0xde: {  	v19 =	vld [tilespmem:s17+$0x8010];
	_ =	sdelay $0x4  }
0xdf: {  	v19 =	vadd.f32 $1.000000000e+00, v19;
	_ =	sdelay $0x1  }
0xe0: {  	v19 =	vmul.f32 $1.275000000e+02, v19;
	_ =	sdelay $0x1  }
0xe1: {  	v19 =	vmax.f32 v19, $0.0e+00  }
0xe2: {  	v19 =	vmin.f32 v19, $2.550000000e+02  }
0xe3: {  	v19 =	vtrunc.f32 v19  }
0xe4: {  	v19 =	vcvt.f32.s32 v19;
	_ =	sdelay $0x1  }
0xe5: {  	v19 =	vshll.u32 v19, $0x4  }
0xe6: {  	v19 =	vor.u32 v2, v19;
	_ =	sdelay $0x4  }
0xe7: {  	[tilespmem:v19+s26+$0x0] =	vst.idx.add.f32.msk vm11, v1  }
0xe8: {  	v19 =	vld [tilespmem:s17+$0x4010];
	_ =	sdelay $0x4  }
0xe9: {  	v19 =	vadd.f32 $1.000000000e+00, v19;
	_ =	sdelay $0x1  }
0xea: {  	v19 =	vmul.f32 $1.275000000e+02, v19;
	_ =	sdelay $0x1  }
0xeb: {  	v19 =	vmax.f32 v19, $0.0e+00  }
0xec: {  	v19 =	vmin.f32 v19, $2.550000000e+02  }
0xed: {  	v20 =	vtrunc.f32 v19  }
0xee: {  	v20 =	vcvt.f32.s32 v20;
	_ =	sdelay $0x1  }
0xef: {  	v20 =	vshll.u32 v20, $0x4  }
0xf0: {  	v20 =	vor.u32 v2, v20;
	_ =	sdelay $0x4  }
0xf1: {  	[tilespmem:v20+s28+$0x0] =	vst.idx.add.f32.msk vm10, v1  }
0xf2: {  	[tilespmem:v20+s29+$0x0] =	vst.idx.add.f32.msk vm10, v19  }
0xf3: {  	v19 =	vld [tilespmem:s17+$0xA010];
	_ =	sdelay $0x4  }
0xf4: {  	v19 =	vadd.f32 $1.000000000e+00, v19;
	_ =	sdelay $0x1  }
0xf5: {  	v19 =	vmul.f32 $1.275000000e+02, v19;
	_ =	sdelay $0x1  }
0xf6: {  	v19 =	vmax.f32 v19, $0.0e+00  }
0xf7: {  	v19 =	vmin.f32 v19, $2.550000000e+02  }
0xf8: {  	v19 =	vtrunc.f32 v19  }
0xf9: {  	v19 =	vcvt.f32.s32 v19;
	_ =	sdelay $0x1  }
0xfa: {  	v19 =	vshll.u32 v19, $0x4  }
0xfb: {  	v19 =	vor.u32 v2, v19;
	_ =	sdelay $0x4  }
0xfc: {  	[tilespmem:v19+s30+$0x0] =	vst.idx.add.f32.msk vm11, v1  }
0xfd: {  	v19 =	vld [tilespmem:s17+$0x20];
	_ =	sdelay $0x4  }
0xfe: {  	v19 =	vadd.f32 $1.000000000e+00, v19;
	_ =	sdelay $0x1  }
0xff: {  	v19 =	vmul.f32 $1.275000000e+02, v19;
	_ =	sdelay $0x1  }
0x100: {  	v20 =	vld [tilespmem:s17+$0xC020];
	v19 =	vmax.f32 v19, $0.0e+00  }
0x101: {  	v19 =	vmin.f32 v19, $2.550000000e+02  }
0x102: {  	v60 =	vtrunc.f32 v19  }
0x103: {  	v21 =	vcvt.f32.s32 v60;
	_ =	sdelay $0x1  }
0x104: {  	vm12 =	vgt.f32 v20, $0.0e+00;
	v20 =	vshll.u32 v21, $0x4  }
0x105: {  	v20 =	vor.u32 v2, v20;
	_ =	sdelay $0x3  }
0x106: {  	v61 =	vld [tilespmem:s17+$0xE020]  }
0x107: {  	[tilespmem:v20+s21+$0x0] =	vst.idx.add.f32.msk vm12, v1  }
0x108: {  	[tilespmem:v20+s22+$0x0] =	vst.idx.add.f32.msk vm12, v19  }
0x109: {  	v19 =	vld [tilespmem:s17+$0x6020];
	_ =	sdelay $0x4  }
0x10a: {  	v19 =	vadd.f32 $1.000000000e+00, v19;
	_ =	sdelay $0x1  }
0x10b: {  	v19 =	vmul.f32 $1.275000000e+02, v19;
	_ =	sdelay $0x1  }
0x10c: {  	v19 =	vmax.f32 v19, $0.0e+00  }
0x10d: {  	v19 =	vmin.f32 v19, $2.550000000e+02  }
0x10e: {  	v19 =	vtrunc.f32 v19  }
0x10f: {  	v19 =	vcvt.f32.s32 v19;
	_ =	sdelay $0x1  }
0x110: {  	vm13 =	vgt.f32 v61, $0.0e+00;
	v19 =	vshll.u32 v19, $0x4  }
0x111: {  	v19 =	vor.u32 v2, v19;
	_ =	sdelay $0x4  }
0x112: {  	[tilespmem:v19+s23+$0x0] =	vst.idx.add.f32.msk vm13, v1  }
0x113: {  	v19 =	vld [tilespmem:s17+$0x2020];
	_ =	sdelay $0x4  }
0x114: {  	v19 =	vadd.f32 $1.000000000e+00, v19;
	_ =	sdelay $0x1  }
0x115: {  	v19 =	vmul.f32 $1.275000000e+02, v19;
	_ =	sdelay $0x1  }
0x116: {  	v19 =	vmax.f32 v19, $0.0e+00  }
0x117: {  	v19 =	vmin.f32 v19, $2.550000000e+02  }
0x118: {  	v20 =	vtrunc.f32 v19  }
0x119: {  	v20 =	vcvt.f32.s32 v20;
	_ =	sdelay $0x1  }
0x11a: {  	v20 =	vshll.u32 v20, $0x4  }
0x11b: {  	v20 =	vor.u32 v2, v20;
	_ =	sdelay $0x4  }
0x11c: {  	[tilespmem:v20+s24+$0x0] =	vst.idx.add.f32.msk vm12, v1  }
0x11d: {  	[tilespmem:v20+s25+$0x0] =	vst.idx.add.f32.msk vm12, v19  }
0x11e: {  	v19 =	vld [tilespmem:s17+$0x8020];
	_ =	sdelay $0x4  }
0x11f: {  	v19 =	vadd.f32 $1.000000000e+00, v19;
	_ =	sdelay $0x1  }
0x120: {  	v19 =	vmul.f32 $1.275000000e+02, v19;
	_ =	sdelay $0x1  }
0x121: {  	v19 =	vmax.f32 v19, $0.0e+00  }
0x122: {  	v19 =	vmin.f32 v19, $2.550000000e+02  }
0x123: {  	v19 =	vtrunc.f32 v19  }
0x124: {  	v19 =	vcvt.f32.s32 v19;
	_ =	sdelay $0x1  }
0x125: {  	v19 =	vshll.u32 v19, $0x4  }
0x126: {  	v19 =	vor.u32 v2, v19;
	_ =	sdelay $0x4  }
0x127: {  	[tilespmem:v19+s26+$0x0] =	vst.idx.add.f32.msk vm13, v1  }
0x128: {  	v19 =	vld [tilespmem:s17+$0x4020];
	_ =	sdelay $0x4  }
0x129: {  	v19 =	vadd.f32 $1.000000000e+00, v19;
	_ =	sdelay $0x1  }
0x12a: {  	v19 =	vmul.f32 $1.275000000e+02, v19;
	_ =	sdelay $0x1  }
0x12b: {  	v19 =	vmax.f32 v19, $0.0e+00  }
0x12c: {  	v19 =	vmin.f32 v19, $2.550000000e+02  }
0x12d: {  	v20 =	vtrunc.f32 v19  }
0x12e: {  	v20 =	vcvt.f32.s32 v20;
	_ =	sdelay $0x1  }
0x12f: {  	v20 =	vshll.u32 v20, $0x4  }
0x130: {  	v20 =	vor.u32 v2, v20;
	_ =	sdelay $0x4  }
0x131: {  	[tilespmem:v20+s28+$0x0] =	vst.idx.add.f32.msk vm12, v1  }
0x132: {  	[tilespmem:v20+s29+$0x0] =	vst.idx.add.f32.msk vm12, v19  }
0x133: {  	v19 =	vld [tilespmem:s17+$0xA020];
	_ =	sdelay $0x4  }
0x134: {  	v19 =	vadd.f32 $1.000000000e+00, v19;
	_ =	sdelay $0x1  }
0x135: {  	v19 =	vmul.f32 $1.275000000e+02, v19;
	_ =	sdelay $0x1  }
0x136: {  	v19 =	vmax.f32 v19, $0.0e+00  }
0x137: {  	v19 =	vmin.f32 v19, $2.550000000e+02  }
0x138: {  	v19 =	vtrunc.f32 v19  }
0x139: {  	v19 =	vcvt.f32.s32 v19;
	_ =	sdelay $0x1  }
0x13a: {  	v19 =	vshll.u32 v19, $0x4  }
0x13b: {  	v19 =	vor.u32 v2, v19;
	_ =	sdelay $0x4  }
0x13c: {  	[tilespmem:v19+s30+$0x0] =	vst.idx.add.f32.msk vm13, v1  }
0x13d: {  	v19 =	vld [tilespmem:s17+$0x30];
	_ =	sdelay $0x4  }
0x13e: {  	v19 =	vadd.f32 $1.000000000e+00, v19;
	_ =	sdelay $0x1  }
0x13f: {  	v19 =	vmul.f32 $1.275000000e+02, v19;
	_ =	sdelay $0x1  }
0x140: {  	v20 =	vld [tilespmem:s17+$0xC030];
	v19 =	vmax.f32 v19, $0.0e+00  }
0x141: {  	v19 =	vmin.f32 v19, $2.550000000e+02  }
0x142: {  	v62 =	vtrunc.f32 v19  }
0x143: {  	v21 =	vcvt.f32.s32 v62;
	_ =	sdelay $0x1  }
0x144: {  	vm14 =	vgt.f32 v20, $0.0e+00;
	v20 =	vshll.u32 v21, $0x4  }
0x145: {  	v20 =	vor.u32 v2, v20;
	_ =	sdelay $0x3  }
0x146: {  	v63 =	vld [tilespmem:s17+$0xE030]  }
0x147: {  	[tilespmem:v20+s21+$0x0] =	vst.idx.add.f32.msk vm14, v1  }
0x148: {  	[tilespmem:v20+s22+$0x0] =	vst.idx.add.f32.msk vm14, v19  }
0x149: {  	v19 =	vld [tilespmem:s17+$0x6030];
	_ =	sdelay $0x4  }
0x14a: {  	v19 =	vadd.f32 $1.000000000e+00, v19;
	_ =	sdelay $0x1  }
0x14b: {  	v19 =	vmul.f32 $1.275000000e+02, v19;
	_ =	sdelay $0x1  }
0x14c: {  	v19 =	vmax.f32 v19, $0.0e+00  }
0x14d: {  	v19 =	vmin.f32 v19, $2.550000000e+02  }
0x14e: {  	v19 =	vtrunc.f32 v19  }
0x14f: {  	v19 =	vcvt.f32.s32 v19;
	_ =	sdelay $0x1  }
0x150: {  	vm15 =	vgt.f32 v63, $0.0e+00;
	v19 =	vshll.u32 v19, $0x4  }
0x151: {  	v19 =	vor.u32 v2, v19;
	_ =	sdelay $0x4  }
0x152: {  	[tilespmem:v19+s23+$0x0] =	vst.idx.add.f32.msk vm15, v1  }
0x153: {  	v19 =	vld [tilespmem:s17+$0x2030];
	_ =	sdelay $0x4  }
0x154: {  	v19 =	vadd.f32 $1.000000000e+00, v19;
	_ =	sdelay $0x1  }
0x155: {  	v19 =	vmul.f32 $1.275000000e+02, v19;
	_ =	sdelay $0x1  }
0x156: {  	v19 =	vmax.f32 v19, $0.0e+00  }
0x157: {  	v19 =	vmin.f32 v19, $2.550000000e+02  }
0x158: {  	v20 =	vtrunc.f32 v19  }
0x159: {  	v20 =	vcvt.f32.s32 v20;
	_ =	sdelay $0x1  }
0x15a: {  	v20 =	vshll.u32 v20, $0x4  }
0x15b: {  	v20 =	vor.u32 v2, v20;
	_ =	sdelay $0x4  }
0x15c: {  	[tilespmem:v20+s24+$0x0] =	vst.idx.add.f32.msk vm14, v1  }
0x15d: {  	[tilespmem:v20+s25+$0x0] =	vst.idx.add.f32.msk vm14, v19  }
0x15e: {  	v19 =	vld [tilespmem:s17+$0x8030];
	_ =	sdelay $0x4  }
0x15f: {  	v19 =	vadd.f32 $1.000000000e+00, v19;
	_ =	sdelay $0x1  }
0x160: {  	v19 =	vmul.f32 $1.275000000e+02, v19;
	_ =	sdelay $0x1  }
0x161: {  	v19 =	vmax.f32 v19, $0.0e+00  }
0x162: {  	v19 =	vmin.f32 v19, $2.550000000e+02  }
0x163: {  	v19 =	vtrunc.f32 v19  }
0x164: {  	v19 =	vcvt.f32.s32 v19;
	_ =	sdelay $0x1  }
0x165: {  	v19 =	vshll.u32 v19, $0x4  }
0x166: {  	v19 =	vor.u32 v2, v19;
	_ =	sdelay $0x4  }
0x167: {  	[tilespmem:v19+s26+$0x0] =	vst.idx.add.f32.msk vm15, v1  }
0x168: {  	v19 =	vld [tilespmem:s17+$0x4030];
	_ =	sdelay $0x4  }
0x169: {  	v19 =	vadd.f32 $1.000000000e+00, v19;
	_ =	sdelay $0x1  }
0x16a: {  	v19 =	vmul.f32 $1.275000000e+02, v19;
	_ =	sdelay $0x1  }
0x16b: {  	v19 =	vmax.f32 v19, $0.0e+00  }
0x16c: {  	v19 =	vmin.f32 v19, $2.550000000e+02  }
0x16d: {  	v20 =	vtrunc.f32 v19  }
0x16e: {  	v20 =	vcvt.f32.s32 v20;
	_ =	sdelay $0x1  }
0x16f: {  	v20 =	vshll.u32 v20, $0x4  }
0x170: {  	v20 =	vor.u32 v2, v20;
	_ =	sdelay $0x4  }
0x171: {  	[tilespmem:v20+s28+$0x0] =	vst.idx.add.f32.msk vm14, v1  }
0x172: {  	[tilespmem:v20+s29+$0x0] =	vst.idx.add.f32.msk vm14, v19  }
0x173: {  	v19 =	vld [tilespmem:s17+$0xA030];
	_ =	sdelay $0x4  }
0x174: {  	v19 =	vadd.f32 $1.000000000e+00, v19;
	_ =	sdelay $0x1  }
0x175: {  	v19 =	vmul.f32 $1.275000000e+02, v19;
	_ =	sdelay $0x1  }
0x176: {  	v19 =	vmax.f32 v19, $0.0e+00  }
0x177: {  	v19 =	vmin.f32 v19, $2.550000000e+02  }
0x178: {  	v19 =	vtrunc.f32 v19  }
0x179: {  	v19 =	vcvt.f32.s32 v19;
	_ =	sdelay $0x1  }
0x17a: {  	v19 =	vshll.u32 v19, $0x4  }
0x17b: {  	p0 =	sne.s32 s16, $0x7F;
	v19 =	vor.u32 v2, v19  }
.Ltmp1:
0x17c: {  	_ = 	snop;
	(pc) =	sbr.rel @p0 .LBB2_4-.Ltmp1, $2  }
0x17d: {  	_ =	sdelay $0x2  }
0x17e: {  	s15 =	sadd.s32 $0x200, s15;
	s16 =	sadd.s32 $0x1, s16;
	s14 =	sadd.s32 $0x40, s14;
	[tilespmem:v19+s30+$0x0] =	vst.idx.add.f32.msk vm15, v1  }
0x17f: {  	v19 =	vor.u32 s13, v3  }
0x180: {  	v20 =	vor.u32 s13, v4;
	_ =	sdelay $0x1  }
0x181: {  	v21 =	vor.u32 s13, v5;
	_ =	sdelay $0x1  }
0x182: {  	v22 =	vor.u32 s13, v6;
	v26 =	vld.idx.msk [tilespmem:v19+s21+$0x0], $0xffff  }
0x183: {  	v27 =	vld.idx.msk [tilespmem:v20+s21+$0x0], $0xffff  }
0x184: {  	v23 =	vor.u32 s13, v7  }
0x185: {  	v28 =	vld.idx.msk [tilespmem:v21+s21+$0x0], $0xffff  }
0x186: {  	v24 =	vor.u32 s13, v8  }
0x187: {  	v29 =	vld.idx.msk [tilespmem:v22+s21+$0x0], $0xffff  }
0x188: {  	v25 =	vor.u32 s13, v9;
	v27 =	vadd.f32 v27, v26  }
0x189: {  	v30 =	vld.idx.msk [tilespmem:v23+s21+$0x0], $0xffff  }
0x18a: {  	v26 =	vor.u32 s13, v10;
	v28 =	vadd.f32 v28, v27  }
0x18b: {  	v31 =	vld.idx.msk [tilespmem:v24+s21+$0x0], $0xffff  }
0x18c: {  	v27 =	vor.u32 s13, v11;
	v29 =	vadd.f32 v29, v28  }
0x18d: {  	v32 =	vld.idx.msk [tilespmem:v25+s21+$0x0], $0xffff  }
0x18e: {  	v28 =	vor.u32 s13, v12;
	v30 =	vadd.f32 v30, v29  }
0x18f: {  	v33 =	vld.idx.msk [tilespmem:v26+s21+$0x0], $0xffff  }
0x190: {  	v29 =	vor.u32 s13, v13;
	v31 =	vadd.f32 v31, v30  }
0x191: {  	v34 =	vld.idx.msk [tilespmem:v27+s21+$0x0], $0xffff  }
0x192: {  	v30 =	vor.u32 s13, v14;
	v32 =	vadd.f32 v32, v31  }
0x193: {  	v35 =	vld.idx.msk [tilespmem:v28+s21+$0x0], $0xffff  }
0x194: {  	v31 =	vor.u32 s13, v15;
	v33 =	vadd.f32 v33, v32  }
0x195: {  	v36 =	vld.idx.msk [tilespmem:v29+s21+$0x0], $0xffff  }
0x196: {  	v32 =	vor.u32 s13, v16;
	v34 =	vadd.f32 v34, v33  }
0x197: {  	v37 =	vld.idx.msk [tilespmem:v30+s21+$0x0], $0xffff  }
0x198: {  	v33 =	vor.u32 s13, v17;
	v35 =	vadd.f32 v35, v34  }
0x199: {  	v38 =	vld.idx.msk [tilespmem:v31+s21+$0x0], $0xffff  }
0x19a: {  	v34 =	vor.u32 s13, v18;
	v35 =	vadd.f32 v36, v35  }
0x19b: {  	v52 =	vld.idx.msk [tilespmem:v32+s21+$0x0], $0xffff  }
0x19c: {  	v35 =	vadd.f32 v37, v35  }
0x19d: {  	v53 =	vld.idx.msk [tilespmem:v33+s21+$0x0], $0xffff  }
0x19e: {  	v35 =	vadd.f32 v38, v35  }
0x19f: {  	v54 =	vld.idx.msk [tilespmem:v34+s21+$0x0], $0xffff  }
0x1a0: {  	v35 =	vadd.f32 v52, v35;
	_ =	sdelay $0x1  }
0x1a1: {  	v35 =	vadd.f32 v53, v35;
	_ =	sdelay $0x1  }
0x1a2: {  	v35 =	vadd.f32 v54, v35  }
0x1a3: {  	s14 =	simm.s32 $0x19000  }
0x1a4: {  	[tilespmem:s14+$0x0] =	vst v35  }
0x1a5: {  	v35 =	vld.idx.msk [tilespmem:v19+s24+$0x0], $0xffff  }
0x1a6: {  	v55 =	vld.idx.msk [tilespmem:v20+s24+$0x0], $0xffff;
	_ =	sdelay $0x1  }
0x1a7: {  	v56 =	vld.idx.msk [tilespmem:v21+s24+$0x0], $0xffff;
	_ =	sdelay $0x1  }
0x1a8: {  	v57 =	vld.idx.msk [tilespmem:v22+s24+$0x0], $0xffff  }
0x1a9: {  	v35 =	vadd.f32 v55, v35  }
0x1aa: {  	v58 =	vld.idx.msk [tilespmem:v23+s24+$0x0], $0xffff  }
0x1ab: {  	v35 =	vadd.f32 v56, v35  }
0x1ac: {  	v59 =	vld.idx.msk [tilespmem:v24+s24+$0x0], $0xffff  }
0x1ad: {  	v35 =	vadd.f32 v57, v35  }
0x1ae: {  	v60 =	vld.idx.msk [tilespmem:v25+s24+$0x0], $0xffff  }
0x1af: {  	v35 =	vadd.f32 v58, v35  }
0x1b0: {  	v61 =	vld.idx.msk [tilespmem:v26+s24+$0x0], $0xffff  }
0x1b1: {  	v35 =	vadd.f32 v59, v35  }
0x1b2: {  	v62 =	vld.idx.msk [tilespmem:v27+s24+$0x0], $0xffff  }
0x1b3: {  	v35 =	vadd.f32 v60, v35  }
0x1b4: {  	v63 =	vld.idx.msk [tilespmem:v28+s24+$0x0], $0xffff  }
0x1b5: {  	v35 =	vadd.f32 v61, v35  }
0x1b6: {  	v40 =	vld.idx.msk [tilespmem:v29+s24+$0x0], $0xffff  }
0x1b7: {  	v35 =	vadd.f32 v62, v35  }
0x1b8: {  	v41 =	vld.idx.msk [tilespmem:v30+s24+$0x0], $0xffff  }
0x1b9: {  	v35 =	vadd.f32 v63, v35  }
0x1ba: {  	v42 =	vld.idx.msk [tilespmem:v31+s24+$0x0], $0xffff  }
0x1bb: {  	v35 =	vadd.f32 v40, v35  }
0x1bc: {  	v43 =	vld.idx.msk [tilespmem:v32+s24+$0x0], $0xffff  }
0x1bd: {  	v35 =	vadd.f32 v41, v35  }
0x1be: {  	v44 =	vld.idx.msk [tilespmem:v33+s24+$0x0], $0xffff  }
0x1bf: {  	v35 =	vadd.f32 v42, v35  }
0x1c0: {  	v45 =	vld.idx.msk [tilespmem:v34+s24+$0x0], $0xffff  }
0x1c1: {  	v35 =	vadd.f32 v43, v35;
	_ =	sdelay $0x1  }
0x1c2: {  	v35 =	vadd.f32 v44, v35;
	_ =	sdelay $0x1  }
0x1c3: {  	v35 =	vadd.f32 v45, v35  }
0x1c4: {  	s15 =	sand.u32 $0xF0, s13  }
0x1c5: {  	[tilespmem:s15+$0x19100] =	vst v35  }
0x1c6: {  	v35 =	vld.idx.msk [tilespmem:v19+s28+$0x0], $0xffff  }
0x1c7: {  	v46 =	vld.idx.msk [tilespmem:v20+s28+$0x0], $0xffff;
	_ =	sdelay $0x1  }
0x1c8: {  	v47 =	vld.idx.msk [tilespmem:v21+s28+$0x0], $0xffff;
	_ =	sdelay $0x1  }
0x1c9: {  	v48 =	vld.idx.msk [tilespmem:v22+s28+$0x0], $0xffff  }
0x1ca: {  	v35 =	vadd.f32 v46, v35  }
0x1cb: {  	v49 =	vld.idx.msk [tilespmem:v23+s28+$0x0], $0xffff  }
0x1cc: {  	v35 =	vadd.f32 v47, v35  }
0x1cd: {  	v50 =	vld.idx.msk [tilespmem:v24+s28+$0x0], $0xffff  }
0x1ce: {  	v35 =	vadd.f32 v48, v35  }
0x1cf: {  	v51 =	vld.idx.msk [tilespmem:v25+s28+$0x0], $0xffff  }
0x1d0: {  	v35 =	vadd.f32 v49, v35  }
0x1d1: {  	v52 =	vld.idx.msk [tilespmem:v26+s28+$0x0], $0xffff  }
0x1d2: {  	v35 =	vadd.f32 v50, v35  }
0x1d3: {  	v53 =	vld.idx.msk [tilespmem:v27+s28+$0x0], $0xffff  }
0x1d4: {  	v35 =	vadd.f32 v51, v35  }
0x1d5: {  	v54 =	vld.idx.msk [tilespmem:v28+s28+$0x0], $0xffff  }
0x1d6: {  	v35 =	vadd.f32 v52, v35  }
0x1d7: {  	v55 =	vld.idx.msk [tilespmem:v29+s28+$0x0], $0xffff  }
0x1d8: {  	v35 =	vadd.f32 v53, v35  }
0x1d9: {  	v56 =	vld.idx.msk [tilespmem:v30+s28+$0x0], $0xffff  }
0x1da: {  	v35 =	vadd.f32 v54, v35  }
0x1db: {  	v57 =	vld.idx.msk [tilespmem:v31+s28+$0x0], $0xffff  }
0x1dc: {  	v35 =	vadd.f32 v55, v35  }
0x1dd: {  	v58 =	vld.idx.msk [tilespmem:v32+s28+$0x0], $0xffff  }
0x1de: {  	v35 =	vadd.f32 v56, v35  }
0x1df: {  	v59 =	vld.idx.msk [tilespmem:v33+s28+$0x0], $0xffff  }
0x1e0: {  	v35 =	vadd.f32 v57, v35  }
0x1e1: {  	v60 =	vld.idx.msk [tilespmem:v34+s28+$0x0], $0xffff  }
0x1e2: {  	v35 =	vadd.f32 v58, v35;
	_ =	sdelay $0x1  }
0x1e3: {  	v35 =	vadd.f32 v59, v35;
	_ =	sdelay $0x1  }
0x1e4: {  	v35 =	vadd.f32 v60, v35;
	_ =	sdelay $0x1  }
0x1e5: {  	[tilespmem:s15+$0x19200] =	vst v35  }
0x1e6: {  	v35 =	vld.idx.msk [tilespmem:v19+s22+$0x0], $0xffff  }
0x1e7: {  	v61 =	vld.idx.msk [tilespmem:v20+s22+$0x0], $0xffff;
	_ =	sdelay $0x1  }
0x1e8: {  	v62 =	vld.idx.msk [tilespmem:v21+s22+$0x0], $0xffff;
	_ =	sdelay $0x1  }
0x1e9: {  	v63 =	vld.idx.msk [tilespmem:v22+s22+$0x0], $0xffff  }
0x1ea: {  	v35 =	vadd.f32 v61, v35  }
0x1eb: {  	v40 =	vld.idx.msk [tilespmem:v23+s22+$0x0], $0xffff  }
0x1ec: {  	v35 =	vadd.f32 v62, v35  }
0x1ed: {  	v41 =	vld.idx.msk [tilespmem:v24+s22+$0x0], $0xffff  }
0x1ee: {  	v35 =	vadd.f32 v63, v35  }
0x1ef: {  	v42 =	vld.idx.msk [tilespmem:v25+s22+$0x0], $0xffff  }
0x1f0: {  	v35 =	vadd.f32 v40, v35  }
0x1f1: {  	v43 =	vld.idx.msk [tilespmem:v26+s22+$0x0], $0xffff  }
0x1f2: {  	v35 =	vadd.f32 v41, v35  }
0x1f3: {  	v44 =	vld.idx.msk [tilespmem:v27+s22+$0x0], $0xffff  }
0x1f4: {  	v35 =	vadd.f32 v42, v35  }
0x1f5: {  	v45 =	vld.idx.msk [tilespmem:v28+s22+$0x0], $0xffff  }
0x1f6: {  	v35 =	vadd.f32 v43, v35  }
0x1f7: {  	v46 =	vld.idx.msk [tilespmem:v29+s22+$0x0], $0xffff  }
0x1f8: {  	v35 =	vadd.f32 v44, v35  }
0x1f9: {  	v47 =	vld.idx.msk [tilespmem:v30+s22+$0x0], $0xffff  }
0x1fa: {  	v35 =	vadd.f32 v45, v35  }
0x1fb: {  	v48 =	vld.idx.msk [tilespmem:v31+s22+$0x0], $0xffff  }
0x1fc: {  	v35 =	vadd.f32 v46, v35  }
0x1fd: {  	v49 =	vld.idx.msk [tilespmem:v32+s22+$0x0], $0xffff  }
0x1fe: {  	v35 =	vadd.f32 v47, v35  }
0x1ff: {  	v50 =	vld.idx.msk [tilespmem:v33+s22+$0x0], $0xffff  }
0x200: {  	v35 =	vadd.f32 v48, v35  }
0x201: {  	v51 =	vld.idx.msk [tilespmem:v34+s22+$0x0], $0xffff  }
0x202: {  	v35 =	vadd.f32 v49, v35;
	_ =	sdelay $0x1  }
0x203: {  	v35 =	vadd.f32 v50, v35;
	_ =	sdelay $0x1  }
0x204: {  	v35 =	vadd.f32 v51, v35;
	_ =	sdelay $0x1  }
0x205: {  	[tilespmem:s15+$0x19300] =	vst v35  }
0x206: {  	v35 =	vld.idx.msk [tilespmem:v19+s25+$0x0], $0xffff  }
0x207: {  	v52 =	vld.idx.msk [tilespmem:v20+s25+$0x0], $0xffff;
	_ =	sdelay $0x1  }
0x208: {  	v53 =	vld.idx.msk [tilespmem:v21+s25+$0x0], $0xffff;
	_ =	sdelay $0x1  }
0x209: {  	v54 =	vld.idx.msk [tilespmem:v22+s25+$0x0], $0xffff  }
0x20a: {  	v35 =	vadd.f32 v52, v35  }
0x20b: {  	v55 =	vld.idx.msk [tilespmem:v23+s25+$0x0], $0xffff  }
0x20c: {  	v35 =	vadd.f32 v53, v35  }
0x20d: {  	v56 =	vld.idx.msk [tilespmem:v24+s25+$0x0], $0xffff  }
0x20e: {  	v35 =	vadd.f32 v54, v35  }
0x20f: {  	v57 =	vld.idx.msk [tilespmem:v25+s25+$0x0], $0xffff  }
0x210: {  	v35 =	vadd.f32 v55, v35  }
0x211: {  	v58 =	vld.idx.msk [tilespmem:v26+s25+$0x0], $0xffff  }
0x212: {  	v35 =	vadd.f32 v56, v35  }
0x213: {  	v59 =	vld.idx.msk [tilespmem:v27+s25+$0x0], $0xffff  }
0x214: {  	v35 =	vadd.f32 v57, v35  }
0x215: {  	v60 =	vld.idx.msk [tilespmem:v28+s25+$0x0], $0xffff  }
0x216: {  	v35 =	vadd.f32 v58, v35  }
0x217: {  	v61 =	vld.idx.msk [tilespmem:v29+s25+$0x0], $0xffff  }
0x218: {  	v35 =	vadd.f32 v59, v35  }
0x219: {  	v62 =	vld.idx.msk [tilespmem:v30+s25+$0x0], $0xffff  }
0x21a: {  	v35 =	vadd.f32 v60, v35  }
0x21b: {  	v63 =	vld.idx.msk [tilespmem:v31+s25+$0x0], $0xffff  }
0x21c: {  	v35 =	vadd.f32 v61, v35  }
0x21d: {  	v40 =	vld.idx.msk [tilespmem:v32+s25+$0x0], $0xffff  }
0x21e: {  	v35 =	vadd.f32 v62, v35  }
0x21f: {  	v41 =	vld.idx.msk [tilespmem:v33+s25+$0x0], $0xffff  }
0x220: {  	v35 =	vadd.f32 v63, v35  }
0x221: {  	v42 =	vld.idx.msk [tilespmem:v34+s25+$0x0], $0xffff  }
0x222: {  	v35 =	vadd.f32 v40, v35;
	_ =	sdelay $0x1  }
0x223: {  	v35 =	vadd.f32 v41, v35;
	_ =	sdelay $0x1  }
0x224: {  	v35 =	vadd.f32 v42, v35;
	_ =	sdelay $0x1  }
0x225: {  	[tilespmem:s15+$0x19400] =	vst v35  }
0x226: {  	v35 =	vld.idx.msk [tilespmem:v19+s29+$0x0], $0xffff  }
0x227: {  	v43 =	vld.idx.msk [tilespmem:v20+s29+$0x0], $0xffff;
	_ =	sdelay $0x1  }
0x228: {  	v44 =	vld.idx.msk [tilespmem:v21+s29+$0x0], $0xffff;
	_ =	sdelay $0x1  }
0x229: {  	v45 =	vld.idx.msk [tilespmem:v22+s29+$0x0], $0xffff  }
0x22a: {  	v35 =	vadd.f32 v43, v35  }
0x22b: {  	v46 =	vld.idx.msk [tilespmem:v23+s29+$0x0], $0xffff  }
0x22c: {  	v35 =	vadd.f32 v44, v35  }
0x22d: {  	v47 =	vld.idx.msk [tilespmem:v24+s29+$0x0], $0xffff  }
0x22e: {  	v35 =	vadd.f32 v45, v35  }
0x22f: {  	v48 =	vld.idx.msk [tilespmem:v25+s29+$0x0], $0xffff  }
0x230: {  	v35 =	vadd.f32 v46, v35  }
0x231: {  	v49 =	vld.idx.msk [tilespmem:v26+s29+$0x0], $0xffff  }
0x232: {  	v35 =	vadd.f32 v47, v35  }
0x233: {  	v50 =	vld.idx.msk [tilespmem:v27+s29+$0x0], $0xffff  }
0x234: {  	v35 =	vadd.f32 v48, v35  }
0x235: {  	v51 =	vld.idx.msk [tilespmem:v28+s29+$0x0], $0xffff  }
0x236: {  	v35 =	vadd.f32 v49, v35  }
0x237: {  	v52 =	vld.idx.msk [tilespmem:v29+s29+$0x0], $0xffff  }
0x238: {  	v35 =	vadd.f32 v50, v35  }
0x239: {  	v53 =	vld.idx.msk [tilespmem:v30+s29+$0x0], $0xffff  }
0x23a: {  	v35 =	vadd.f32 v51, v35  }
0x23b: {  	v54 =	vld.idx.msk [tilespmem:v31+s29+$0x0], $0xffff  }
0x23c: {  	v35 =	vadd.f32 v52, v35  }
0x23d: {  	v55 =	vld.idx.msk [tilespmem:v32+s29+$0x0], $0xffff  }
0x23e: {  	v35 =	vadd.f32 v53, v35  }
0x23f: {  	v56 =	vld.idx.msk [tilespmem:v33+s29+$0x0], $0xffff  }
0x240: {  	v35 =	vadd.f32 v54, v35  }
0x241: {  	v57 =	vld.idx.msk [tilespmem:v34+s29+$0x0], $0xffff  }
0x242: {  	v35 =	vadd.f32 v55, v35;
	_ =	sdelay $0x1  }
0x243: {  	v35 =	vadd.f32 v56, v35;
	_ =	sdelay $0x1  }
0x244: {  	v35 =	vadd.f32 v57, v35;
	_ =	sdelay $0x1  }
0x245: {  	[tilespmem:s15+$0x19500] =	vst v35  }
0x246: {  	v35 =	vld.idx.msk [tilespmem:v19+s23+$0x0], $0xffff  }
0x247: {  	v58 =	vld.idx.msk [tilespmem:v20+s23+$0x0], $0xffff;
	_ =	sdelay $0x1  }
0x248: {  	v59 =	vld.idx.msk [tilespmem:v21+s23+$0x0], $0xffff;
	_ =	sdelay $0x1  }
0x249: {  	v60 =	vld.idx.msk [tilespmem:v22+s23+$0x0], $0xffff  }
0x24a: {  	v35 =	vadd.f32 v58, v35  }
0x24b: {  	v61 =	vld.idx.msk [tilespmem:v23+s23+$0x0], $0xffff  }
0x24c: {  	v35 =	vadd.f32 v59, v35  }
0x24d: {  	v62 =	vld.idx.msk [tilespmem:v24+s23+$0x0], $0xffff  }
0x24e: {  	v35 =	vadd.f32 v60, v35  }
0x24f: {  	v63 =	vld.idx.msk [tilespmem:v25+s23+$0x0], $0xffff  }
0x250: {  	v35 =	vadd.f32 v61, v35  }
0x251: {  	v40 =	vld.idx.msk [tilespmem:v26+s23+$0x0], $0xffff  }
0x252: {  	v35 =	vadd.f32 v62, v35  }
0x253: {  	v41 =	vld.idx.msk [tilespmem:v27+s23+$0x0], $0xffff  }
0x254: {  	v35 =	vadd.f32 v63, v35  }
0x255: {  	v42 =	vld.idx.msk [tilespmem:v28+s23+$0x0], $0xffff  }
0x256: {  	v35 =	vadd.f32 v40, v35  }
0x257: {  	v43 =	vld.idx.msk [tilespmem:v29+s23+$0x0], $0xffff  }
0x258: {  	v35 =	vadd.f32 v41, v35  }
0x259: {  	v44 =	vld.idx.msk [tilespmem:v30+s23+$0x0], $0xffff  }
0x25a: {  	v35 =	vadd.f32 v42, v35  }
0x25b: {  	v45 =	vld.idx.msk [tilespmem:v31+s23+$0x0], $0xffff  }
0x25c: {  	v35 =	vadd.f32 v43, v35  }
0x25d: {  	v46 =	vld.idx.msk [tilespmem:v32+s23+$0x0], $0xffff  }
0x25e: {  	v35 =	vadd.f32 v44, v35  }
0x25f: {  	v47 =	vld.idx.msk [tilespmem:v33+s23+$0x0], $0xffff  }
0x260: {  	v35 =	vadd.f32 v45, v35  }
0x261: {  	v48 =	vld.idx.msk [tilespmem:v34+s23+$0x0], $0xffff  }
0x262: {  	v35 =	vadd.f32 v46, v35;
	_ =	sdelay $0x1  }
0x263: {  	v35 =	vadd.f32 v47, v35;
	_ =	sdelay $0x1  }
0x264: {  	v35 =	vadd.f32 v48, v35;
	_ =	sdelay $0x1  }
0x265: {  	[tilespmem:s15+$0x19600] =	vst v35  }
0x266: {  	v35 =	vld.idx.msk [tilespmem:v19+s26+$0x0], $0xffff  }
0x267: {  	v49 =	vld.idx.msk [tilespmem:v20+s26+$0x0], $0xffff;
	_ =	sdelay $0x1  }
0x268: {  	v50 =	vld.idx.msk [tilespmem:v21+s26+$0x0], $0xffff;
	_ =	sdelay $0x1  }
0x269: {  	v51 =	vld.idx.msk [tilespmem:v22+s26+$0x0], $0xffff  }
0x26a: {  	v35 =	vadd.f32 v49, v35  }
0x26b: {  	v52 =	vld.idx.msk [tilespmem:v23+s26+$0x0], $0xffff  }
0x26c: {  	v35 =	vadd.f32 v50, v35  }
0x26d: {  	v53 =	vld.idx.msk [tilespmem:v24+s26+$0x0], $0xffff  }
0x26e: {  	v35 =	vadd.f32 v51, v35  }
0x26f: {  	v54 =	vld.idx.msk [tilespmem:v25+s26+$0x0], $0xffff  }
0x270: {  	v35 =	vadd.f32 v52, v35  }
0x271: {  	v55 =	vld.idx.msk [tilespmem:v26+s26+$0x0], $0xffff  }
0x272: {  	v35 =	vadd.f32 v53, v35  }
0x273: {  	v56 =	vld.idx.msk [tilespmem:v27+s26+$0x0], $0xffff  }
0x274: {  	v35 =	vadd.f32 v54, v35  }
0x275: {  	v57 =	vld.idx.msk [tilespmem:v28+s26+$0x0], $0xffff  }
0x276: {  	v35 =	vadd.f32 v55, v35  }
0x277: {  	v58 =	vld.idx.msk [tilespmem:v29+s26+$0x0], $0xffff  }
0x278: {  	v35 =	vadd.f32 v56, v35  }
0x279: {  	v59 =	vld.idx.msk [tilespmem:v30+s26+$0x0], $0xffff  }
0x27a: {  	v35 =	vadd.f32 v57, v35  }
0x27b: {  	v60 =	vld.idx.msk [tilespmem:v31+s26+$0x0], $0xffff  }
0x27c: {  	v35 =	vadd.f32 v58, v35  }
0x27d: {  	v61 =	vld.idx.msk [tilespmem:v32+s26+$0x0], $0xffff  }
0x27e: {  	v35 =	vadd.f32 v59, v35  }
0x27f: {  	v62 =	vld.idx.msk [tilespmem:v33+s26+$0x0], $0xffff  }
0x280: {  	v35 =	vadd.f32 v60, v35  }
0x281: {  	v63 =	vld.idx.msk [tilespmem:v34+s26+$0x0], $0xffff  }
0x282: {  	v35 =	vadd.f32 v61, v35;
	_ =	sdelay $0x1  }
0x283: {  	v35 =	vadd.f32 v62, v35;
	_ =	sdelay $0x1  }
0x284: {  	v35 =	vadd.f32 v63, v35;
	_ =	sdelay $0x1  }
0x285: {  	[tilespmem:s15+$0x19700] =	vst v35  }
0x286: {  	v19 =	vld.idx.msk [tilespmem:v19+s30+$0x0], $0xffff  }
0x287: {  	v20 =	vld.idx.msk [tilespmem:v20+s30+$0x0], $0xffff;
	_ =	sdelay $0x1  }
0x288: {  	v21 =	vld.idx.msk [tilespmem:v21+s30+$0x0], $0xffff;
	_ =	sdelay $0x1  }
0x289: {  	v22 =	vld.idx.msk [tilespmem:v22+s30+$0x0], $0xffff  }
0x28a: {  	v19 =	vadd.f32 v20, v19  }
0x28b: {  	v20 =	vld.idx.msk [tilespmem:v23+s30+$0x0], $0xffff  }
0x28c: {  	v19 =	vadd.f32 v21, v19  }
0x28d: {  	v21 =	vld.idx.msk [tilespmem:v24+s30+$0x0], $0xffff  }
0x28e: {  	v19 =	vadd.f32 v22, v19  }
0x28f: {  	v22 =	vld.idx.msk [tilespmem:v25+s30+$0x0], $0xffff  }
0x290: {  	v19 =	vadd.f32 v20, v19  }
0x291: {  	v20 =	vld.idx.msk [tilespmem:v26+s30+$0x0], $0xffff  }
0x292: {  	v19 =	vadd.f32 v21, v19  }
0x293: {  	v21 =	vld.idx.msk [tilespmem:v27+s30+$0x0], $0xffff  }
0x294: {  	v19 =	vadd.f32 v22, v19  }
0x295: {  	v22 =	vld.idx.msk [tilespmem:v28+s30+$0x0], $0xffff  }
0x296: {  	v19 =	vadd.f32 v20, v19  }
0x297: {  	v24 =	vld.idx.msk [tilespmem:v29+s30+$0x0], $0xffff  }
0x298: {  	v23 =	vld.idx.msk [tilespmem:v30+s30+$0x0], $0xffff;
	v21 =	vadd.f32 v21, v19  }
0x299: {  	v20 =	vld.idx.msk [tilespmem:v32+s30+$0x0], $0xffff  }
0x29a: {  	v19 =	vld.idx.msk [tilespmem:v31+s30+$0x0], $0xffff;
	v25 =	vadd.f32 v22, v21  }
0x29b: {  	v21 =	vld.idx.msk [tilespmem:v33+s30+$0x0], $0xffff  }
0x29c: {  	s16 =	simm.s32 $0x100;
	v22 =	vld.idx.msk [tilespmem:v34+s30+$0x0], $0xffff;
	v24 =	vadd.f32 v24, v25  }
.LBB2_6:
0x29d: {  	_ = 	snop  }
0x29e: {  	p0 =	sne.s32 s16, $0xF00;
	s13 =	sadd.s32 $0x10, s13;
	s14 =	sadd.s32 $0x10, s14;
	v23 =	vadd.f32 v23, v24  }
0x29f: {  	s17 =	smov.u32 s16;
	s16 =	sadd.s32 $0x100, s16  }
0x2a0: {  	v19 =	vadd.f32 v19, v23;
	_ =	sdelay $0x1  }
0x2a1: {  	v23 =	vadd.f32 v20, v19  }
0x2a2: {  	v20 =	vor.u32 s17, v3;
	v19 =	vor.u32 s17, v4  }
0x2a3: {  	v23 =	vadd.f32 v21, v23;
	_ =	sdelay $0x1  }
0x2a4: {  	v21 =	vor.u32 s17, v5;
	v23 =	vadd.f32 v22, v23;
	_ =	sdelay $0x1  }
0x2a5: {  	v22 =	vor.u32 s17, v6;
	[tilespmem:s15+$0x19800] =	vst v23  }
0x2a6: {  	v26 =	vld.idx.msk [tilespmem:v20+s21+$0x0], $0xffff  }
0x2a7: {  	v27 =	vld.idx.msk [tilespmem:v19+s21+$0x0], $0xffff  }
0x2a8: {  	v23 =	vor.u32 s17, v7;
	v28 =	vld.idx.msk [tilespmem:v21+s21+$0x0], $0xffff;
	_ =	sdelay $0x1  }
0x2a9: {  	v24 =	vor.u32 s17, v8;
	v29 =	vld.idx.msk [tilespmem:v22+s21+$0x0], $0xffff;
	_ =	sdelay $0x1  }
0x2aa: {  	v25 =	vor.u32 s17, v9  }
0x2ab: {  	v27 =	vadd.f32 v27, v26;
	v30 =	vld.idx.msk [tilespmem:v23+s21+$0x0], $0xffff  }
0x2ac: {  	v26 =	vor.u32 s17, v10  }
0x2ad: {  	v28 =	vadd.f32 v28, v27;
	v31 =	vld.idx.msk [tilespmem:v24+s21+$0x0], $0xffff  }
0x2ae: {  	v27 =	vor.u32 s17, v11  }
0x2af: {  	v29 =	vadd.f32 v29, v28;
	v32 =	vld.idx.msk [tilespmem:v25+s21+$0x0], $0xffff  }
0x2b0: {  	v28 =	vor.u32 s17, v12  }
0x2b1: {  	v30 =	vadd.f32 v30, v29;
	v33 =	vld.idx.msk [tilespmem:v26+s21+$0x0], $0xffff  }
0x2b2: {  	v29 =	vor.u32 s17, v13  }
0x2b3: {  	v31 =	vadd.f32 v31, v30;
	v34 =	vld.idx.msk [tilespmem:v27+s21+$0x0], $0xffff  }
0x2b4: {  	v30 =	vor.u32 s17, v14  }
0x2b5: {  	v32 =	vadd.f32 v32, v31;
	v35 =	vld.idx.msk [tilespmem:v28+s21+$0x0], $0xffff  }
0x2b6: {  	v31 =	vor.u32 s17, v15  }
0x2b7: {  	v33 =	vadd.f32 v33, v32;
	v36 =	vld.idx.msk [tilespmem:v29+s21+$0x0], $0xffff  }
0x2b8: {  	v32 =	vor.u32 s17, v16  }
0x2b9: {  	v34 =	vadd.f32 v34, v33;
	v37 =	vld.idx.msk [tilespmem:v30+s21+$0x0], $0xffff  }
0x2ba: {  	v33 =	vor.u32 s17, v17  }
0x2bb: {  	v35 =	vadd.f32 v35, v34;
	v38 =	vld.idx.msk [tilespmem:v31+s21+$0x0], $0xffff  }
0x2bc: {  	v34 =	vor.u32 s17, v18  }
0x2bd: {  	v35 =	vadd.f32 v36, v35;
	v36 =	vld.idx.msk [tilespmem:v32+s21+$0x0], $0xffff;
	_ =	sdelay $0x1  }
0x2be: {  	v35 =	vadd.f32 v37, v35;
	v37 =	vld.idx.msk [tilespmem:v33+s21+$0x0], $0xffff;
	_ =	sdelay $0x1  }
0x2bf: {  	v35 =	vadd.f32 v38, v35;
	v38 =	vld.idx.msk [tilespmem:v34+s21+$0x0], $0xffff;
	_ =	sdelay $0x1  }
0x2c0: {  	v35 =	vadd.f32 v36, v35;
	_ =	sdelay $0x1  }
0x2c1: {  	v35 =	vadd.f32 v37, v35;
	_ =	sdelay $0x1  }
0x2c2: {  	v35 =	vadd.f32 v38, v35;
	_ =	sdelay $0x1  }
0x2c3: {  	[tilespmem:s14+$0x0] =	vst v35  }
0x2c4: {  	v35 =	vld.idx.msk [tilespmem:v20+s24+$0x0], $0xffff  }
0x2c5: {  	v36 =	vld.idx.msk [tilespmem:v19+s24+$0x0], $0xffff;
	_ =	sdelay $0x1  }
0x2c6: {  	v37 =	vld.idx.msk [tilespmem:v21+s24+$0x0], $0xffff;
	_ =	sdelay $0x1  }
0x2c7: {  	v38 =	vld.idx.msk [tilespmem:v22+s24+$0x0], $0xffff;
	_ =	sdelay $0x1  }
0x2c8: {  	v35 =	vadd.f32 v36, v35;
	v36 =	vld.idx.msk [tilespmem:v23+s24+$0x0], $0xffff;
	_ =	sdelay $0x1  }
0x2c9: {  	v35 =	vadd.f32 v37, v35;
	v37 =	vld.idx.msk [tilespmem:v24+s24+$0x0], $0xffff;
	_ =	sdelay $0x1  }
0x2ca: {  	v35 =	vadd.f32 v38, v35;
	v38 =	vld.idx.msk [tilespmem:v25+s24+$0x0], $0xffff;
	_ =	sdelay $0x1  }
0x2cb: {  	v35 =	vadd.f32 v36, v35;
	v36 =	vld.idx.msk [tilespmem:v26+s24+$0x0], $0xffff;
	_ =	sdelay $0x1  }
0x2cc: {  	v35 =	vadd.f32 v37, v35;
	v37 =	vld.idx.msk [tilespmem:v27+s24+$0x0], $0xffff;
	_ =	sdelay $0x1  }
0x2cd: {  	v35 =	vadd.f32 v38, v35;
	v38 =	vld.idx.msk [tilespmem:v28+s24+$0x0], $0xffff;
	_ =	sdelay $0x1  }
0x2ce: {  	v35 =	vadd.f32 v36, v35;
	v36 =	vld.idx.msk [tilespmem:v29+s24+$0x0], $0xffff;
	_ =	sdelay $0x1  }
0x2cf: {  	v35 =	vadd.f32 v37, v35;
	v37 =	vld.idx.msk [tilespmem:v30+s24+$0x0], $0xffff;
	_ =	sdelay $0x1  }
0x2d0: {  	v35 =	vadd.f32 v38, v35;
	v38 =	vld.idx.msk [tilespmem:v31+s24+$0x0], $0xffff;
	_ =	sdelay $0x1  }
0x2d1: {  	v35 =	vadd.f32 v36, v35;
	v36 =	vld.idx.msk [tilespmem:v32+s24+$0x0], $0xffff;
	_ =	sdelay $0x1  }
0x2d2: {  	v35 =	vadd.f32 v37, v35;
	v37 =	vld.idx.msk [tilespmem:v33+s24+$0x0], $0xffff;
	_ =	sdelay $0x1  }
0x2d3: {  	v35 =	vadd.f32 v38, v35;
	v38 =	vld.idx.msk [tilespmem:v34+s24+$0x0], $0xffff;
	_ =	sdelay $0x1  }
0x2d4: {  	v35 =	vadd.f32 v36, v35;
	_ =	sdelay $0x1  }
0x2d5: {  	v35 =	vadd.f32 v37, v35;
	_ =	sdelay $0x1  }
0x2d6: {  	v35 =	vadd.f32 v38, v35  }
0x2d7: {  	s15 =	sand.u32 $0xF0, s13  }
0x2d8: {  	[tilespmem:s15+$0x19100] =	vst v35  }
0x2d9: {  	v35 =	vld.idx.msk [tilespmem:v20+s28+$0x0], $0xffff  }
0x2da: {  	v36 =	vld.idx.msk [tilespmem:v19+s28+$0x0], $0xffff;
	_ =	sdelay $0x1  }
0x2db: {  	v37 =	vld.idx.msk [tilespmem:v21+s28+$0x0], $0xffff;
	_ =	sdelay $0x1  }
0x2dc: {  	v38 =	vld.idx.msk [tilespmem:v22+s28+$0x0], $0xffff;
	_ =	sdelay $0x1  }
0x2dd: {  	v35 =	vadd.f32 v36, v35;
	v36 =	vld.idx.msk [tilespmem:v23+s28+$0x0], $0xffff;
	_ =	sdelay $0x1  }
0x2de: {  	v35 =	vadd.f32 v37, v35;
	v37 =	vld.idx.msk [tilespmem:v24+s28+$0x0], $0xffff;
	_ =	sdelay $0x1  }
0x2df: {  	v35 =	vadd.f32 v38, v35;
	v38 =	vld.idx.msk [tilespmem:v25+s28+$0x0], $0xffff;
	_ =	sdelay $0x1  }
0x2e0: {  	v35 =	vadd.f32 v36, v35;
	v36 =	vld.idx.msk [tilespmem:v26+s28+$0x0], $0xffff;
	_ =	sdelay $0x1  }
0x2e1: {  	v35 =	vadd.f32 v37, v35;
	v37 =	vld.idx.msk [tilespmem:v27+s28+$0x0], $0xffff;
	_ =	sdelay $0x1  }
0x2e2: {  	v35 =	vadd.f32 v38, v35;
	v38 =	vld.idx.msk [tilespmem:v28+s28+$0x0], $0xffff;
	_ =	sdelay $0x1  }
0x2e3: {  	v35 =	vadd.f32 v36, v35;
	v36 =	vld.idx.msk [tilespmem:v29+s28+$0x0], $0xffff;
	_ =	sdelay $0x1  }
0x2e4: {  	v35 =	vadd.f32 v37, v35;
	v37 =	vld.idx.msk [tilespmem:v30+s28+$0x0], $0xffff;
	_ =	sdelay $0x1  }
0x2e5: {  	v35 =	vadd.f32 v38, v35;
	v38 =	vld.idx.msk [tilespmem:v31+s28+$0x0], $0xffff;
	_ =	sdelay $0x1  }
0x2e6: {  	v35 =	vadd.f32 v36, v35;
	v36 =	vld.idx.msk [tilespmem:v32+s28+$0x0], $0xffff;
	_ =	sdelay $0x1  }
0x2e7: {  	v35 =	vadd.f32 v37, v35;
	v37 =	vld.idx.msk [tilespmem:v33+s28+$0x0], $0xffff;
	_ =	sdelay $0x1  }
0x2e8: {  	v35 =	vadd.f32 v38, v35;
	v38 =	vld.idx.msk [tilespmem:v34+s28+$0x0], $0xffff;
	_ =	sdelay $0x1  }
0x2e9: {  	v35 =	vadd.f32 v36, v35;
	_ =	sdelay $0x1  }
0x2ea: {  	v35 =	vadd.f32 v37, v35;
	_ =	sdelay $0x1  }
0x2eb: {  	v35 =	vadd.f32 v38, v35;
	_ =	sdelay $0x1  }
0x2ec: {  	[tilespmem:s15+$0x19200] =	vst v35  }
0x2ed: {  	v35 =	vld.idx.msk [tilespmem:v20+s22+$0x0], $0xffff  }
0x2ee: {  	v36 =	vld.idx.msk [tilespmem:v19+s22+$0x0], $0xffff  }
0x2ef: {  	v37 =	vld.idx.msk [tilespmem:v21+s22+$0x0], $0xffff;
	_ =	sdelay $0x2  }
0x2f0: {  	v38 =	vld.idx.msk [tilespmem:v22+s22+$0x0], $0xffff;
	_ =	sdelay $0x1  }
0x2f1: {  	v35 =	vadd.f32 v36, v35;
	v36 =	vld.idx.msk [tilespmem:v23+s22+$0x0], $0xffff;
	_ =	sdelay $0x1  }
0x2f2: {  	v35 =	vadd.f32 v37, v35;
	v37 =	vld.idx.msk [tilespmem:v24+s22+$0x0], $0xffff;
	_ =	sdelay $0x1  }
0x2f3: {  	v35 =	vadd.f32 v38, v35;
	v38 =	vld.idx.msk [tilespmem:v25+s22+$0x0], $0xffff;
	_ =	sdelay $0x1  }
0x2f4: {  	v35 =	vadd.f32 v36, v35;
	v36 =	vld.idx.msk [tilespmem:v26+s22+$0x0], $0xffff;
	_ =	sdelay $0x1  }
0x2f5: {  	v35 =	vadd.f32 v37, v35;
	v37 =	vld.idx.msk [tilespmem:v27+s22+$0x0], $0xffff;
	_ =	sdelay $0x1  }
0x2f6: {  	v35 =	vadd.f32 v38, v35;
	v38 =	vld.idx.msk [tilespmem:v28+s22+$0x0], $0xffff;
	_ =	sdelay $0x1  }
0x2f7: {  	v35 =	vadd.f32 v36, v35;
	v36 =	vld.idx.msk [tilespmem:v29+s22+$0x0], $0xffff;
	_ =	sdelay $0x1  }
0x2f8: {  	v35 =	vadd.f32 v37, v35;
	v37 =	vld.idx.msk [tilespmem:v30+s22+$0x0], $0xffff;
	_ =	sdelay $0x1  }
0x2f9: {  	v35 =	vadd.f32 v38, v35;
	v38 =	vld.idx.msk [tilespmem:v31+s22+$0x0], $0xffff;
	_ =	sdelay $0x1  }
0x2fa: {  	v35 =	vadd.f32 v36, v35;
	v36 =	vld.idx.msk [tilespmem:v32+s22+$0x0], $0xffff;
	_ =	sdelay $0x1  }
0x2fb: {  	v35 =	vadd.f32 v37, v35;
	v37 =	vld.idx.msk [tilespmem:v33+s22+$0x0], $0xffff;
	_ =	sdelay $0x1  }
0x2fc: {  	v35 =	vadd.f32 v38, v35;
	v38 =	vld.idx.msk [tilespmem:v34+s22+$0x0], $0xffff;
	_ =	sdelay $0x1  }
0x2fd: {  	v35 =	vadd.f32 v36, v35;
	_ =	sdelay $0x1  }
0x2fe: {  	v35 =	vadd.f32 v37, v35;
	_ =	sdelay $0x1  }
0x2ff: {  	v35 =	vadd.f32 v38, v35;
	_ =	sdelay $0x1  }
0x300: {  	[tilespmem:s15+$0x19300] =	vst v35  }
0x301: {  	v35 =	vld.idx.msk [tilespmem:v20+s25+$0x0], $0xffff  }
0x302: {  	v36 =	vld.idx.msk [tilespmem:v19+s25+$0x0], $0xffff  }
0x303: {  	v37 =	vld.idx.msk [tilespmem:v21+s25+$0x0], $0xffff;
	_ =	sdelay $0x2  }
0x304: {  	v38 =	vld.idx.msk [tilespmem:v22+s25+$0x0], $0xffff;
	_ =	sdelay $0x1  }
0x305: {  	v35 =	vadd.f32 v36, v35;
	v36 =	vld.idx.msk [tilespmem:v23+s25+$0x0], $0xffff;
	_ =	sdelay $0x1  }
0x306: {  	v35 =	vadd.f32 v37, v35;
	v37 =	vld.idx.msk [tilespmem:v24+s25+$0x0], $0xffff;
	_ =	sdelay $0x1  }
0x307: {  	v35 =	vadd.f32 v38, v35;
	v38 =	vld.idx.msk [tilespmem:v25+s25+$0x0], $0xffff;
	_ =	sdelay $0x1  }
0x308: {  	v35 =	vadd.f32 v36, v35;
	v36 =	vld.idx.msk [tilespmem:v26+s25+$0x0], $0xffff;
	_ =	sdelay $0x1  }
0x309: {  	v35 =	vadd.f32 v37, v35;
	v37 =	vld.idx.msk [tilespmem:v27+s25+$0x0], $0xffff;
	_ =	sdelay $0x1  }
0x30a: {  	v35 =	vadd.f32 v38, v35;
	v38 =	vld.idx.msk [tilespmem:v28+s25+$0x0], $0xffff;
	_ =	sdelay $0x1  }
0x30b: {  	v35 =	vadd.f32 v36, v35;
	v36 =	vld.idx.msk [tilespmem:v29+s25+$0x0], $0xffff;
	_ =	sdelay $0x1  }
0x30c: {  	v35 =	vadd.f32 v37, v35;
	v37 =	vld.idx.msk [tilespmem:v30+s25+$0x0], $0xffff;
	_ =	sdelay $0x1  }
0x30d: {  	v35 =	vadd.f32 v38, v35;
	v38 =	vld.idx.msk [tilespmem:v31+s25+$0x0], $0xffff;
	_ =	sdelay $0x1  }
0x30e: {  	v35 =	vadd.f32 v36, v35;
	v36 =	vld.idx.msk [tilespmem:v32+s25+$0x0], $0xffff;
	_ =	sdelay $0x1  }
0x30f: {  	v35 =	vadd.f32 v37, v35;
	v37 =	vld.idx.msk [tilespmem:v33+s25+$0x0], $0xffff;
	_ =	sdelay $0x1  }
0x310: {  	v35 =	vadd.f32 v38, v35;
	v38 =	vld.idx.msk [tilespmem:v34+s25+$0x0], $0xffff;
	_ =	sdelay $0x1  }
0x311: {  	v35 =	vadd.f32 v36, v35;
	_ =	sdelay $0x1  }
0x312: {  	v35 =	vadd.f32 v37, v35;
	_ =	sdelay $0x1  }
0x313: {  	v35 =	vadd.f32 v38, v35;
	_ =	sdelay $0x1  }
0x314: {  	[tilespmem:s15+$0x19400] =	vst v35  }
0x315: {  	v35 =	vld.idx.msk [tilespmem:v20+s29+$0x0], $0xffff  }
0x316: {  	v36 =	vld.idx.msk [tilespmem:v19+s29+$0x0], $0xffff  }
0x317: {  	v37 =	vld.idx.msk [tilespmem:v21+s29+$0x0], $0xffff;
	_ =	sdelay $0x2  }
0x318: {  	v38 =	vld.idx.msk [tilespmem:v22+s29+$0x0], $0xffff;
	_ =	sdelay $0x1  }
0x319: {  	v35 =	vadd.f32 v36, v35;
	v36 =	vld.idx.msk [tilespmem:v23+s29+$0x0], $0xffff;
	_ =	sdelay $0x1  }
0x31a: {  	v35 =	vadd.f32 v37, v35;
	v37 =	vld.idx.msk [tilespmem:v24+s29+$0x0], $0xffff;
	_ =	sdelay $0x1  }
0x31b: {  	v35 =	vadd.f32 v38, v35;
	v38 =	vld.idx.msk [tilespmem:v25+s29+$0x0], $0xffff;
	_ =	sdelay $0x1  }
0x31c: {  	v35 =	vadd.f32 v36, v35;
	v36 =	vld.idx.msk [tilespmem:v26+s29+$0x0], $0xffff;
	_ =	sdelay $0x1  }
0x31d: {  	v35 =	vadd.f32 v37, v35;
	v37 =	vld.idx.msk [tilespmem:v27+s29+$0x0], $0xffff;
	_ =	sdelay $0x1  }
0x31e: {  	v35 =	vadd.f32 v38, v35;
	v38 =	vld.idx.msk [tilespmem:v28+s29+$0x0], $0xffff;
	_ =	sdelay $0x1  }
0x31f: {  	v35 =	vadd.f32 v36, v35;
	v36 =	vld.idx.msk [tilespmem:v29+s29+$0x0], $0xffff;
	_ =	sdelay $0x1  }
0x320: {  	v35 =	vadd.f32 v37, v35;
	v37 =	vld.idx.msk [tilespmem:v30+s29+$0x0], $0xffff;
	_ =	sdelay $0x1  }
0x321: {  	v35 =	vadd.f32 v38, v35;
	v38 =	vld.idx.msk [tilespmem:v31+s29+$0x0], $0xffff;
	_ =	sdelay $0x1  }
0x322: {  	v35 =	vadd.f32 v36, v35;
	v36 =	vld.idx.msk [tilespmem:v32+s29+$0x0], $0xffff;
	_ =	sdelay $0x1  }
0x323: {  	v35 =	vadd.f32 v37, v35;
	v37 =	vld.idx.msk [tilespmem:v33+s29+$0x0], $0xffff;
	_ =	sdelay $0x1  }
0x324: {  	v35 =	vadd.f32 v38, v35;
	v38 =	vld.idx.msk [tilespmem:v34+s29+$0x0], $0xffff;
	_ =	sdelay $0x1  }
0x325: {  	v35 =	vadd.f32 v36, v35;
	_ =	sdelay $0x1  }
0x326: {  	v35 =	vadd.f32 v37, v35;
	_ =	sdelay $0x1  }
0x327: {  	v35 =	vadd.f32 v38, v35;
	_ =	sdelay $0x1  }
0x328: {  	[tilespmem:s15+$0x19500] =	vst v35  }
0x329: {  	v35 =	vld.idx.msk [tilespmem:v20+s23+$0x0], $0xffff  }
0x32a: {  	v36 =	vld.idx.msk [tilespmem:v19+s23+$0x0], $0xffff  }
0x32b: {  	v37 =	vld.idx.msk [tilespmem:v21+s23+$0x0], $0xffff  }
0x32c: {  	v38 =	vld.idx.msk [tilespmem:v22+s23+$0x0], $0xffff  }
0x32d: {  	v39 =	vld.idx.msk [tilespmem:v23+s23+$0x0], $0xffff  }
0x32e: {  	v40 =	vld.idx.msk [tilespmem:v24+s23+$0x0], $0xffff  }
0x32f: {  	v41 =	vld.idx.msk [tilespmem:v25+s23+$0x0], $0xffff  }
0x330: {  	v35 =	vadd.f32 v36, v35;
	v36 =	vld.idx.msk [tilespmem:v26+s23+$0x0], $0xffff  }
0x331: {  	v42 =	vld.idx.msk [tilespmem:v27+s23+$0x0], $0xffff  }
0x332: {  	v35 =	vadd.f32 v37, v35;
	v37 =	vld.idx.msk [tilespmem:v28+s23+$0x0], $0xffff  }
0x333: {  	v43 =	vld.idx.msk [tilespmem:v29+s23+$0x0], $0xffff  }
0x334: {  	v35 =	vadd.f32 v38, v35;
	v38 =	vld.idx.msk [tilespmem:v30+s23+$0x0], $0xffff  }
0x335: {  	v44 =	vld.idx.msk [tilespmem:v31+s23+$0x0], $0xffff  }
0x336: {  	v35 =	vadd.f32 v39, v35;
	v39 =	vld.idx.msk [tilespmem:v32+s23+$0x0], $0xffff  }
0x337: {  	v45 =	vld.idx.msk [tilespmem:v33+s23+$0x0], $0xffff  }
0x338: {  	v35 =	vadd.f32 v40, v35;
	v40 =	vld.idx.msk [tilespmem:v34+s23+$0x0], $0xffff;
	_ =	sdelay $0x1  }
0x339: {  	v35 =	vadd.f32 v41, v35;
	_ =	sdelay $0x1  }
0x33a: {  	v35 =	vadd.f32 v36, v35;
	_ =	sdelay $0x1  }
0x33b: {  	v35 =	vadd.f32 v42, v35;
	_ =	sdelay $0x1  }
0x33c: {  	v35 =	vadd.f32 v37, v35;
	_ =	sdelay $0x1  }
0x33d: {  	v35 =	vadd.f32 v43, v35;
	_ =	sdelay $0x1  }
0x33e: {  	v35 =	vadd.f32 v38, v35;
	_ =	sdelay $0x1  }
0x33f: {  	v35 =	vadd.f32 v44, v35;
	_ =	sdelay $0x1  }
0x340: {  	v35 =	vadd.f32 v39, v35;
	_ =	sdelay $0x1  }
0x341: {  	v35 =	vadd.f32 v45, v35;
	_ =	sdelay $0x1  }
0x342: {  	v35 =	vadd.f32 v40, v35;
	_ =	sdelay $0x1  }
0x343: {  	[tilespmem:s15+$0x19600] =	vst v35  }
0x344: {  	v35 =	vld.idx.msk [tilespmem:v20+s26+$0x0], $0xffff  }
0x345: {  	v36 =	vld.idx.msk [tilespmem:v19+s26+$0x0], $0xffff  }
0x346: {  	v37 =	vld.idx.msk [tilespmem:v21+s26+$0x0], $0xffff  }
0x347: {  	v38 =	vld.idx.msk [tilespmem:v22+s26+$0x0], $0xffff  }
0x348: {  	v39 =	vld.idx.msk [tilespmem:v23+s26+$0x0], $0xffff  }
0x349: {  	v40 =	vld.idx.msk [tilespmem:v24+s26+$0x0], $0xffff  }
0x34a: {  	v41 =	vld.idx.msk [tilespmem:v25+s26+$0x0], $0xffff  }
0x34b: {  	v35 =	vadd.f32 v36, v35;
	v36 =	vld.idx.msk [tilespmem:v26+s26+$0x0], $0xffff  }
0x34c: {  	v42 =	vld.idx.msk [tilespmem:v27+s26+$0x0], $0xffff  }
0x34d: {  	v35 =	vadd.f32 v37, v35;
	v37 =	vld.idx.msk [tilespmem:v28+s26+$0x0], $0xffff  }
0x34e: {  	v43 =	vld.idx.msk [tilespmem:v29+s26+$0x0], $0xffff  }
0x34f: {  	v35 =	vadd.f32 v38, v35;
	v38 =	vld.idx.msk [tilespmem:v30+s26+$0x0], $0xffff  }
0x350: {  	v44 =	vld.idx.msk [tilespmem:v31+s26+$0x0], $0xffff  }
0x351: {  	v35 =	vadd.f32 v39, v35;
	v39 =	vld.idx.msk [tilespmem:v32+s26+$0x0], $0xffff  }
0x352: {  	v45 =	vld.idx.msk [tilespmem:v33+s26+$0x0], $0xffff  }
0x353: {  	v35 =	vadd.f32 v40, v35;
	v40 =	vld.idx.msk [tilespmem:v34+s26+$0x0], $0xffff;
	_ =	sdelay $0x1  }
0x354: {  	v35 =	vadd.f32 v41, v35;
	_ =	sdelay $0x1  }
0x355: {  	v35 =	vadd.f32 v36, v35;
	_ =	sdelay $0x1  }
0x356: {  	v35 =	vadd.f32 v42, v35;
	_ =	sdelay $0x1  }
0x357: {  	v35 =	vadd.f32 v37, v35;
	_ =	sdelay $0x1  }
0x358: {  	v35 =	vadd.f32 v43, v35;
	_ =	sdelay $0x1  }
0x359: {  	v35 =	vadd.f32 v38, v35;
	_ =	sdelay $0x1  }
0x35a: {  	v35 =	vadd.f32 v44, v35;
	_ =	sdelay $0x1  }
0x35b: {  	v35 =	vadd.f32 v39, v35;
	_ =	sdelay $0x1  }
0x35c: {  	v35 =	vadd.f32 v45, v35;
	_ =	sdelay $0x1  }
0x35d: {  	v35 =	vadd.f32 v40, v35;
	_ =	sdelay $0x1  }
0x35e: {  	[tilespmem:s15+$0x19700] =	vst v35  }
0x35f: {  	v20 =	vld.idx.msk [tilespmem:v20+s30+$0x0], $0xffff  }
0x360: {  	v19 =	vld.idx.msk [tilespmem:v19+s30+$0x0], $0xffff  }
0x361: {  	v21 =	vld.idx.msk [tilespmem:v21+s30+$0x0], $0xffff  }
0x362: {  	v22 =	vld.idx.msk [tilespmem:v22+s30+$0x0], $0xffff  }
0x363: {  	v35 =	vld.idx.msk [tilespmem:v23+s30+$0x0], $0xffff  }
0x364: {  	v24 =	vld.idx.msk [tilespmem:v24+s30+$0x0], $0xffff  }
0x365: {  	v25 =	vld.idx.msk [tilespmem:v25+s30+$0x0], $0xffff  }
0x366: {  	v19 =	vadd.f32 v19, v20;
	v26 =	vld.idx.msk [tilespmem:v26+s30+$0x0], $0xffff  }
0x367: {  	v27 =	vld.idx.msk [tilespmem:v27+s30+$0x0], $0xffff  }
0x368: {  	v19 =	vadd.f32 v21, v19;
	v28 =	vld.idx.msk [tilespmem:v28+s30+$0x0], $0xffff  }
0x369: {  	v29 =	vld.idx.msk [tilespmem:v29+s30+$0x0], $0xffff  }
0x36a: {  	v20 =	vadd.f32 v22, v19;
	v23 =	vld.idx.msk [tilespmem:v30+s30+$0x0], $0xffff  }
0x36b: {  	v19 =	vld.idx.msk [tilespmem:v31+s30+$0x0], $0xffff  }
0x36c: {  	v22 =	vadd.f32 v35, v20;
	v20 =	vld.idx.msk [tilespmem:v32+s30+$0x0], $0xffff  }
0x36d: {  	v21 =	vld.idx.msk [tilespmem:v33+s30+$0x0], $0xffff  }
0x36e: {  	v24 =	vadd.f32 v24, v22;
	v22 =	vld.idx.msk [tilespmem:v34+s30+$0x0], $0xffff;
	_ =	sdelay $0x1  }
0x36f: {  	v24 =	vadd.f32 v25, v24;
	_ =	sdelay $0x1  }
0x370: {  	v24 =	vadd.f32 v26, v24;
	_ =	sdelay $0x1  }
.Ltmp2:
0x371: {  	v24 =	vadd.f32 v27, v24;
	(pc) =	sbr.rel @p0 .LBB2_6-.Ltmp2, $3  }
0x372: {  	_ = 	snop  }
0x373: {  	v24 =	vadd.f32 v28, v24;
	_ =	sdelay $0x1  }
0x374: {  	v24 =	vadd.f32 v29, v24  }
0x375: {  	_ = 	snop  }
0x376: {  	v23 =	vadd.f32 v23, v24;
	_ =	sdelay $0x1  }
0x377: {  	v19 =	vadd.f32 v19, v23;
	_ =	sdelay $0x1  }
0x378: {  	v19 =	vadd.f32 v20, v19;
	_ =	sdelay $0x1  }
0x379: {  	v19 =	vadd.f32 v21, v19;
	_ =	sdelay $0x1  }
0x37a: {  	s1 =	sadd.s32 $0x1, s1;
	v19 =	vadd.f32 v22, v19  }
0x37b: {  	p0 =	sne.s32 s1, s12  }
.Ltmp3:
0x37c: {  	[tilespmem:s15+$0x19800] =	vst v19;
	(pc) =	sbr.rel @p0 .LBB2_1-.Ltmp3, $4  }
0x37d: {  	[hbm4b:s11+s2] =	stream.linear.scatter [tilespmem:s31], [sflag:$0x2], $0x900, $0x38;
	[tilespmem:$0x19900] =	vst v63  }
0x37e: {  	_ =	swait.ge [sflag:s0], $0x900  }
0x37f: {  	[sflag:s0] =	ssyncset.done $0x0  }
0x380: {  	[sflag:s0] =	ssyncadd.s32 $0xFFFFF700  }
0x381: {  	_ =	sfence.sel $0x180000  }
0x382: {  	[bflag:$0x0] =	sbarrier.arrive $0xFFFF  }
0x383: {  	_ =	strace $0x90000047  }
0x384: {  	s0 =	stileid.u32;
	[bflag:$0x2] =	sbarrier.arrive $0xFFFF  }
0x385: {  	p0 =	sne.s32 s0, $0x0;
	s0 =	rddreg [dreg:$0x5]  }
0x386: {  	s0 =	sadd.s32 @!p0 $0x100000, s0  }
0x387: {  	[sflag:s0] =	ssyncadd.tile.s32 @!p0 $0x1;
	_ =	shalt  }
.Lfunc_end2:
_tile_overlayer_lowered:
.L_overlay_start_2:
0x388: {  	(tag) =	ssettag $0x2  }
0x389: {  	s0 =	rddreg [dreg:$0x0];
	s2 =	stileid.u32  }
0x38a: {  	s1 =	rddreg [dreg:$0x1];
	p0 =	sne.s32 s2, $0x0  }
0x38b: {  	s3 =	rddreg [dreg:$0x2];
	[bflag:$0x3] =	sbarrier.arrive $0xFFFF;
	s2 =	simm.s32 @!p0 $0x1C02  }
0x38c: {  	[timem:s3], [sflag:s2] =	dma.local @!p0 [hbm:s0], s1  }
0x38d: {  	s0 =	simm.s32 @!p0 $0x2  }
0x38e: {  	_ =	swait.ge @!p0 [sflag:s0], s1  }
0x38f: {  	s1 =	ssub.s32 @!p0 $0x0, s1;
	[sflag:s0] =	ssyncset.done @!p0 $0x0  }
0x390: {  	[sflag:s0] =	ssyncadd.s32 @!p0 s1  }
0x391: {  	[bflag:$0x3] =	sbarrier.arrive $0xFFFF  }
0x392: {  	_ =	shalt  }

</sc_bundles>
